<compile_context>
chip_gen: v7x
topology: tpu7x:2x2x1
jax: 0.10.2.dev20260603
libtpu: 0.0.44.dev20260713+nightly
codegen_flags: <defaults>
</compile_context>

<pallas_src>
import functools

import jax
import jax.numpy as jnp
from jax import lax
from jax.experimental import pallas as pl
from jax.experimental.pallas import tpu as pltpu
from jax.experimental.pallas import tpu_sc as plsc

N = 8192
KNN = 8
C = 128
MAX_R = 1.0


ROWS = 512
NBLK = N // ROWS


def _knn_body(pc_blk_ref, pcT_ref, idx_ref):
    pc_blk = pc_blk_ref[...]
    pcT = pcT_ref[...]
    dot = lax.dot_general(pc_blk, pcT, (((1,), (0,)), ((), ())),
                          preferred_element_type=jnp.float32)
    d2r = jnp.sum(pc_blk * pc_blk, axis=1, keepdims=True)
    d2c = jnp.sum(pcT * pcT, axis=0, keepdims=True)
    dist = (d2r + d2c) - 2.0 * dot

    iota_f = lax.broadcasted_iota(jnp.int32, (ROWS, N), 1).astype(jnp.float32)
    bigf = jnp.float32(1e9)
    idxs, mins = [], []
    for k in range(KNN):
        m = jnp.min(dist, axis=1, keepdims=True)
        matched = dist == m
        aminf = jnp.min(jnp.where(matched, iota_f, bigf), axis=1,
                        keepdims=True)
        idxs.append(aminf.astype(jnp.int32))
        mins.append(m)
        if k < KNN - 1:
            dist = jnp.where(matched, jnp.float32(jnp.inf), dist)
    idx = jnp.concatenate(idxs, axis=1)
    dk = jnp.concatenate(mins, axis=1)
    idx = jnp.where(dk > MAX_R, jnp.broadcast_to(idx[:, 0:1], (ROWS, KNN)),
                    idx)
    idx_ref[...] = idx


def _knn(pc_pad, pcT):
    return pl.pallas_call(
        _knn_body,
        grid=(NBLK,),
        in_specs=[
            pl.BlockSpec((ROWS, 8), lambda i: (i, 0)),
            pl.BlockSpec((8, N), lambda i: (0, 0)),
        ],
        out_specs=pl.BlockSpec((ROWS, KNN), lambda i: (i, 0)),
        out_shape=jax.ShapeDtypeStruct((N, KNN), jnp.int32),
    )(pc_pad, pcT)



NC, NS, LANES = 2, 16, 16
NW = NC * NS
PTS_W = N // NW
PAIRS_W = PTS_W * KNN
CHUNK_PTS = 16
CHUNK_PAIRS = CHUNK_PTS * KNN
NCHUNK = PTS_W // CHUNK_PTS

@functools.cache
def _build_sc_loss():
    mesh = plsc.VectorSubcoreMesh(core_axis_name="c", subcore_axis_name="s")
    return pl.kernel(
        _sc_loss_body,
        out_type=jax.ShapeDtypeStruct((N * KNN,), jnp.float32),
        mesh=mesh,
        compiler_params=pltpu.CompilerParams(needs_layout_passes=False),
        scratch_types=[
            pltpu.VMEM((PAIRS_W,), jnp.int32),
            pltpu.VMEM((PTS_W, C), jnp.float32),
            pltpu.VMEM((CHUNK_PAIRS, C), jnp.float32),
            pltpu.VMEM((CHUNK_PAIRS, C), jnp.float32),
            pltpu.VMEM((PAIRS_W,), jnp.float32),
            pltpu.VMEM((LANES, LANES), jnp.float32),
            pltpu.SemaphoreType.DMA,
            pltpu.SemaphoreType.DMA,
        ],
    )


def _sc_loss_body(mask_hbm, idx_hbm, out_hbm, idx_v, own_v, gat_v0, gat_v1,
                  res_v, tmp_v, sem0, sem1):
    wid = lax.axis_index("s") * NC + lax.axis_index("c")
    pbase = wid * PAIRS_W
    nbase = wid * PTS_W
    pltpu.sync_copy(idx_hbm.at[pl.ds(pbase, PAIRS_W)], idx_v)
    pltpu.sync_copy(mask_hbm.at[pl.ds(nbase, PTS_W)], own_v)

    lane_iota = lax.broadcasted_iota(jnp.int32, (LANES,), 0)
    ncv = C // LANES

    def _start(ci, buf, sem):
        idx_slice = idx_v.at[pl.ds(ci * CHUNK_PAIRS, CHUNK_PAIRS)]
        pltpu.async_copy(mask_hbm.at[idx_slice], buf, sem)

    def _wait(buf, sem):
        pltpu.make_async_copy(mask_hbm.at[pl.ds(0, CHUNK_PAIRS)], buf,
                              sem).wait()

    def _compute(ci, gat_v):
        def grp_body(g, _):
            p0 = ci * CHUNK_PTS + g * 2
            own = [own_v[p0 + (j // ncv), pl.ds((j % ncv) * LANES, LANES)]
                   for j in range(2 * ncv)]
            for j in range(LANES):
                row = g * LANES + j
                pt = j // KNN
                acc = jnp.abs(own[pt * ncv] -
                              gat_v[row, pl.ds(0, LANES)])
                for c8 in range(1, ncv):
                    b = gat_v[row, pl.ds(c8 * LANES, LANES)]
                    acc = acc + jnp.abs(own[pt * ncv + c8] - b)
                tmp_v[j, :] = acc
            out_vec = plsc.load_gather(
                tmp_v, [lane_iota, jnp.zeros((LANES,), jnp.int32)])
            for c in range(1, LANES):
                out_vec = out_vec + plsc.load_gather(
                    tmp_v, [lane_iota, jnp.full((LANES,), c, jnp.int32)])
            res_v[pl.ds(ci * CHUNK_PAIRS + g * LANES, LANES)] = out_vec
            return 0

        lax.fori_loop(0, CHUNK_PAIRS // LANES, grp_body, 0)

    _start(0, gat_v0, sem0)
    _start(1, gat_v1, sem1)

    def chunk_pair_body(cp, _):
        _wait(gat_v0, sem0)
        _compute(2 * cp, gat_v0)

        @pl.when(cp < NCHUNK // 2 - 1)
        def _():
            _start(2 * cp + 2, gat_v0, sem0)

        _wait(gat_v1, sem1)
        _compute(2 * cp + 1, gat_v1)

        @pl.when(cp < NCHUNK // 2 - 1)
        def _():
            _start(2 * cp + 3, gat_v1, sem1)

        return 0

    lax.fori_loop(0, NCHUNK // 2, chunk_pair_body, 0)
    pltpu.sync_copy(res_v, out_hbm.at[pl.ds(pbase, PAIRS_W)])



def _mean_body(x_ref, o_ref):
    o_ref[...] = jnp.sum(x_ref[...]).reshape(1, 1) * (1.0 / (N * KNN))


def _mean(per_pair):
    return pl.pallas_call(
        _mean_body,
        out_shape=jax.ShapeDtypeStruct((1, 1), jnp.float32),
    )(per_pair.reshape(N * KNN // C, C))



def kernel(mask, pc):
    maskf = mask[0]
    pcf = pc[0]
    pc_pad = jnp.pad(pcf, ((0, 0), (0, 5)))
    pcT = pc_pad.T
    nn_idx = _knn(pc_pad, pcT)
    per_pair = _build_sc_loss()(maskf, nn_idx.reshape(-1))
    per_point = per_pair.reshape(1, N, KNN)
    smooth = _mean(per_pair).reshape(())
    return (smooth, per_point)

# --- scband reference (transcript-rebuilt; emitter-appended) ---
"""Pipeline reference for scband-instance-smoothness-loss-48859547959507 (READ-ONLY COPY).

The authoritative reference and input builder live on the scoring server;
editing this copy changes nothing except your own understanding.
"""

import jax, jax.numpy as jnp
import numpy as np

K = 8
MAX_RADIUS = 1.0


def _knn_points(pc, k):
    # pc: [B, N, 3] -> squared-distance kNN (pytorch3d knn_points semantics)
    d2 = jnp.sum(pc * pc, axis=-1)  # [B, N]
    dists = d2[:, :, None] + d2[:, None, :] - 2.0 * jnp.einsum('bnd,bmd->bnm', pc, pc)
    neg_d, idx = jax.lax.top_k(-dists, k)
    return -neg_d, idx  # [B, N, K], [B, N, K]


def setup_inputs(seed: int = 0) -> dict:
    key = jax.random.key(seed)
    k1, k2 = jax.random.split(key)
    mask = jax.random.normal(k1, (1, 8192, 128), dtype=jnp.float32)
    pc = jax.random.normal(k2, (1, 8192, 3), dtype=jnp.float32)
    return {"mask": mask, "pc": pc}


def reference(mask, pc):
    # __init__ portion: kNN graph over the point cloud (constant buffer in torch)
    dist, nn_ind = _knn_points(pc, K)
    tmp_idx = jnp.repeat(nn_ind[:, :, 0:1], K, axis=2)
    nn_ind = jnp.where(dist > MAX_RADIUS, tmp_idx, nn_ind)

    # forward(mask): mask [B, N, C]
    out = mask[0][nn_ind[0]]               # gather -> [N, K, C]
    out = jnp.transpose(out, (0, 2, 1))    # [N, C, K]
    out = out[None]                        # [1, N, C, K]
    diff = mask[..., None] - out           # [B, N, C, K]
    # loss_norm = 1 -> L1 norm over channel dim
    per_point_smooth_loss = jnp.sum(jnp.abs(diff), axis=2)  # [B, N, K]
    smooth_loss = jnp.mean(per_point_smooth_loss)
    return (smooth_loss, per_point_smooth_loss)

if __name__ == "__main__":
    import jax
    _d = setup_inputs()
    print(jax.jit(kernel)(*tuple(_d.values())))

</pallas_src>

<mosaic_0001>
#map = affine_map<(d0, d1) -> (0, 0)>
#map1 = affine_map<(d0, d1) -> (0)>
module attributes {stable_mosaic.version = 14 : i64} {
  func.func @_sc_loss_body(%arg0: i32, %arg1: i32, %arg2: memref<8192x128xf32, #tpu.memory_space<hbm>>, %arg3: memref<65536xi32, #tpu.memory_space<hbm>>, %arg4: memref<65536xf32, #tpu.memory_space<hbm>>, %arg5: memref<2048xi32, #tpu.memory_space<vmem>>, %arg6: memref<256x128xf32, #tpu.memory_space<vmem>>, %arg7: memref<128x128xf32, #tpu.memory_space<vmem>>, %arg8: memref<128x128xf32, #tpu.memory_space<vmem>>, %arg9: memref<2048xf32, #tpu.memory_space<vmem>>, %arg10: memref<16x16xf32, #tpu.memory_space<vmem>>, %arg11: memref<!tpu.dma_semaphore, #tpu.memory_space<semaphore_mem>>, %arg12: memref<!tpu.dma_semaphore, #tpu.memory_space<semaphore_mem>>) attributes {dimension_semantics = [#tpu.dimension_semantics<core_parallel>, #tpu.dimension_semantics<subcore_parallel>], iteration_bounds = array<i64: 2, 16>, scalar_prefetch = 0 : i64, scratch_operands = 8 : i64, tpu.core_type = #tpu.core_type<sc_vector_subcore>, window_params = [{transform_indices = #map}, {transform_indices = #map1}, {transform_indices = #map1}]} {
    %mul3A = arith.constant 2 : i32
    %mul3A_0 = arith.muli %arg1, %mul3A : i32
    %add3A = arith.addi %mul3A_0, %arg0 : i32
    %mul3A_1 = arith.constant 2048 : i32
    %mul3A_2 = arith.muli %add3A, %mul3A_1 : i32
    %mul3A_3 = arith.constant 256 : i32
    %mul3A_4 = arith.muli %add3A, %mul3A_3 : i32
    "tpu.region"() ({
      %run_scoped3A = tpu.sem_alloc : memref<!tpu.dma_semaphore, #tpu.memory_space<semaphore_mem>>
      %dma_start3A_20 = tpu.memref_slice %arg3[%mul3A_2] : memref<65536xi32, #tpu.memory_space<hbm>> -> memref<2048xi32, #tpu.memory_space<hbm>>
      %dma_start3A_21 = tpu.memref_slice %arg3[%mul3A_2] : memref<65536xi32, #tpu.memory_space<hbm>> -> memref<2048xi32, #tpu.memory_space<hbm>>
      tpu.enqueue_dma source(%dma_start3A_21 : memref<2048xi32, #tpu.memory_space<hbm>>) target(%arg5 : memref<2048xi32, #tpu.memory_space<vmem>>) target_semaphore(%run_scoped3A : memref<!tpu.dma_semaphore, #tpu.memory_space<semaphore_mem>>)
      %dma_wait3A = tpu.memref_slice %arg3[%mul3A_2] : memref<65536xi32, #tpu.memory_space<hbm>> -> memref<2048xi32, #tpu.memory_space<hbm>>
      %dma_wait3A_22 = tpu.memref_slice %arg3[%mul3A_2] : memref<65536xi32, #tpu.memory_space<hbm>> -> memref<2048xi32, #tpu.memory_space<hbm>>
      tpu.wait_dma2 semaphore(%run_scoped3A : memref<!tpu.dma_semaphore, #tpu.memory_space<semaphore_mem>>) src(%dma_wait3A_22 : memref<2048xi32, #tpu.memory_space<hbm>>) dst(%arg5 : memref<2048xi32, #tpu.memory_space<vmem>>)
      tpu.yield
    }) : () -> ()
    "tpu.region"() ({
      %run_scoped3A = tpu.sem_alloc : memref<!tpu.dma_semaphore, #tpu.memory_space<semaphore_mem>>
      %dma_start3A_20 = arith.constant 0 : i32
      %dma_start3A_21 = tpu.memref_slice %arg2[%mul3A_4, %dma_start3A_20] : memref<8192x128xf32, #tpu.memory_space<hbm>> -> memref<256x128xf32, #tpu.memory_space<hbm>>
      %dma_start3A_22 = arith.constant 0 : i32
      %dma_start3A_23 = tpu.memref_slice %arg2[%mul3A_4, %dma_start3A_22] : memref<8192x128xf32, #tpu.memory_space<hbm>> -> memref<256x128xf32, #tpu.memory_space<hbm>>
      tpu.enqueue_dma source(%dma_start3A_23 : memref<256x128xf32, #tpu.memory_space<hbm>>) target(%arg6 : memref<256x128xf32, #tpu.memory_space<vmem>>) target_semaphore(%run_scoped3A : memref<!tpu.dma_semaphore, #tpu.memory_space<semaphore_mem>>)
      %dma_wait3A = arith.constant 0 : i32
      %dma_wait3A_24 = tpu.memref_slice %arg2[%mul3A_4, %dma_wait3A] : memref<8192x128xf32, #tpu.memory_space<hbm>> -> memref<256x128xf32, #tpu.memory_space<hbm>>
      %dma_wait3A_25 = arith.constant 0 : i32
      %dma_wait3A_26 = tpu.memref_slice %arg2[%mul3A_4, %dma_wait3A_25] : memref<8192x128xf32, #tpu.memory_space<hbm>> -> memref<256x128xf32, #tpu.memory_space<hbm>>
      tpu.wait_dma2 semaphore(%run_scoped3A : memref<!tpu.dma_semaphore, #tpu.memory_space<semaphore_mem>>) src(%dma_wait3A_26 : memref<256x128xf32, #tpu.memory_space<hbm>>) dst(%arg6 : memref<256x128xf32, #tpu.memory_space<vmem>>)
      tpu.yield
    }) : () -> ()
    %iota3A = tpu.iota {dimensions = array<i32: 0>} : vector<16xi32>
    %dma_start3A = arith.constant 0 : i32
    %dma_start3A_5 = tpu.memref_slice %arg5[%dma_start3A] : memref<2048xi32, #tpu.memory_space<vmem>> -> memref<128xi32, #tpu.memory_space<vmem>>
    %dma_start3A_6 = arith.constant 0 : i32
    %dma_start3A_7 = arith.constant 0 : i32
    %dma_start3A_8 = tpu.memref_slice %arg2[%dma_start3A_6, %dma_start3A_7] : memref<8192x128xf32, #tpu.memory_space<hbm>> -> memref<8192x128xf32, #tpu.memory_space<hbm>>
    tpu.enqueue_indirect_dma source(%dma_start3A_8 : memref<8192x128xf32, #tpu.memory_space<hbm>>) target(%arg7 : memref<128x128xf32, #tpu.memory_space<vmem>>) offsets(%dma_start3A_5 : memref<128xi32, #tpu.memory_space<vmem>>) semaphore(%arg11 : memref<!tpu.dma_semaphore, #tpu.memory_space<semaphore_mem>>)
    %dma_start3A_9 = arith.constant 128 : i32
    %dma_start3A_10 = tpu.memref_slice %arg5[%dma_start3A_9] : memref<2048xi32, #tpu.memory_space<vmem>> -> memref<128xi32, #tpu.memory_space<vmem>>
    %dma_start3A_11 = arith.constant 0 : i32
    %dma_start3A_12 = arith.constant 0 : i32
    %dma_start3A_13 = tpu.memref_slice %arg2[%dma_start3A_11, %dma_start3A_12] : memref<8192x128xf32, #tpu.memory_space<hbm>> -> memref<8192x128xf32, #tpu.memory_space<hbm>>
    tpu.enqueue_indirect_dma source(%dma_start3A_13 : memref<8192x128xf32, #tpu.memory_space<hbm>>) target(%arg8 : memref<128x128xf32, #tpu.memory_space<vmem>>) offsets(%dma_start3A_10 : memref<128xi32, #tpu.memory_space<vmem>>) semaphore(%arg12 : memref<!tpu.dma_semaphore, #tpu.memory_space<semaphore_mem>>)
    %scan3A = arith.constant 0 : i32
    %scan3A_14 = arith.constant 0 : i32
    %scan3A_15 = arith.constant 8 : i32
    %scan3A_16 = arith.addi %scan3A_14, %scan3A_15 : i32
    %scan3A_17 = arith.constant 1 : i32
    %scan3A_18 = scf.for %scan3A_20 = %scan3A_14 to %scan3A_16 step %scan3A_17 iter_args(%scan3A_21 = %scan3A) -> (i32)  : i32 {
      %dma_wait3A = arith.constant 0 : i32
      %dma_wait3A_22 = arith.constant 0 : i32
      %dma_wait3A_23 = tpu.memref_slice %arg2[%dma_wait3A, %dma_wait3A_22] : memref<8192x128xf32, #tpu.memory_space<hbm>> -> memref<128x128xf32, #tpu.memory_space<hbm>>
      %dma_wait3A_24 = arith.constant 0 : i32
      %dma_wait3A_25 = arith.constant 0 : i32
      %dma_wait3A_26 = tpu.memref_slice %arg2[%dma_wait3A_24, %dma_wait3A_25] : memref<8192x128xf32, #tpu.memory_space<hbm>> -> memref<128x128xf32, #tpu.memory_space<hbm>>
      tpu.wait_dma2 semaphore(%arg11 : memref<!tpu.dma_semaphore, #tpu.memory_space<semaphore_mem>>) src(%dma_wait3A_26 : memref<128x128xf32, #tpu.memory_space<hbm>>) dst(%arg7 : memref<128x128xf32, #tpu.memory_space<vmem>>)
      %mul3A_27 = arith.constant 2 : i32
      %mul3A_28 = arith.muli %mul3A_27, %scan3A_20 : i32
      %scan3A_29 = arith.constant 0 : i32
      %scan3A_30 = arith.constant 0 : i32
      %scan3A_31 = arith.constant 8 : i32
      %scan3A_32 = arith.addi %scan3A_30, %scan3A_31 : i32
      %scan3A_33 = arith.constant 1 : i32
      %scan3A_34 = scf.for %scan3A_61 = %scan3A_30 to %scan3A_32 step %scan3A_33 iter_args(%scan3A_62 = %scan3A_29) -> (i32)  : i32 {
        %mul3A_63 = arith.constant 16 : i32
        %mul3A_64 = arith.muli %mul3A_28, %mul3A_63 : i32
        %mul3A_65 = arith.constant 2 : i32
        %mul3A_66 = arith.muli %scan3A_61, %mul3A_65 : i32
        %add3A_67 = arith.addi %mul3A_64, %mul3A_66 : i32
        %add3A_68 = arith.constant 0 : i32
        %add3A_69 = arith.addi %add3A_67, %add3A_68 : i32
        %get3A = arith.index_cast %add3A_69 : i32 to index
        %get3A_70 = arith.constant 0 : index
        %get3A_71 = tpu.vector_load %arg6[%get3A, %get3A_70] {strides = array<i32>} : memref<256x128xf32, #tpu.memory_space<vmem>>, vector<16xf32>,
        %add3A_72 = arith.constant 0 : i32
        %add3A_73 = arith.addi %add3A_67, %add3A_72 : i32
        %get3A_74 = arith.index_cast %add3A_73 : i32 to index
        %get3A_75 = arith.constant 16 : index
        %get3A_76 = tpu.vector_load %arg6[%get3A_74, %get3A_75] {strides = array<i32>} : memref<256x128xf32, #tpu.memory_space<vmem>>, vector<16xf32>,
        %add3A_77 = arith.constant 0 : i32
        %add3A_78 = arith.addi %add3A_67, %add3A_77 : i32
        %get3A_79 = arith.index_cast %add3A_78 : i32 to index
        %get3A_80 = arith.constant 32 : index
        %get3A_81 = tpu.vector_load %arg6[%get3A_79, %get3A_80] {strides = array<i32>} : memref<256x128xf32, #tpu.memory_space<vmem>>, vector<16xf32>,
        %add3A_82 = arith.constant 0 : i32
        %add3A_83 = arith.addi %add3A_67, %add3A_82 : i32
        %get3A_84 = arith.index_cast %add3A_83 : i32 to index
        %get3A_85 = arith.constant 48 : index
        %get3A_86 = tpu.vector_load %arg6[%get3A_84, %get3A_85] {strides = array<i32>} : memref<256x128xf32, #tpu.memory_space<vmem>>, vector<16xf32>,
        %add3A_87 = arith.constant 0 : i32
        %add3A_88 = arith.addi %add3A_67, %add3A_87 : i32
        %get3A_89 = arith.index_cast %add3A_88 : i32 to index
        %get3A_90 = arith.constant 64 : index
        %get3A_91 = tpu.vector_load %arg6[%get3A_89, %get3A_90] {strides = array<i32>} : memref<256x128xf32, #tpu.memory_space<vmem>>, vector<16xf32>,
        %add3A_92 = arith.constant 0 : i32
        %add3A_93 = arith.addi %add3A_67, %add3A_92 : i32
        %get3A_94 = arith.index_cast %add3A_93 : i32 to index
        %get3A_95 = arith.constant 80 : index
        %get3A_96 = tpu.vector_load %arg6[%get3A_94, %get3A_95] {strides = array<i32>} : memref<256x128xf32, #tpu.memory_space<vmem>>, vector<16xf32>,
        %add3A_97 = arith.constant 0 : i32
        %add3A_98 = arith.addi %add3A_67, %add3A_97 : i32
        %get3A_99 = arith.index_cast %add3A_98 : i32 to index
        %get3A_100 = arith.constant 96 : index
        %get3A_101 = tpu.vector_load %arg6[%get3A_99, %get3A_100] {strides = array<i32>} : memref<256x128xf32, #tpu.memory_space<vmem>>, vector<16xf32>,
        %add3A_102 = arith.constant 0 : i32
        %add3A_103 = arith.addi %add3A_67, %add3A_102 : i32
        %get3A_104 = arith.index_cast %add3A_103 : i32 to index
        %get3A_105 = arith.constant 112 : index
        %get3A_106 = tpu.vector_load %arg6[%get3A_104, %get3A_105] {strides = array<i32>} : memref<256x128xf32, #tpu.memory_space<vmem>>, vector<16xf32>,
        %add3A_107 = arith.constant 1 : i32
        %add3A_108 = arith.addi %add3A_67, %add3A_107 : i32
        %get3A_109 = arith.index_cast %add3A_108 : i32 to index
        %get3A_110 = arith.constant 0 : index
        %get3A_111 = tpu.vector_load %arg6[%get3A_109, %get3A_110] {strides = array<i32>} : memref<256x128xf32, #tpu.memory_space<vmem>>, vector<16xf32>,
        %add3A_112 = arith.constant 1 : i32
        %add3A_113 = arith.addi %add3A_67, %add3A_112 : i32
        %get3A_114 = arith.index_cast %add3A_113 : i32 to index
        %get3A_115 = arith.constant 16 : index
        %get3A_116 = tpu.vector_load %arg6[%get3A_114, %get3A_115] {strides = array<i32>} : memref<256x128xf32, #tpu.memory_space<vmem>>, vector<16xf32>,
        %add3A_117 = arith.constant 1 : i32
        %add3A_118 = arith.addi %add3A_67, %add3A_117 : i32
        %get3A_119 = arith.index_cast %add3A_118 : i32 to index
        %get3A_120 = arith.constant 32 : index
        %get3A_121 = tpu.vector_load %arg6[%get3A_119, %get3A_120] {strides = array<i32>} : memref<256x128xf32, #tpu.memory_space<vmem>>, vector<16xf32>,
        %add3A_122 = arith.constant 1 : i32
        %add3A_123 = arith.addi %add3A_67, %add3A_122 : i32
        %get3A_124 = arith.index_cast %add3A_123 : i32 to index
        %get3A_125 = arith.constant 48 : index
        %get3A_126 = tpu.vector_load %arg6[%get3A_124, %get3A_125] {strides = array<i32>} : memref<256x128xf32, #tpu.memory_space<vmem>>, vector<16xf32>,
        %add3A_127 = arith.constant 1 : i32
        %add3A_128 = arith.addi %add3A_67, %add3A_127 : i32
        %get3A_129 = arith.index_cast %add3A_128 : i32 to index
        %get3A_130 = arith.constant 64 : index
        %get3A_131 = tpu.vector_load %arg6[%get3A_129, %get3A_130] {strides = array<i32>} : memref<256x128xf32, #tpu.memory_space<vmem>>, vector<16xf32>,
        %add3A_132 = arith.constant 1 : i32
        %add3A_133 = arith.addi %add3A_67, %add3A_132 : i32
        %get3A_134 = arith.index_cast %add3A_133 : i32 to index
        %get3A_135 = arith.constant 80 : index
        %get3A_136 = tpu.vector_load %arg6[%get3A_134, %get3A_135] {strides = array<i32>} : memref<256x128xf32, #tpu.memory_space<vmem>>, vector<16xf32>,
        %add3A_137 = arith.constant 1 : i32
        %add3A_138 = arith.addi %add3A_67, %add3A_137 : i32
        %get3A_139 = arith.index_cast %add3A_138 : i32 to index
        %get3A_140 = arith.constant 96 : index
        %get3A_141 = tpu.vector_load %arg6[%get3A_139, %get3A_140] {strides = array<i32>} : memref<256x128xf32, #tpu.memory_space<vmem>>, vector<16xf32>,
        %add3A_142 = arith.constant 1 : i32
        %add3A_143 = arith.addi %add3A_67, %add3A_142 : i32
        %get3A_144 = arith.index_cast %add3A_143 : i32 to index
        %get3A_145 = arith.constant 112 : index
        %get3A_146 = tpu.vector_load %arg6[%get3A_144, %get3A_145] {strides = array<i32>} : memref<256x128xf32, #tpu.memory_space<vmem>>, vector<16xf32>,
        %mul3A_147 = arith.constant 16 : i32
        %mul3A_148 = arith.muli %scan3A_61, %mul3A_147 : i32
        %add3A_149 = arith.constant 0 : i32
        %add3A_150 = arith.addi %mul3A_148, %add3A_149 : i32
        %get3A_151 = arith.index_cast %add3A_150 : i32 to index
        %get3A_152 = arith.constant 0 : index
        %get3A_153 = tpu.vector_load %arg7[%get3A_151, %get3A_152] {strides = array<i32>} : memref<128x128xf32, #tpu.memory_space<vmem>>, vector<16xf32>,
        %sub3A = arith.subf %get3A_71, %get3A_153 : vector<16xf32>
        %abs3A = math.absf %sub3A : vector<16xf32>
        %get3A_154 = arith.index_cast %add3A_150 : i32 to index
        %get3A_155 = arith.constant 16 : index
        %get3A_156 = tpu.vector_load %arg7[%get3A_154, %get3A_155] {strides = array<i32>} : memref<128x128xf32, #tpu.memory_space<vmem>>, vector<16xf32>,
        %sub3A_157 = arith.subf %get3A_76, %get3A_156 : vector<16xf32>
        %abs3A_158 = math.absf %sub3A_157 : vector<16xf32>
        %add3A_159 = arith.addf %abs3A, %abs3A_158 : vector<16xf32>
        %get3A_160 = arith.index_cast %add3A_150 : i32 to index
        %get3A_161 = arith.constant 32 : index
        %get3A_162 = tpu.vector_load %arg7[%get3A_160, %get3A_161] {strides = array<i32>} : memref<128x128xf32, #tpu.memory_space<vmem>>, vector<16xf32>,
        %sub3A_163 = arith.subf %get3A_81, %get3A_162 : vector<16xf32>
        %abs3A_164 = math.absf %sub3A_163 : vector<16xf32>
        %add3A_165 = arith.addf %add3A_159, %abs3A_164 : vector<16xf32>
        %get3A_166 = arith.index_cast %add3A_150 : i32 to index
        %get3A_167 = arith.constant 48 : index
        %get3A_168 = tpu.vector_load %arg7[%get3A_166, %get3A_167] {strides = array<i32>} : memref<128x128xf32, #tpu.memory_space<vmem>>, vector<16xf32>,
        %sub3A_169 = arith.subf %get3A_86, %get3A_168 : vector<16xf32>
        %abs3A_170 = math.absf %sub3A_169 : vector<16xf32>
        %add3A_171 = arith.addf %add3A_165, %abs3A_170 : vector<16xf32>
        %get3A_172 = arith.index_cast %add3A_150 : i32 to index
        %get3A_173 = arith.constant 64 : index
        %get3A_174 = tpu.vector_load %arg7[%get3A_172, %get3A_173] {strides = array<i32>} : memref<128x128xf32, #tpu.memory_space<vmem>>, vector<16xf32>,
        %sub3A_175 = arith.subf %get3A_91, %get3A_174 : vector<16xf32>
        %abs3A_176 = math.absf %sub3A_175 : vector<16xf32>
        %add3A_177 = arith.addf %add3A_171, %abs3A_176 : vector<16xf32>
        %get3A_178 = arith.index_cast %add3A_150 : i32 to index
        %get3A_179 = arith.constant 80 : index
        %get3A_180 = tpu.vector_load %arg7[%get3A_178, %get3A_179] {strides = array<i32>} : memref<128x128xf32, #tpu.memory_space<vmem>>, vector<16xf32>,
        %sub3A_181 = arith.subf %get3A_96, %get3A_180 : vector<16xf32>
        %abs3A_182 = math.absf %sub3A_181 : vector<16xf32>
        %add3A_183 = arith.addf %add3A_177, %abs3A_182 : vector<16xf32>
        %get3A_184 = arith.index_cast %add3A_150 : i32 to index
        %get3A_185 = arith.constant 96 : index
        %get3A_186 = tpu.vector_load %arg7[%get3A_184, %get3A_185] {strides = array<i32>} : memref<128x128xf32, #tpu.memory_space<vmem>>, vector<16xf32>,
        %sub3A_187 = arith.subf %get3A_101, %get3A_186 : vector<16xf32>
        %abs3A_188 = math.absf %sub3A_187 : vector<16xf32>
        %add3A_189 = arith.addf %add3A_183, %abs3A_188 : vector<16xf32>
        %get3A_190 = arith.index_cast %add3A_150 : i32 to index
        %get3A_191 = arith.constant 112 : index
        %get3A_192 = tpu.vector_load %arg7[%get3A_190, %get3A_191] {strides = array<i32>} : memref<128x128xf32, #tpu.memory_space<vmem>>, vector<16xf32>,
        %sub3A_193 = arith.subf %get3A_106, %get3A_192 : vector<16xf32>
        %abs3A_194 = math.absf %sub3A_193 : vector<16xf32>
        %add3A_195 = arith.addf %add3A_189, %abs3A_194 : vector<16xf32>
        %swap3A = arith.constant 0 : i32
        %swap3A_196 = arith.index_cast %swap3A : i32 to index
        %swap3A_197 = arith.constant 0 : index
        %swap3A_198 = tpu.vector_load %arg10[%swap3A_196, %swap3A_197] {strides = array<i32>} : memref<16x16xf32, #tpu.memory_space<vmem>>, vector<16xf32>,
        tpu.vector_store %arg10[%swap3A_196, %swap3A_197], %add3A_195 {strides = array<i32>} : memref<16x16xf32, #tpu.memory_space<vmem>>, vector<16xf32>,
        %mul3A_199 = arith.constant 16 : i32
        %mul3A_200 = arith.muli %scan3A_61, %mul3A_199 : i32
        %add3A_201 = arith.constant 1 : i32
        %add3A_202 = arith.addi %mul3A_200, %add3A_201 : i32
        %get3A_203 = arith.index_cast %add3A_202 : i32 to index
        %get3A_204 = arith.constant 0 : index
        %get3A_205 = tpu.vector_load %arg7[%get3A_203, %get3A_204] {strides = array<i32>} : memref<128x128xf32, #tpu.memory_space<vmem>>, vector<16xf32>,
        %sub3A_206 = arith.subf %get3A_71, %get3A_205 : vector<16xf32>
        %abs3A_207 = math.absf %sub3A_206 : vector<16xf32>
        %get3A_208 = arith.index_cast %add3A_202 : i32 to index
        %get3A_209 = arith.constant 16 : index
        %get3A_210 = tpu.vector_load %arg7[%get3A_208, %get3A_209] {strides = array<i32>} : memref<128x128xf32, #tpu.memory_space<vmem>>, vector<16xf32>,
        %sub3A_211 = arith.subf %get3A_76, %get3A_210 : vector<16xf32>
        %abs3A_212 = math.absf %sub3A_211 : vector<16xf32>
        %add3A_213 = arith.addf %abs3A_207, %abs3A_212 : vector<16xf32>
        %get3A_214 = arith.index_cast %add3A_202 : i32 to index
        %get3A_215 = arith.constant 32 : index
        %get3A_216 = tpu.vector_load %arg7[%get3A_214, %get3A_215] {strides = array<i32>} : memref<128x128xf32, #tpu.memory_space<vmem>>, vector<16xf32>,
        %sub3A_217 = arith.subf %get3A_81, %get3A_216 : vector<16xf32>
        %abs3A_218 = math.absf %sub3A_217 : vector<16xf32>
        %add3A_219 = arith.addf %add3A_213, %abs3A_218 : vector<16xf32>
        %get3A_220 = arith.index_cast %add3A_202 : i32 to index
        %get3A_221 = arith.constant 48 : index
        %get3A_222 = tpu.vector_load %arg7[%get3A_220, %get3A_221] {strides = array<i32>} : memref<128x128xf32, #tpu.memory_space<vmem>>, vector<16xf32>,
        %sub3A_223 = arith.subf %get3A_86, %get3A_222 : vector<16xf32>
        %abs3A_224 = math.absf %sub3A_223 : vector<16xf32>
        %add3A_225 = arith.addf %add3A_219, %abs3A_224 : vector<16xf32>
        %get3A_226 = arith.index_cast %add3A_202 : i32 to index
        %get3A_227 = arith.constant 64 : index
        %get3A_228 = tpu.vector_load %arg7[%get3A_226, %get3A_227] {strides = array<i32>} : memref<128x128xf32, #tpu.memory_space<vmem>>, vector<16xf32>,
        %sub3A_229 = arith.subf %get3A_91, %get3A_228 : vector<16xf32>
        %abs3A_230 = math.absf %sub3A_229 : vector<16xf32>
        %add3A_231 = arith.addf %add3A_225, %abs3A_230 : vector<16xf32>
        %get3A_232 = arith.index_cast %add3A_202 : i32 to index
        %get3A_233 = arith.constant 80 : index
        %get3A_234 = tpu.vector_load %arg7[%get3A_232, %get3A_233] {strides = array<i32>} : memref<128x128xf32, #tpu.memory_space<vmem>>, vector<16xf32>,
        %sub3A_235 = arith.subf %get3A_96, %get3A_234 : vector<16xf32>
        %abs3A_236 = math.absf %sub3A_235 : vector<16xf32>
        %add3A_237 = arith.addf %add3A_231, %abs3A_236 : vector<16xf32>
        %get3A_238 = arith.index_cast %add3A_202 : i32 to index
        %get3A_239 = arith.constant 96 : index
        %get3A_240 = tpu.vector_load %arg7[%get3A_238, %get3A_239] {strides = array<i32>} : memref<128x128xf32, #tpu.memory_space<vmem>>, vector<16xf32>,
        %sub3A_241 = arith.subf %get3A_101, %get3A_240 : vector<16xf32>
        %abs3A_242 = math.absf %sub3A_241 : vector<16xf32>
        %add3A_243 = arith.addf %add3A_237, %abs3A_242 : vector<16xf32>
        %get3A_244 = arith.index_cast %add3A_202 : i32 to index
        %get3A_245 = arith.constant 112 : index
        %get3A_246 = tpu.vector_load %arg7[%get3A_244, %get3A_245] {strides = array<i32>} : memref<128x128xf32, #tpu.memory_space<vmem>>, vector<16xf32>,
        %sub3A_247 = arith.subf %get3A_106, %get3A_246 : vector<16xf32>
        %abs3A_248 = math.absf %sub3A_247 : vector<16xf32>
        %add3A_249 = arith.addf %add3A_243, %abs3A_248 : vector<16xf32>
        %swap3A_250 = arith.constant 1 : i32
        %swap3A_251 = arith.index_cast %swap3A_250 : i32 to index
        %swap3A_252 = arith.constant 0 : index
        %swap3A_253 = tpu.vector_load %arg10[%swap3A_251, %swap3A_252] {strides = array<i32>} : memref<16x16xf32, #tpu.memory_space<vmem>>, vector<16xf32>,
        tpu.vector_store %arg10[%swap3A_251, %swap3A_252], %add3A_249 {strides = array<i32>} : memref<16x16xf32, #tpu.memory_space<vmem>>, vector<16xf32>,
        %mul3A_254 = arith.constant 16 : i32
        %mul3A_255 = arith.muli %scan3A_61, %mul3A_254 : i32
        %add3A_256 = arith.constant 2 : i32
        %add3A_257 = arith.addi %mul3A_255, %add3A_256 : i32
        %get3A_258 = arith.index_cast %add3A_257 : i32 to index
        %get3A_259 = arith.constant 0 : index
        %get3A_260 = tpu.vector_load %arg7[%get3A_258, %get3A_259] {strides = array<i32>} : memref<128x128xf32, #tpu.memory_space<vmem>>, vector<16xf32>,
        %sub3A_261 = arith.subf %get3A_71, %get3A_260 : vector<16xf32>
        %abs3A_262 = math.absf %sub3A_261 : vector<16xf32>
        %get3A_263 = arith.index_cast %add3A_257 : i32 to index
        %get3A_264 = arith.constant 16 : index
        %get3A_265 = tpu.vector_load %arg7[%get3A_263, %get3A_264] {strides = array<i32>} : memref<128x128xf32, #tpu.memory_space<vmem>>, vector<16xf32>,
        %sub3A_266 = arith.subf %get3A_76, %get3A_265 : vector<16xf32>
        %abs3A_267 = math.absf %sub3A_266 : vector<16xf32>
        %add3A_268 = arith.addf %abs3A_262, %abs3A_267 : vector<16xf32>
        %get3A_269 = arith.index_cast %add3A_257 : i32 to index
        %get3A_270 = arith.constant 32 : index
        %get3A_271 = tpu.vector_load %arg7[%get3A_269, %get3A_270] {strides = array<i32>} : memref<128x128xf32, #tpu.memory_space<vmem>>, vector<16xf32>,
        %sub3A_272 = arith.subf %get3A_81, %get3A_271 : vector<16xf32>
        %abs3A_273 = math.absf %sub3A_272 : vector<16xf32>
        %add3A_274 = arith.addf %add3A_268, %abs3A_273 : vector<16xf32>
        %get3A_275 = arith.index_cast %add3A_257 : i32 to index
        %get3A_276 = arith.constant 48 : index
        %get3A_277 = tpu.vector_load %arg7[%get3A_275, %get3A_276] {strides = array<i32>} : memref<128x128xf32, #tpu.memory_space<vmem>>, vector<16xf32>,
        %sub3A_278 = arith.subf %get3A_86, %get3A_277 : vector<16xf32>
        %abs3A_279 = math.absf %sub3A_278 : vector<16xf32>
        %add3A_280 = arith.addf %add3A_274, %abs3A_279 : vector<16xf32>
        %get3A_281 = arith.index_cast %add3A_257 : i32 to index
        %get3A_282 = arith.constant 64 : index
        %get3A_283 = tpu.vector_load %arg7[%get3A_281, %get3A_282] {strides = array<i32>} : memref<128x128xf32, #tpu.memory_space<vmem>>, vector<16xf32>,
        %sub3A_284 = arith.subf %get3A_91, %get3A_283 : vector<16xf32>
        %abs3A_285 = math.absf %sub3A_284 : vector<16xf32>
        %add3A_286 = arith.addf %add3A_280, %abs3A_285 : vector<16xf32>
        %get3A_287 = arith.index_cast %add3A_257 : i32 to index
        %get3A_288 = arith.constant 80 : index
        %get3A_289 = tpu.vector_load %arg7[%get3A_287, %get3A_288] {strides = array<i32>} : memref<128x128xf32, #tpu.memory_space<vmem>>, vector<16xf32>,
        %sub3A_290 = arith.subf %get3A_96, %get3A_289 : vector<16xf32>
        %abs3A_291 = math.absf %sub3A_290 : vector<16xf32>
        %add3A_292 = arith.addf %add3A_286, %abs3A_291 : vector<16xf32>
        %get3A_293 = arith.index_cast %add3A_257 : i32 to index
        %get3A_294 = arith.constant 96 : index
        %get3A_295 = tpu.vector_load %arg7[%get3A_293, %get3A_294] {strides = array<i32>} : memref<128x128xf32, #tpu.memory_space<vmem>>, vector<16xf32>,
        %sub3A_296 = arith.subf %get3A_101, %get3A_295 : vector<16xf32>
        %abs3A_297 = math.absf %sub3A_296 : vector<16xf32>
        %add3A_298 = arith.addf %add3A_292, %abs3A_297 : vector<16xf32>
        %get3A_299 = arith.index_cast %add3A_257 : i32 to index
        %get3A_300 = arith.constant 112 : index
        %get3A_301 = tpu.vector_load %arg7[%get3A_299, %get3A_300] {strides = array<i32>} : memref<128x128xf32, #tpu.memory_space<vmem>>, vector<16xf32>,
        %sub3A_302 = arith.subf %get3A_106, %get3A_301 : vector<16xf32>
        %abs3A_303 = math.absf %sub3A_302 : vector<16xf32>
        %add3A_304 = arith.addf %add3A_298, %abs3A_303 : vector<16xf32>
        %swap3A_305 = arith.constant 2 : i32
        %swap3A_306 = arith.index_cast %swap3A_305 : i32 to index
        %swap3A_307 = arith.constant 0 : index
        %swap3A_308 = tpu.vector_load %arg10[%swap3A_306, %swap3A_307] {strides = array<i32>} : memref<16x16xf32, #tpu.memory_space<vmem>>, vector<16xf32>,
        tpu.vector_store %arg10[%swap3A_306, %swap3A_307], %add3A_304 {strides = array<i32>} : memref<16x16xf32, #tpu.memory_space<vmem>>, vector<16xf32>,
        %mul3A_309 = arith.constant 16 : i32
        %mul3A_310 = arith.muli %scan3A_61, %mul3A_309 : i32
        %add3A_311 = arith.constant 3 : i32
        %add3A_312 = arith.addi %mul3A_310, %add3A_311 : i32
        %get3A_313 = arith.index_cast %add3A_312 : i32 to index
        %get3A_314 = arith.constant 0 : index
        %get3A_315 = tpu.vector_load %arg7[%get3A_313, %get3A_314] {strides = array<i32>} : memref<128x128xf32, #tpu.memory_space<vmem>>, vector<16xf32>,
        %sub3A_316 = arith.subf %get3A_71, %get3A_315 : vector<16xf32>
        %abs3A_317 = math.absf %sub3A_316 : vector<16xf32>
        %get3A_318 = arith.index_cast %add3A_312 : i32 to index
        %get3A_319 = arith.constant 16 : index
        %get3A_320 = tpu.vector_load %arg7[%get3A_318, %get3A_319] {strides = array<i32>} : memref<128x128xf32, #tpu.memory_space<vmem>>, vector<16xf32>,
        %sub3A_321 = arith.subf %get3A_76, %get3A_320 : vector<16xf32>
        %abs3A_322 = math.absf %sub3A_321 : vector<16xf32>
        %add3A_323 = arith.addf %abs3A_317, %abs3A_322 : vector<16xf32>
        %get3A_324 = arith.index_cast %add3A_312 : i32 to index
        %get3A_325 = arith.constant 32 : index
        %get3A_326 = tpu.vector_load %arg7[%get3A_324, %get3A_325] {strides = array<i32>} : memref<128x128xf32, #tpu.memory_space<vmem>>, vector<16xf32>,
        %sub3A_327 = arith.subf %get3A_81, %get3A_326 : vector<16xf32>
        %abs3A_328 = math.absf %sub3A_327 : vector<16xf32>
        %add3A_329 = arith.addf %add3A_323, %abs3A_328 : vector<16xf32>
        %get3A_330 = arith.index_cast %add3A_312 : i32 to index
        %get3A_331 = arith.constant 48 : index
        %get3A_332 = tpu.vector_load %arg7[%get3A_330, %get3A_331] {strides = array<i32>} : memref<128x128xf32, #tpu.memory_space<vmem>>, vector<16xf32>,
        %sub3A_333 = arith.subf %get3A_86, %get3A_332 : vector<16xf32>
        %abs3A_334 = math.absf %sub3A_333 : vector<16xf32>
        %add3A_335 = arith.addf %add3A_329, %abs3A_334 : vector<16xf32>
        %get3A_336 = arith.index_cast %add3A_312 : i32 to index
        %get3A_337 = arith.constant 64 : index
        %get3A_338 = tpu.vector_load %arg7[%get3A_336, %get3A_337] {strides = array<i32>} : memref<128x128xf32, #tpu.memory_space<vmem>>, vector<16xf32>,
        %sub3A_339 = arith.subf %get3A_91, %get3A_338 : vector<16xf32>
        %abs3A_340 = math.absf %sub3A_339 : vector<16xf32>
        %add3A_341 = arith.addf %add3A_335, %abs3A_340 : vector<16xf32>
        %get3A_342 = arith.index_cast %add3A_312 : i32 to index
        %get3A_343 = arith.constant 80 : index
        %get3A_344 = tpu.vector_load %arg7[%get3A_342, %get3A_343] {strides = array<i32>} : memref<128x128xf32, #tpu.memory_space<vmem>>, vector<16xf32>,
        %sub3A_345 = arith.subf %get3A_96, %get3A_344 : vector<16xf32>
        %abs3A_346 = math.absf %sub3A_345 : vector<16xf32>
        %add3A_347 = arith.addf %add3A_341, %abs3A_346 : vector<16xf32>
        %get3A_348 = arith.index_cast %add3A_312 : i32 to index
        %get3A_349 = arith.constant 96 : index
        %get3A_350 = tpu.vector_load %arg7[%get3A_348, %get3A_349] {strides = array<i32>} : memref<128x128xf32, #tpu.memory_space<vmem>>, vector<16xf32>,
        %sub3A_351 = arith.subf %get3A_101, %get3A_350 : vector<16xf32>
        %abs3A_352 = math.absf %sub3A_351 : vector<16xf32>
        %add3A_353 = arith.addf %add3A_347, %abs3A_352 : vector<16xf32>
        %get3A_354 = arith.index_cast %add3A_312 : i32 to index
        %get3A_355 = arith.constant 112 : index
        %get3A_356 = tpu.vector_load %arg7[%get3A_354, %get3A_355] {strides = array<i32>} : memref<128x128xf32, #tpu.memory_space<vmem>>, vector<16xf32>,
        %sub3A_357 = arith.subf %get3A_106, %get3A_356 : vector<16xf32>
        %abs3A_358 = math.absf %sub3A_357 : vector<16xf32>
        %add3A_359 = arith.addf %add3A_353, %abs3A_358 : vector<16xf32>
        %swap3A_360 = arith.constant 3 : i32
        %swap3A_361 = arith.index_cast %swap3A_360 : i32 to index
        %swap3A_362 = arith.constant 0 : index
        %swap3A_363 = tpu.vector_load %arg10[%swap3A_361, %swap3A_362] {strides = array<i32>} : memref<16x16xf32, #tpu.memory_space<vmem>>, vector<16xf32>,
        tpu.vector_store %arg10[%swap3A_361, %swap3A_362], %add3A_359 {strides = array<i32>} : memref<16x16xf32, #tpu.memory_space<vmem>>, vector<16xf32>,
        %mul3A_364 = arith.constant 16 : i32
        %mul3A_365 = arith.muli %scan3A_61, %mul3A_364 : i32
        %add3A_366 = arith.constant 4 : i32
        %add3A_367 = arith.addi %mul3A_365, %add3A_366 : i32
        %get3A_368 = arith.index_cast %add3A_367 : i32 to index
        %get3A_369 = arith.constant 0 : index
        %get3A_370 = tpu.vector_load %arg7[%get3A_368, %get3A_369] {strides = array<i32>} : memref<128x128xf32, #tpu.memory_space<vmem>>, vector<16xf32>,
        %sub3A_371 = arith.subf %get3A_71, %get3A_370 : vector<16xf32>
        %abs3A_372 = math.absf %sub3A_371 : vector<16xf32>
        %get3A_373 = arith.index_cast %add3A_367 : i32 to index
        %get3A_374 = arith.constant 16 : index
        %get3A_375 = tpu.vector_load %arg7[%get3A_373, %get3A_374] {strides = array<i32>} : memref<128x128xf32, #tpu.memory_space<vmem>>, vector<16xf32>,
        %sub3A_376 = arith.subf %get3A_76, %get3A_375 : vector<16xf32>
        %abs3A_377 = math.absf %sub3A_376 : vector<16xf32>
        %add3A_378 = arith.addf %abs3A_372, %abs3A_377 : vector<16xf32>
        %get3A_379 = arith.index_cast %add3A_367 : i32 to index
        %get3A_380 = arith.constant 32 : index
        %get3A_381 = tpu.vector_load %arg7[%get3A_379, %get3A_380] {strides = array<i32>} : memref<128x128xf32, #tpu.memory_space<vmem>>, vector<16xf32>,
        %sub3A_382 = arith.subf %get3A_81, %get3A_381 : vector<16xf32>
        %abs3A_383 = math.absf %sub3A_382 : vector<16xf32>
        %add3A_384 = arith.addf %add3A_378, %abs3A_383 : vector<16xf32>
        %get3A_385 = arith.index_cast %add3A_367 : i32 to index
        %get3A_386 = arith.constant 48 : index
        %get3A_387 = tpu.vector_load %arg7[%get3A_385, %get3A_386] {strides = array<i32>} : memref<128x128xf32, #tpu.memory_space<vmem>>, vector<16xf32>,
        %sub3A_388 = arith.subf %get3A_86, %get3A_387 : vector<16xf32>
        %abs3A_389 = math.absf %sub3A_388 : vector<16xf32>
        %add3A_390 = arith.addf %add3A_384, %abs3A_389 : vector<16xf32>
        %get3A_391 = arith.index_cast %add3A_367 : i32 to index
        %get3A_392 = arith.constant 64 : index
        %get3A_393 = tpu.vector_load %arg7[%get3A_391, %get3A_392] {strides = array<i32>} : memref<128x128xf32, #tpu.memory_space<vmem>>, vector<16xf32>,
        %sub3A_394 = arith.subf %get3A_91, %get3A_393 : vector<16xf32>
        %abs3A_395 = math.absf %sub3A_394 : vector<16xf32>
        %add3A_396 = arith.addf %add3A_390, %abs3A_395 : vector<16xf32>
        %get3A_397 = arith.index_cast %add3A_367 : i32 to index
        %get3A_398 = arith.constant 80 : index
        %get3A_399 = tpu.vector_load %arg7[%get3A_397, %get3A_398] {strides = array<i32>} : memref<128x128xf32, #tpu.memory_space<vmem>>, vector<16xf32>,
        %sub3A_400 = arith.subf %get3A_96, %get3A_399 : vector<16xf32>
        %abs3A_401 = math.absf %sub3A_400 : vector<16xf32>
        %add3A_402 = arith.addf %add3A_396, %abs3A_401 : vector<16xf32>
        %get3A_403 = arith.index_cast %add3A_367 : i32 to index
        %get3A_404 = arith.constant 96 : index
        %get3A_405 = tpu.vector_load %arg7[%get3A_403, %get3A_404] {strides = array<i32>} : memref<128x128xf32, #tpu.memory_space<vmem>>, vector<16xf32>,
        %sub3A_406 = arith.subf %get3A_101, %get3A_405 : vector<16xf32>
        %abs3A_407 = math.absf %sub3A_406 : vector<16xf32>
        %add3A_408 = arith.addf %add3A_402, %abs3A_407 : vector<16xf32>
        %get3A_409 = arith.index_cast %add3A_367 : i32 to index
        %get3A_410 = arith.constant 112 : index
        %get3A_411 = tpu.vector_load %arg7[%get3A_409, %get3A_410] {strides = array<i32>} : memref<128x128xf32, #tpu.memory_space<vmem>>, vector<16xf32>,
        %sub3A_412 = arith.subf %get3A_106, %get3A_411 : vector<16xf32>
        %abs3A_413 = math.absf %sub3A_412 : vector<16xf32>
        %add3A_414 = arith.addf %add3A_408, %abs3A_413 : vector<16xf32>
        %swap3A_415 = arith.constant 4 : i32
        %swap3A_416 = arith.index_cast %swap3A_415 : i32 to index
        %swap3A_417 = arith.constant 0 : index
        %swap3A_418 = tpu.vector_load %arg10[%swap3A_416, %swap3A_417] {strides = array<i32>} : memref<16x16xf32, #tpu.memory_space<vmem>>, vector<16xf32>,
        tpu.vector_store %arg10[%swap3A_416, %swap3A_417], %add3A_414 {strides = array<i32>} : memref<16x16xf32, #tpu.memory_space<vmem>>, vector<16xf32>,
        %mul3A_419 = arith.constant 16 : i32
        %mul3A_420 = arith.muli %scan3A_61, %mul3A_419 : i32
        %add3A_421 = arith.constant 5 : i32
        %add3A_422 = arith.addi %mul3A_420, %add3A_421 : i32
        %get3A_423 = arith.index_cast %add3A_422 : i32 to index
        %get3A_424 = arith.constant 0 : index
        %get3A_425 = tpu.vector_load %arg7[%get3A_423, %get3A_424] {strides = array<i32>} : memref<128x128xf32, #tpu.memory_space<vmem>>, vector<16xf32>,
        %sub3A_426 = arith.subf %get3A_71, %get3A_425 : vector<16xf32>
        %abs3A_427 = math.absf %sub3A_426 : vector<16xf32>
        %get3A_428 = arith.index_cast %add3A_422 : i32 to index
        %get3A_429 = arith.constant 16 : index
        %get3A_430 = tpu.vector_load %arg7[%get3A_428, %get3A_429] {strides = array<i32>} : memref<128x128xf32, #tpu.memory_space<vmem>>, vector<16xf32>,
        %sub3A_431 = arith.subf %get3A_76, %get3A_430 : vector<16xf32>
        %abs3A_432 = math.absf %sub3A_431 : vector<16xf32>
        %add3A_433 = arith.addf %abs3A_427, %abs3A_432 : vector<16xf32>
        %get3A_434 = arith.index_cast %add3A_422 : i32 to index
        %get3A_435 = arith.constant 32 : index
        %get3A_436 = tpu.vector_load %arg7[%get3A_434, %get3A_435] {strides = array<i32>} : memref<128x128xf32, #tpu.memory_space<vmem>>, vector<16xf32>,
        %sub3A_437 = arith.subf %get3A_81, %get3A_436 : vector<16xf32>
        %abs3A_438 = math.absf %sub3A_437 : vector<16xf32>
        %add3A_439 = arith.addf %add3A_433, %abs3A_438 : vector<16xf32>
        %get3A_440 = arith.index_cast %add3A_422 : i32 to index
        %get3A_441 = arith.constant 48 : index
        %get3A_442 = tpu.vector_load %arg7[%get3A_440, %get3A_441] {strides = array<i32>} : memref<128x128xf32, #tpu.memory_space<vmem>>, vector<16xf32>,
        %sub3A_443 = arith.subf %get3A_86, %get3A_442 : vector<16xf32>
        %abs3A_444 = math.absf %sub3A_443 : vector<16xf32>
        %add3A_445 = arith.addf %add3A_439, %abs3A_444 : vector<16xf32>
        %get3A_446 = arith.index_cast %add3A_422 : i32 to index
        %get3A_447 = arith.constant 64 : index
        %get3A_448 = tpu.vector_load %arg7[%get3A_446, %get3A_447] {strides = array<i32>} : memref<128x128xf32, #tpu.memory_space<vmem>>, vector<16xf32>,
        %sub3A_449 = arith.subf %get3A_91, %get3A_448 : vector<16xf32>
        %abs3A_450 = math.absf %sub3A_449 : vector<16xf32>
        %add3A_451 = arith.addf %add3A_445, %abs3A_450 : vector<16xf32>
        %get3A_452 = arith.index_cast %add3A_422 : i32 to index
        %get3A_453 = arith.constant 80 : index
        %get3A_454 = tpu.vector_load %arg7[%get3A_452, %get3A_453] {strides = array<i32>} : memref<128x128xf32, #tpu.memory_space<vmem>>, vector<16xf32>,
        %sub3A_455 = arith.subf %get3A_96, %get3A_454 : vector<16xf32>
        %abs3A_456 = math.absf %sub3A_455 : vector<16xf32>
        %add3A_457 = arith.addf %add3A_451, %abs3A_456 : vector<16xf32>
        %get3A_458 = arith.index_cast %add3A_422 : i32 to index
        %get3A_459 = arith.constant 96 : index
        %get3A_460 = tpu.vector_load %arg7[%get3A_458, %get3A_459] {strides = array<i32>} : memref<128x128xf32, #tpu.memory_space<vmem>>, vector<16xf32>,
        %sub3A_461 = arith.subf %get3A_101, %get3A_460 : vector<16xf32>
        %abs3A_462 = math.absf %sub3A_461 : vector<16xf32>
        %add3A_463 = arith.addf %add3A_457, %abs3A_462 : vector<16xf32>
        %get3A_464 = arith.index_cast %add3A_422 : i32 to index
        %get3A_465 = arith.constant 112 : index
        %get3A_466 = tpu.vector_load %arg7[%get3A_464, %get3A_465] {strides = array<i32>} : memref<128x128xf32, #tpu.memory_space<vmem>>, vector<16xf32>,
        %sub3A_467 = arith.subf %get3A_106, %get3A_466 : vector<16xf32>
        %abs3A_468 = math.absf %sub3A_467 : vector<16xf32>
        %add3A_469 = arith.addf %add3A_463, %abs3A_468 : vector<16xf32>
        %swap3A_470 = arith.constant 5 : i32
        %swap3A_471 = arith.index_cast %swap3A_470 : i32 to index
        %swap3A_472 = arith.constant 0 : index
        %swap3A_473 = tpu.vector_load %arg10[%swap3A_471, %swap3A_472] {strides = array<i32>} : memref<16x16xf32, #tpu.memory_space<vmem>>, vector<16xf32>,
        tpu.vector_store %arg10[%swap3A_471, %swap3A_472], %add3A_469 {strides = array<i32>} : memref<16x16xf32, #tpu.memory_space<vmem>>, vector<16xf32>,
        %mul3A_474 = arith.constant 16 : i32
        %mul3A_475 = arith.muli %scan3A_61, %mul3A_474 : i32
        %add3A_476 = arith.constant 6 : i32
        %add3A_477 = arith.addi %mul3A_475, %add3A_476 : i32
        %get3A_478 = arith.index_cast %add3A_477 : i32 to index
        %get3A_479 = arith.constant 0 : index
        %get3A_480 = tpu.vector_load %arg7[%get3A_478, %get3A_479] {strides = array<i32>} : memref<128x128xf32, #tpu.memory_space<vmem>>, vector<16xf32>,
        %sub3A_481 = arith.subf %get3A_71, %get3A_480 : vector<16xf32>
        %abs3A_482 = math.absf %sub3A_481 : vector<16xf32>
        %get3A_483 = arith.index_cast %add3A_477 : i32 to index
        %get3A_484 = arith.constant 16 : index
        %get3A_485 = tpu.vector_load %arg7[%get3A_483, %get3A_484] {strides = array<i32>} : memref<128x128xf32, #tpu.memory_space<vmem>>, vector<16xf32>,
        %sub3A_486 = arith.subf %get3A_76, %get3A_485 : vector<16xf32>
        %abs3A_487 = math.absf %sub3A_486 : vector<16xf32>
        %add3A_488 = arith.addf %abs3A_482, %abs3A_487 : vector<16xf32>
        %get3A_489 = arith.index_cast %add3A_477 : i32 to index
        %get3A_490 = arith.constant 32 : index
        %get3A_491 = tpu.vector_load %arg7[%get3A_489, %get3A_490] {strides = array<i32>} : memref<128x128xf32, #tpu.memory_space<vmem>>, vector<16xf32>,
        %sub3A_492 = arith.subf %get3A_81, %get3A_491 : vector<16xf32>
        %abs3A_493 = math.absf %sub3A_492 : vector<16xf32>
        %add3A_494 = arith.addf %add3A_488, %abs3A_493 : vector<16xf32>
        %get3A_495 = arith.index_cast %add3A_477 : i32 to index
        %get3A_496 = arith.constant 48 : index
        %get3A_497 = tpu.vector_load %arg7[%get3A_495, %get3A_496] {strides = array<i32>} : memref<128x128xf32, #tpu.memory_space<vmem>>, vector<16xf32>,
        %sub3A_498 = arith.subf %get3A_86, %get3A_497 : vector<16xf32>
        %abs3A_499 = math.absf %sub3A_498 : vector<16xf32>
        %add3A_500 = arith.addf %add3A_494, %abs3A_499 : vector<16xf32>
        %get3A_501 = arith.index_cast %add3A_477 : i32 to index
        %get3A_502 = arith.constant 64 : index
        %get3A_503 = tpu.vector_load %arg7[%get3A_501, %get3A_502] {strides = array<i32>} : memref<128x128xf32, #tpu.memory_space<vmem>>, vector<16xf32>,
        %sub3A_504 = arith.subf %get3A_91, %get3A_503 : vector<16xf32>
        %abs3A_505 = math.absf %sub3A_504 : vector<16xf32>
        %add3A_506 = arith.addf %add3A_500, %abs3A_505 : vector<16xf32>
        %get3A_507 = arith.index_cast %add3A_477 : i32 to index
        %get3A_508 = arith.constant 80 : index
        %get3A_509 = tpu.vector_load %arg7[%get3A_507, %get3A_508] {strides = array<i32>} : memref<128x128xf32, #tpu.memory_space<vmem>>, vector<16xf32>,
        %sub3A_510 = arith.subf %get3A_96, %get3A_509 : vector<16xf32>
        %abs3A_511 = math.absf %sub3A_510 : vector<16xf32>
        %add3A_512 = arith.addf %add3A_506, %abs3A_511 : vector<16xf32>
        %get3A_513 = arith.index_cast %add3A_477 : i32 to index
        %get3A_514 = arith.constant 96 : index
        %get3A_515 = tpu.vector_load %arg7[%get3A_513, %get3A_514] {strides = array<i32>} : memref<128x128xf32, #tpu.memory_space<vmem>>, vector<16xf32>,
        %sub3A_516 = arith.subf %get3A_101, %get3A_515 : vector<16xf32>
        %abs3A_517 = math.absf %sub3A_516 : vector<16xf32>
        %add3A_518 = arith.addf %add3A_512, %abs3A_517 : vector<16xf32>
        %get3A_519 = arith.index_cast %add3A_477 : i32 to index
        %get3A_520 = arith.constant 112 : index
        %get3A_521 = tpu.vector_load %arg7[%get3A_519, %get3A_520] {strides = array<i32>} : memref<128x128xf32, #tpu.memory_space<vmem>>, vector<16xf32>,
        %sub3A_522 = arith.subf %get3A_106, %get3A_521 : vector<16xf32>
        %abs3A_523 = math.absf %sub3A_522 : vector<16xf32>
        %add3A_524 = arith.addf %add3A_518, %abs3A_523 : vector<16xf32>
        %swap3A_525 = arith.constant 6 : i32
        %swap3A_526 = arith.index_cast %swap3A_525 : i32 to index
        %swap3A_527 = arith.constant 0 : index
        %swap3A_528 = tpu.vector_load %arg10[%swap3A_526, %swap3A_527] {strides = array<i32>} : memref<16x16xf32, #tpu.memory_space<vmem>>, vector<16xf32>,
        tpu.vector_store %arg10[%swap3A_526, %swap3A_527], %add3A_524 {strides = array<i32>} : memref<16x16xf32, #tpu.memory_space<vmem>>, vector<16xf32>,
        %mul3A_529 = arith.constant 16 : i32
        %mul3A_530 = arith.muli %scan3A_61, %mul3A_529 : i32
        %add3A_531 = arith.constant 7 : i32
        %add3A_532 = arith.addi %mul3A_530, %add3A_531 : i32
        %get3A_533 = arith.index_cast %add3A_532 : i32 to index
        %get3A_534 = arith.constant 0 : index
        %get3A_535 = tpu.vector_load %arg7[%get3A_533, %get3A_534] {strides = array<i32>} : memref<128x128xf32, #tpu.memory_space<vmem>>, vector<16xf32>,
        %sub3A_536 = arith.subf %get3A_71, %get3A_535 : vector<16xf32>
        %abs3A_537 = math.absf %sub3A_536 : vector<16xf32>
        %get3A_538 = arith.index_cast %add3A_532 : i32 to index
        %get3A_539 = arith.constant 16 : index
        %get3A_540 = tpu.vector_load %arg7[%get3A_538, %get3A_539] {strides = array<i32>} : memref<128x128xf32, #tpu.memory_space<vmem>>, vector<16xf32>,
        %sub3A_541 = arith.subf %get3A_76, %get3A_540 : vector<16xf32>
        %abs3A_542 = math.absf %sub3A_541 : vector<16xf32>
        %add3A_543 = arith.addf %abs3A_537, %abs3A_542 : vector<16xf32>
        %get3A_544 = arith.index_cast %add3A_532 : i32 to index
        %get3A_545 = arith.constant 32 : index
        %get3A_546 = tpu.vector_load %arg7[%get3A_544, %get3A_545] {strides = array<i32>} : memref<128x128xf32, #tpu.memory_space<vmem>>, vector<16xf32>,
        %sub3A_547 = arith.subf %get3A_81, %get3A_546 : vector<16xf32>
        %abs3A_548 = math.absf %sub3A_547 : vector<16xf32>
        %add3A_549 = arith.addf %add3A_543, %abs3A_548 : vector<16xf32>
        %get3A_550 = arith.index_cast %add3A_532 : i32 to index
        %get3A_551 = arith.constant 48 : index
        %get3A_552 = tpu.vector_load %arg7[%get3A_550, %get3A_551] {strides = array<i32>} : memref<128x128xf32, #tpu.memory_space<vmem>>, vector<16xf32>,
        %sub3A_553 = arith.subf %get3A_86, %get3A_552 : vector<16xf32>
        %abs3A_554 = math.absf %sub3A_553 : vector<16xf32>
        %add3A_555 = arith.addf %add3A_549, %abs3A_554 : vector<16xf32>
        %get3A_556 = arith.index_cast %add3A_532 : i32 to index
        %get3A_557 = arith.constant 64 : index
        %get3A_558 = tpu.vector_load %arg7[%get3A_556, %get3A_557] {strides = array<i32>} : memref<128x128xf32, #tpu.memory_space<vmem>>, vector<16xf32>,
        %sub3A_559 = arith.subf %get3A_91, %get3A_558 : vector<16xf32>
        %abs3A_560 = math.absf %sub3A_559 : vector<16xf32>
        %add3A_561 = arith.addf %add3A_555, %abs3A_560 : vector<16xf32>
        %get3A_562 = arith.index_cast %add3A_532 : i32 to index
        %get3A_563 = arith.constant 80 : index
        %get3A_564 = tpu.vector_load %arg7[%get3A_562, %get3A_563] {strides = array<i32>} : memref<128x128xf32, #tpu.memory_space<vmem>>, vector<16xf32>,
        %sub3A_565 = arith.subf %get3A_96, %get3A_564 : vector<16xf32>
        %abs3A_566 = math.absf %sub3A_565 : vector<16xf32>
        %add3A_567 = arith.addf %add3A_561, %abs3A_566 : vector<16xf32>
        %get3A_568 = arith.index_cast %add3A_532 : i32 to index
        %get3A_569 = arith.constant 96 : index
        %get3A_570 = tpu.vector_load %arg7[%get3A_568, %get3A_569] {strides = array<i32>} : memref<128x128xf32, #tpu.memory_space<vmem>>, vector<16xf32>,
        %sub3A_571 = arith.subf %get3A_101, %get3A_570 : vector<16xf32>
        %abs3A_572 = math.absf %sub3A_571 : vector<16xf32>
        %add3A_573 = arith.addf %add3A_567, %abs3A_572 : vector<16xf32>
        %get3A_574 = arith.index_cast %add3A_532 : i32 to index
        %get3A_575 = arith.constant 112 : index
        %get3A_576 = tpu.vector_load %arg7[%get3A_574, %get3A_575] {strides = array<i32>} : memref<128x128xf32, #tpu.memory_space<vmem>>, vector<16xf32>,
        %sub3A_577 = arith.subf %get3A_106, %get3A_576 : vector<16xf32>
        %abs3A_578 = math.absf %sub3A_577 : vector<16xf32>
        %add3A_579 = arith.addf %add3A_573, %abs3A_578 : vector<16xf32>
        %swap3A_580 = arith.constant 7 : i32
        %swap3A_581 = arith.index_cast %swap3A_580 : i32 to index
        %swap3A_582 = arith.constant 0 : index
        %swap3A_583 = tpu.vector_load %arg10[%swap3A_581, %swap3A_582] {strides = array<i32>} : memref<16x16xf32, #tpu.memory_space<vmem>>, vector<16xf32>,
        tpu.vector_store %arg10[%swap3A_581, %swap3A_582], %add3A_579 {strides = array<i32>} : memref<16x16xf32, #tpu.memory_space<vmem>>, vector<16xf32>,
        %mul3A_584 = arith.constant 16 : i32
        %mul3A_585 = arith.muli %scan3A_61, %mul3A_584 : i32
        %add3A_586 = arith.constant 8 : i32
        %add3A_587 = arith.addi %mul3A_585, %add3A_586 : i32
        %get3A_588 = arith.index_cast %add3A_587 : i32 to index
        %get3A_589 = arith.constant 0 : index
        %get3A_590 = tpu.vector_load %arg7[%get3A_588, %get3A_589] {strides = array<i32>} : memref<128x128xf32, #tpu.memory_space<vmem>>, vector<16xf32>,
        %sub3A_591 = arith.subf %get3A_111, %get3A_590 : vector<16xf32>
        %abs3A_592 = math.absf %sub3A_591 : vector<16xf32>
        %get3A_593 = arith.index_cast %add3A_587 : i32 to index
        %get3A_594 = arith.constant 16 : index
        %get3A_595 = tpu.vector_load %arg7[%get3A_593, %get3A_594] {strides = array<i32>} : memref<128x128xf32, #tpu.memory_space<vmem>>, vector<16xf32>,
        %sub3A_596 = arith.subf %get3A_116, %get3A_595 : vector<16xf32>
        %abs3A_597 = math.absf %sub3A_596 : vector<16xf32>
        %add3A_598 = arith.addf %abs3A_592, %abs3A_597 : vector<16xf32>
        %get3A_599 = arith.index_cast %add3A_587 : i32 to index
        %get3A_600 = arith.constant 32 : index
        %get3A_601 = tpu.vector_load %arg7[%get3A_599, %get3A_600] {strides = array<i32>} : memref<128x128xf32, #tpu.memory_space<vmem>>, vector<16xf32>,
        %sub3A_602 = arith.subf %get3A_121, %get3A_601 : vector<16xf32>
        %abs3A_603 = math.absf %sub3A_602 : vector<16xf32>
        %add3A_604 = arith.addf %add3A_598, %abs3A_603 : vector<16xf32>
        %get3A_605 = arith.index_cast %add3A_587 : i32 to index
        %get3A_606 = arith.constant 48 : index
        %get3A_607 = tpu.vector_load %arg7[%get3A_605, %get3A_606] {strides = array<i32>} : memref<128x128xf32, #tpu.memory_space<vmem>>, vector<16xf32>,
        %sub3A_608 = arith.subf %get3A_126, %get3A_607 : vector<16xf32>
        %abs3A_609 = math.absf %sub3A_608 : vector<16xf32>
        %add3A_610 = arith.addf %add3A_604, %abs3A_609 : vector<16xf32>
        %get3A_611 = arith.index_cast %add3A_587 : i32 to index
        %get3A_612 = arith.constant 64 : index
        %get3A_613 = tpu.vector_load %arg7[%get3A_611, %get3A_612] {strides = array<i32>} : memref<128x128xf32, #tpu.memory_space<vmem>>, vector<16xf32>,
        %sub3A_614 = arith.subf %get3A_131, %get3A_613 : vector<16xf32>
        %abs3A_615 = math.absf %sub3A_614 : vector<16xf32>
        %add3A_616 = arith.addf %add3A_610, %abs3A_615 : vector<16xf32>
        %get3A_617 = arith.index_cast %add3A_587 : i32 to index
        %get3A_618 = arith.constant 80 : index
        %get3A_619 = tpu.vector_load %arg7[%get3A_617, %get3A_618] {strides = array<i32>} : memref<128x128xf32, #tpu.memory_space<vmem>>, vector<16xf32>,
        %sub3A_620 = arith.subf %get3A_136, %get3A_619 : vector<16xf32>
        %abs3A_621 = math.absf %sub3A_620 : vector<16xf32>
        %add3A_622 = arith.addf %add3A_616, %abs3A_621 : vector<16xf32>
        %get3A_623 = arith.index_cast %add3A_587 : i32 to index
        %get3A_624 = arith.constant 96 : index
        %get3A_625 = tpu.vector_load %arg7[%get3A_623, %get3A_624] {strides = array<i32>} : memref<128x128xf32, #tpu.memory_space<vmem>>, vector<16xf32>,
        %sub3A_626 = arith.subf %get3A_141, %get3A_625 : vector<16xf32>
        %abs3A_627 = math.absf %sub3A_626 : vector<16xf32>
        %add3A_628 = arith.addf %add3A_622, %abs3A_627 : vector<16xf32>
        %get3A_629 = arith.index_cast %add3A_587 : i32 to index
        %get3A_630 = arith.constant 112 : index
        %get3A_631 = tpu.vector_load %arg7[%get3A_629, %get3A_630] {strides = array<i32>} : memref<128x128xf32, #tpu.memory_space<vmem>>, vector<16xf32>,
        %sub3A_632 = arith.subf %get3A_146, %get3A_631 : vector<16xf32>
        %abs3A_633 = math.absf %sub3A_632 : vector<16xf32>
        %add3A_634 = arith.addf %add3A_628, %abs3A_633 : vector<16xf32>
        %swap3A_635 = arith.constant 8 : i32
        %swap3A_636 = arith.index_cast %swap3A_635 : i32 to index
        %swap3A_637 = arith.constant 0 : index
        %swap3A_638 = tpu.vector_load %arg10[%swap3A_636, %swap3A_637] {strides = array<i32>} : memref<16x16xf32, #tpu.memory_space<vmem>>, vector<16xf32>,
        tpu.vector_store %arg10[%swap3A_636, %swap3A_637], %add3A_634 {strides = array<i32>} : memref<16x16xf32, #tpu.memory_space<vmem>>, vector<16xf32>,
        %mul3A_639 = arith.constant 16 : i32
        %mul3A_640 = arith.muli %scan3A_61, %mul3A_639 : i32
        %add3A_641 = arith.constant 9 : i32
        %add3A_642 = arith.addi %mul3A_640, %add3A_641 : i32
        %get3A_643 = arith.index_cast %add3A_642 : i32 to index
        %get3A_644 = arith.constant 0 : index
        %get3A_645 = tpu.vector_load %arg7[%get3A_643, %get3A_644] {strides = array<i32>} : memref<128x128xf32, #tpu.memory_space<vmem>>, vector<16xf32>,
        %sub3A_646 = arith.subf %get3A_111, %get3A_645 : vector<16xf32>
        %abs3A_647 = math.absf %sub3A_646 : vector<16xf32>
        %get3A_648 = arith.index_cast %add3A_642 : i32 to index
        %get3A_649 = arith.constant 16 : index
        %get3A_650 = tpu.vector_load %arg7[%get3A_648, %get3A_649] {strides = array<i32>} : memref<128x128xf32, #tpu.memory_space<vmem>>, vector<16xf32>,
        %sub3A_651 = arith.subf %get3A_116, %get3A_650 : vector<16xf32>
        %abs3A_652 = math.absf %sub3A_651 : vector<16xf32>
        %add3A_653 = arith.addf %abs3A_647, %abs3A_652 : vector<16xf32>
        %get3A_654 = arith.index_cast %add3A_642 : i32 to index
        %get3A_655 = arith.constant 32 : index
        %get3A_656 = tpu.vector_load %arg7[%get3A_654, %get3A_655] {strides = array<i32>} : memref<128x128xf32, #tpu.memory_space<vmem>>, vector<16xf32>,
        %sub3A_657 = arith.subf %get3A_121, %get3A_656 : vector<16xf32>
        %abs3A_658 = math.absf %sub3A_657 : vector<16xf32>
        %add3A_659 = arith.addf %add3A_653, %abs3A_658 : vector<16xf32>
        %get3A_660 = arith.index_cast %add3A_642 : i32 to index
        %get3A_661 = arith.constant 48 : index
        %get3A_662 = tpu.vector_load %arg7[%get3A_660, %get3A_661] {strides = array<i32>} : memref<128x128xf32, #tpu.memory_space<vmem>>, vector<16xf32>,
        %sub3A_663 = arith.subf %get3A_126, %get3A_662 : vector<16xf32>
        %abs3A_664 = math.absf %sub3A_663 : vector<16xf32>
        %add3A_665 = arith.addf %add3A_659, %abs3A_664 : vector<16xf32>
        %get3A_666 = arith.index_cast %add3A_642 : i32 to index
        %get3A_667 = arith.constant 64 : index
        %get3A_668 = tpu.vector_load %arg7[%get3A_666, %get3A_667] {strides = array<i32>} : memref<128x128xf32, #tpu.memory_space<vmem>>, vector<16xf32>,
        %sub3A_669 = arith.subf %get3A_131, %get3A_668 : vector<16xf32>
        %abs3A_670 = math.absf %sub3A_669 : vector<16xf32>
        %add3A_671 = arith.addf %add3A_665, %abs3A_670 : vector<16xf32>
        %get3A_672 = arith.index_cast %add3A_642 : i32 to index
        %get3A_673 = arith.constant 80 : index
        %get3A_674 = tpu.vector_load %arg7[%get3A_672, %get3A_673] {strides = array<i32>} : memref<128x128xf32, #tpu.memory_space<vmem>>, vector<16xf32>,
        %sub3A_675 = arith.subf %get3A_136, %get3A_674 : vector<16xf32>
        %abs3A_676 = math.absf %sub3A_675 : vector<16xf32>
        %add3A_677 = arith.addf %add3A_671, %abs3A_676 : vector<16xf32>
        %get3A_678 = arith.index_cast %add3A_642 : i32 to index
        %get3A_679 = arith.constant 96 : index
        %get3A_680 = tpu.vector_load %arg7[%get3A_678, %get3A_679] {strides = array<i32>} : memref<128x128xf32, #tpu.memory_space<vmem>>, vector<16xf32>,
        %sub3A_681 = arith.subf %get3A_141, %get3A_680 : vector<16xf32>
        %abs3A_682 = math.absf %sub3A_681 : vector<16xf32>
        %add3A_683 = arith.addf %add3A_677, %abs3A_682 : vector<16xf32>
        %get3A_684 = arith.index_cast %add3A_642 : i32 to index
        %get3A_685 = arith.constant 112 : index
        %get3A_686 = tpu.vector_load %arg7[%get3A_684, %get3A_685] {strides = array<i32>} : memref<128x128xf32, #tpu.memory_space<vmem>>, vector<16xf32>,
        %sub3A_687 = arith.subf %get3A_146, %get3A_686 : vector<16xf32>
        %abs3A_688 = math.absf %sub3A_687 : vector<16xf32>
        %add3A_689 = arith.addf %add3A_683, %abs3A_688 : vector<16xf32>
        %swap3A_690 = arith.constant 9 : i32
        %swap3A_691 = arith.index_cast %swap3A_690 : i32 to index
        %swap3A_692 = arith.constant 0 : index
        %swap3A_693 = tpu.vector_load %arg10[%swap3A_691, %swap3A_692] {strides = array<i32>} : memref<16x16xf32, #tpu.memory_space<vmem>>, vector<16xf32>,
        tpu.vector_store %arg10[%swap3A_691, %swap3A_692], %add3A_689 {strides = array<i32>} : memref<16x16xf32, #tpu.memory_space<vmem>>, vector<16xf32>,
        %mul3A_694 = arith.constant 16 : i32
        %mul3A_695 = arith.muli %scan3A_61, %mul3A_694 : i32
        %add3A_696 = arith.constant 10 : i32
        %add3A_697 = arith.addi %mul3A_695, %add3A_696 : i32
        %get3A_698 = arith.index_cast %add3A_697 : i32 to index
        %get3A_699 = arith.constant 0 : index
        %get3A_700 = tpu.vector_load %arg7[%get3A_698, %get3A_699] {strides = array<i32>} : memref<128x128xf32, #tpu.memory_space<vmem>>, vector<16xf32>,
        %sub3A_701 = arith.subf %get3A_111, %get3A_700 : vector<16xf32>
        %abs3A_702 = math.absf %sub3A_701 : vector<16xf32>
        %get3A_703 = arith.index_cast %add3A_697 : i32 to index
        %get3A_704 = arith.constant 16 : index
        %get3A_705 = tpu.vector_load %arg7[%get3A_703, %get3A_704] {strides = array<i32>} : memref<128x128xf32, #tpu.memory_space<vmem>>, vector<16xf32>,
        %sub3A_706 = arith.subf %get3A_116, %get3A_705 : vector<16xf32>
        %abs3A_707 = math.absf %sub3A_706 : vector<16xf32>
        %add3A_708 = arith.addf %abs3A_702, %abs3A_707 : vector<16xf32>
        %get3A_709 = arith.index_cast %add3A_697 : i32 to index
        %get3A_710 = arith.constant 32 : index
        %get3A_711 = tpu.vector_load %arg7[%get3A_709, %get3A_710] {strides = array<i32>} : memref<128x128xf32, #tpu.memory_space<vmem>>, vector<16xf32>,
        %sub3A_712 = arith.subf %get3A_121, %get3A_711 : vector<16xf32>
        %abs3A_713 = math.absf %sub3A_712 : vector<16xf32>
        %add3A_714 = arith.addf %add3A_708, %abs3A_713 : vector<16xf32>
        %get3A_715 = arith.index_cast %add3A_697 : i32 to index
        %get3A_716 = arith.constant 48 : index
        %get3A_717 = tpu.vector_load %arg7[%get3A_715, %get3A_716] {strides = array<i32>} : memref<128x128xf32, #tpu.memory_space<vmem>>, vector<16xf32>,
        %sub3A_718 = arith.subf %get3A_126, %get3A_717 : vector<16xf32>
        %abs3A_719 = math.absf %sub3A_718 : vector<16xf32>
        %add3A_720 = arith.addf %add3A_714, %abs3A_719 : vector<16xf32>
        %get3A_721 = arith.index_cast %add3A_697 : i32 to index
        %get3A_722 = arith.constant 64 : index
        %get3A_723 = tpu.vector_load %arg7[%get3A_721, %get3A_722] {strides = array<i32>} : memref<128x128xf32, #tpu.memory_space<vmem>>, vector<16xf32>,
        %sub3A_724 = arith.subf %get3A_131, %get3A_723 : vector<16xf32>
        %abs3A_725 = math.absf %sub3A_724 : vector<16xf32>
        %add3A_726 = arith.addf %add3A_720, %abs3A_725 : vector<16xf32>
        %get3A_727 = arith.index_cast %add3A_697 : i32 to index
        %get3A_728 = arith.constant 80 : index
        %get3A_729 = tpu.vector_load %arg7[%get3A_727, %get3A_728] {strides = array<i32>} : memref<128x128xf32, #tpu.memory_space<vmem>>, vector<16xf32>,
        %sub3A_730 = arith.subf %get3A_136, %get3A_729 : vector<16xf32>
        %abs3A_731 = math.absf %sub3A_730 : vector<16xf32>
        %add3A_732 = arith.addf %add3A_726, %abs3A_731 : vector<16xf32>
        %get3A_733 = arith.index_cast %add3A_697 : i32 to index
        %get3A_734 = arith.constant 96 : index
        %get3A_735 = tpu.vector_load %arg7[%get3A_733, %get3A_734] {strides = array<i32>} : memref<128x128xf32, #tpu.memory_space<vmem>>, vector<16xf32>,
        %sub3A_736 = arith.subf %get3A_141, %get3A_735 : vector<16xf32>
        %abs3A_737 = math.absf %sub3A_736 : vector<16xf32>
        %add3A_738 = arith.addf %add3A_732, %abs3A_737 : vector<16xf32>
        %get3A_739 = arith.index_cast %add3A_697 : i32 to index
        %get3A_740 = arith.constant 112 : index
        %get3A_741 = tpu.vector_load %arg7[%get3A_739, %get3A_740] {strides = array<i32>} : memref<128x128xf32, #tpu.memory_space<vmem>>, vector<16xf32>,
        %sub3A_742 = arith.subf %get3A_146, %get3A_741 : vector<16xf32>
        %abs3A_743 = math.absf %sub3A_742 : vector<16xf32>
        %add3A_744 = arith.addf %add3A_738, %abs3A_743 : vector<16xf32>
        %swap3A_745 = arith.constant 10 : i32
        %swap3A_746 = arith.index_cast %swap3A_745 : i32 to index
        %swap3A_747 = arith.constant 0 : index
        %swap3A_748 = tpu.vector_load %arg10[%swap3A_746, %swap3A_747] {strides = array<i32>} : memref<16x16xf32, #tpu.memory_space<vmem>>, vector<16xf32>,
        tpu.vector_store %arg10[%swap3A_746, %swap3A_747], %add3A_744 {strides = array<i32>} : memref<16x16xf32, #tpu.memory_space<vmem>>, vector<16xf32>,
        %mul3A_749 = arith.constant 16 : i32
        %mul3A_750 = arith.muli %scan3A_61, %mul3A_749 : i32
        %add3A_751 = arith.constant 11 : i32
        %add3A_752 = arith.addi %mul3A_750, %add3A_751 : i32
        %get3A_753 = arith.index_cast %add3A_752 : i32 to index
        %get3A_754 = arith.constant 0 : index
        %get3A_755 = tpu.vector_load %arg7[%get3A_753, %get3A_754] {strides = array<i32>} : memref<128x128xf32, #tpu.memory_space<vmem>>, vector<16xf32>,
        %sub3A_756 = arith.subf %get3A_111, %get3A_755 : vector<16xf32>
        %abs3A_757 = math.absf %sub3A_756 : vector<16xf32>
        %get3A_758 = arith.index_cast %add3A_752 : i32 to index
        %get3A_759 = arith.constant 16 : index
        %get3A_760 = tpu.vector_load %arg7[%get3A_758, %get3A_759] {strides = array<i32>} : memref<128x128xf32, #tpu.memory_space<vmem>>, vector<16xf32>,
        %sub3A_761 = arith.subf %get3A_116, %get3A_760 : vector<16xf32>
        %abs3A_762 = math.absf %sub3A_761 : vector<16xf32>
        %add3A_763 = arith.addf %abs3A_757, %abs3A_762 : vector<16xf32>
        %get3A_764 = arith.index_cast %add3A_752 : i32 to index
        %get3A_765 = arith.constant 32 : index
        %get3A_766 = tpu.vector_load %arg7[%get3A_764, %get3A_765] {strides = array<i32>} : memref<128x128xf32, #tpu.memory_space<vmem>>, vector<16xf32>,
        %sub3A_767 = arith.subf %get3A_121, %get3A_766 : vector<16xf32>
        %abs3A_768 = math.absf %sub3A_767 : vector<16xf32>
        %add3A_769 = arith.addf %add3A_763, %abs3A_768 : vector<16xf32>
        %get3A_770 = arith.index_cast %add3A_752 : i32 to index
        %get3A_771 = arith.constant 48 : index
        %get3A_772 = tpu.vector_load %arg7[%get3A_770, %get3A_771] {strides = array<i32>} : memref<128x128xf32, #tpu.memory_space<vmem>>, vector<16xf32>,
        %sub3A_773 = arith.subf %get3A_126, %get3A_772 : vector<16xf32>
        %abs3A_774 = math.absf %sub3A_773 : vector<16xf32>
        %add3A_775 = arith.addf %add3A_769, %abs3A_774 : vector<16xf32>
        %get3A_776 = arith.index_cast %add3A_752 : i32 to index
        %get3A_777 = arith.constant 64 : index
        %get3A_778 = tpu.vector_load %arg7[%get3A_776, %get3A_777] {strides = array<i32>} : memref<128x128xf32, #tpu.memory_space<vmem>>, vector<16xf32>,
        %sub3A_779 = arith.subf %get3A_131, %get3A_778 : vector<16xf32>
        %abs3A_780 = math.absf %sub3A_779 : vector<16xf32>
        %add3A_781 = arith.addf %add3A_775, %abs3A_780 : vector<16xf32>
        %get3A_782 = arith.index_cast %add3A_752 : i32 to index
        %get3A_783 = arith.constant 80 : index
        %get3A_784 = tpu.vector_load %arg7[%get3A_782, %get3A_783] {strides = array<i32>} : memref<128x128xf32, #tpu.memory_space<vmem>>, vector<16xf32>,
        %sub3A_785 = arith.subf %get3A_136, %get3A_784 : vector<16xf32>
        %abs3A_786 = math.absf %sub3A_785 : vector<16xf32>
        %add3A_787 = arith.addf %add3A_781, %abs3A_786 : vector<16xf32>
        %get3A_788 = arith.index_cast %add3A_752 : i32 to index
        %get3A_789 = arith.constant 96 : index
        %get3A_790 = tpu.vector_load %arg7[%get3A_788, %get3A_789] {strides = array<i32>} : memref<128x128xf32, #tpu.memory_space<vmem>>, vector<16xf32>,
        %sub3A_791 = arith.subf %get3A_141, %get3A_790 : vector<16xf32>
        %abs3A_792 = math.absf %sub3A_791 : vector<16xf32>
        %add3A_793 = arith.addf %add3A_787, %abs3A_792 : vector<16xf32>
        %get3A_794 = arith.index_cast %add3A_752 : i32 to index
        %get3A_795 = arith.constant 112 : index
        %get3A_796 = tpu.vector_load %arg7[%get3A_794, %get3A_795] {strides = array<i32>} : memref<128x128xf32, #tpu.memory_space<vmem>>, vector<16xf32>,
        %sub3A_797 = arith.subf %get3A_146, %get3A_796 : vector<16xf32>
        %abs3A_798 = math.absf %sub3A_797 : vector<16xf32>
        %add3A_799 = arith.addf %add3A_793, %abs3A_798 : vector<16xf32>
        %swap3A_800 = arith.constant 11 : i32
        %swap3A_801 = arith.index_cast %swap3A_800 : i32 to index
        %swap3A_802 = arith.constant 0 : index
        %swap3A_803 = tpu.vector_load %arg10[%swap3A_801, %swap3A_802] {strides = array<i32>} : memref<16x16xf32, #tpu.memory_space<vmem>>, vector<16xf32>,
        tpu.vector_store %arg10[%swap3A_801, %swap3A_802], %add3A_799 {strides = array<i32>} : memref<16x16xf32, #tpu.memory_space<vmem>>, vector<16xf32>,
        %mul3A_804 = arith.constant 16 : i32
        %mul3A_805 = arith.muli %scan3A_61, %mul3A_804 : i32
        %add3A_806 = arith.constant 12 : i32
        %add3A_807 = arith.addi %mul3A_805, %add3A_806 : i32
        %get3A_808 = arith.index_cast %add3A_807 : i32 to index
        %get3A_809 = arith.constant 0 : index
        %get3A_810 = tpu.vector_load %arg7[%get3A_808, %get3A_809] {strides = array<i32>} : memref<128x128xf32, #tpu.memory_space<vmem>>, vector<16xf32>,
        %sub3A_811 = arith.subf %get3A_111, %get3A_810 : vector<16xf32>
        %abs3A_812 = math.absf %sub3A_811 : vector<16xf32>
        %get3A_813 = arith.index_cast %add3A_807 : i32 to index
        %get3A_814 = arith.constant 16 : index
        %get3A_815 = tpu.vector_load %arg7[%get3A_813, %get3A_814] {strides = array<i32>} : memref<128x128xf32, #tpu.memory_space<vmem>>, vector<16xf32>,
        %sub3A_816 = arith.subf %get3A_116, %get3A_815 : vector<16xf32>
        %abs3A_817 = math.absf %sub3A_816 : vector<16xf32>
        %add3A_818 = arith.addf %abs3A_812, %abs3A_817 : vector<16xf32>
        %get3A_819 = arith.index_cast %add3A_807 : i32 to index
        %get3A_820 = arith.constant 32 : index
        %get3A_821 = tpu.vector_load %arg7[%get3A_819, %get3A_820] {strides = array<i32>} : memref<128x128xf32, #tpu.memory_space<vmem>>, vector<16xf32>,
        %sub3A_822 = arith.subf %get3A_121, %get3A_821 : vector<16xf32>
        %abs3A_823 = math.absf %sub3A_822 : vector<16xf32>
        %add3A_824 = arith.addf %add3A_818, %abs3A_823 : vector<16xf32>
        %get3A_825 = arith.index_cast %add3A_807 : i32 to index
        %get3A_826 = arith.constant 48 : index
        %get3A_827 = tpu.vector_load %arg7[%get3A_825, %get3A_826] {strides = array<i32>} : memref<128x128xf32, #tpu.memory_space<vmem>>, vector<16xf32>,
        %sub3A_828 = arith.subf %get3A_126, %get3A_827 : vector<16xf32>
        %abs3A_829 = math.absf %sub3A_828 : vector<16xf32>
        %add3A_830 = arith.addf %add3A_824, %abs3A_829 : vector<16xf32>
        %get3A_831 = arith.index_cast %add3A_807 : i32 to index
        %get3A_832 = arith.constant 64 : index
        %get3A_833 = tpu.vector_load %arg7[%get3A_831, %get3A_832] {strides = array<i32>} : memref<128x128xf32, #tpu.memory_space<vmem>>, vector<16xf32>,
        %sub3A_834 = arith.subf %get3A_131, %get3A_833 : vector<16xf32>
        %abs3A_835 = math.absf %sub3A_834 : vector<16xf32>
        %add3A_836 = arith.addf %add3A_830, %abs3A_835 : vector<16xf32>
        %get3A_837 = arith.index_cast %add3A_807 : i32 to index
        %get3A_838 = arith.constant 80 : index
        %get3A_839 = tpu.vector_load %arg7[%get3A_837, %get3A_838] {strides = array<i32>} : memref<128x128xf32, #tpu.memory_space<vmem>>, vector<16xf32>,
        %sub3A_840 = arith.subf %get3A_136, %get3A_839 : vector<16xf32>
        %abs3A_841 = math.absf %sub3A_840 : vector<16xf32>
        %add3A_842 = arith.addf %add3A_836, %abs3A_841 : vector<16xf32>
        %get3A_843 = arith.index_cast %add3A_807 : i32 to index
        %get3A_844 = arith.constant 96 : index
        %get3A_845 = tpu.vector_load %arg7[%get3A_843, %get3A_844] {strides = array<i32>} : memref<128x128xf32, #tpu.memory_space<vmem>>, vector<16xf32>,
        %sub3A_846 = arith.subf %get3A_141, %get3A_845 : vector<16xf32>
        %abs3A_847 = math.absf %sub3A_846 : vector<16xf32>
        %add3A_848 = arith.addf %add3A_842, %abs3A_847 : vector<16xf32>
        %get3A_849 = arith.index_cast %add3A_807 : i32 to index
        %get3A_850 = arith.constant 112 : index
        %get3A_851 = tpu.vector_load %arg7[%get3A_849, %get3A_850] {strides = array<i32>} : memref<128x128xf32, #tpu.memory_space<vmem>>, vector<16xf32>,
        %sub3A_852 = arith.subf %get3A_146, %get3A_851 : vector<16xf32>
        %abs3A_853 = math.absf %sub3A_852 : vector<16xf32>
        %add3A_854 = arith.addf %add3A_848, %abs3A_853 : vector<16xf32>
        %swap3A_855 = arith.constant 12 : i32
        %swap3A_856 = arith.index_cast %swap3A_855 : i32 to index
        %swap3A_857 = arith.constant 0 : index
        %swap3A_858 = tpu.vector_load %arg10[%swap3A_856, %swap3A_857] {strides = array<i32>} : memref<16x16xf32, #tpu.memory_space<vmem>>, vector<16xf32>,
        tpu.vector_store %arg10[%swap3A_856, %swap3A_857], %add3A_854 {strides = array<i32>} : memref<16x16xf32, #tpu.memory_space<vmem>>, vector<16xf32>,
        %mul3A_859 = arith.constant 16 : i32
        %mul3A_860 = arith.muli %scan3A_61, %mul3A_859 : i32
        %add3A_861 = arith.constant 13 : i32
        %add3A_862 = arith.addi %mul3A_860, %add3A_861 : i32
        %get3A_863 = arith.index_cast %add3A_862 : i32 to index
        %get3A_864 = arith.constant 0 : index
        %get3A_865 = tpu.vector_load %arg7[%get3A_863, %get3A_864] {strides = array<i32>} : memref<128x128xf32, #tpu.memory_space<vmem>>, vector<16xf32>,
        %sub3A_866 = arith.subf %get3A_111, %get3A_865 : vector<16xf32>
        %abs3A_867 = math.absf %sub3A_866 : vector<16xf32>
        %get3A_868 = arith.index_cast %add3A_862 : i32 to index
        %get3A_869 = arith.constant 16 : index
        %get3A_870 = tpu.vector_load %arg7[%get3A_868, %get3A_869] {strides = array<i32>} : memref<128x128xf32, #tpu.memory_space<vmem>>, vector<16xf32>,
        %sub3A_871 = arith.subf %get3A_116, %get3A_870 : vector<16xf32>
        %abs3A_872 = math.absf %sub3A_871 : vector<16xf32>
        %add3A_873 = arith.addf %abs3A_867, %abs3A_872 : vector<16xf32>
        %get3A_874 = arith.index_cast %add3A_862 : i32 to index
        %get3A_875 = arith.constant 32 : index
        %get3A_876 = tpu.vector_load %arg7[%get3A_874, %get3A_875] {strides = array<i32>} : memref<128x128xf32, #tpu.memory_space<vmem>>, vector<16xf32>,
        %sub3A_877 = arith.subf %get3A_121, %get3A_876 : vector<16xf32>
        %abs3A_878 = math.absf %sub3A_877 : vector<16xf32>
        %add3A_879 = arith.addf %add3A_873, %abs3A_878 : vector<16xf32>
        %get3A_880 = arith.index_cast %add3A_862 : i32 to index
        %get3A_881 = arith.constant 48 : index
        %get3A_882 = tpu.vector_load %arg7[%get3A_880, %get3A_881] {strides = array<i32>} : memref<128x128xf32, #tpu.memory_space<vmem>>, vector<16xf32>,
        %sub3A_883 = arith.subf %get3A_126, %get3A_882 : vector<16xf32>
        %abs3A_884 = math.absf %sub3A_883 : vector<16xf32>
        %add3A_885 = arith.addf %add3A_879, %abs3A_884 : vector<16xf32>
        %get3A_886 = arith.index_cast %add3A_862 : i32 to index
        %get3A_887 = arith.constant 64 : index
        %get3A_888 = tpu.vector_load %arg7[%get3A_886, %get3A_887] {strides = array<i32>} : memref<128x128xf32, #tpu.memory_space<vmem>>, vector<16xf32>,
        %sub3A_889 = arith.subf %get3A_131, %get3A_888 : vector<16xf32>
        %abs3A_890 = math.absf %sub3A_889 : vector<16xf32>
        %add3A_891 = arith.addf %add3A_885, %abs3A_890 : vector<16xf32>
        %get3A_892 = arith.index_cast %add3A_862 : i32 to index
        %get3A_893 = arith.constant 80 : index
        %get3A_894 = tpu.vector_load %arg7[%get3A_892, %get3A_893] {strides = array<i32>} : memref<128x128xf32, #tpu.memory_space<vmem>>, vector<16xf32>,
        %sub3A_895 = arith.subf %get3A_136, %get3A_894 : vector<16xf32>
        %abs3A_896 = math.absf %sub3A_895 : vector<16xf32>
        %add3A_897 = arith.addf %add3A_891, %abs3A_896 : vector<16xf32>
        %get3A_898 = arith.index_cast %add3A_862 : i32 to index
        %get3A_899 = arith.constant 96 : index
        %get3A_900 = tpu.vector_load %arg7[%get3A_898, %get3A_899] {strides = array<i32>} : memref<128x128xf32, #tpu.memory_space<vmem>>, vector<16xf32>,
        %sub3A_901 = arith.subf %get3A_141, %get3A_900 : vector<16xf32>
        %abs3A_902 = math.absf %sub3A_901 : vector<16xf32>
        %add3A_903 = arith.addf %add3A_897, %abs3A_902 : vector<16xf32>
        %get3A_904 = arith.index_cast %add3A_862 : i32 to index
        %get3A_905 = arith.constant 112 : index
        %get3A_906 = tpu.vector_load %arg7[%get3A_904, %get3A_905] {strides = array<i32>} : memref<128x128xf32, #tpu.memory_space<vmem>>, vector<16xf32>,
        %sub3A_907 = arith.subf %get3A_146, %get3A_906 : vector<16xf32>
        %abs3A_908 = math.absf %sub3A_907 : vector<16xf32>
        %add3A_909 = arith.addf %add3A_903, %abs3A_908 : vector<16xf32>
        %swap3A_910 = arith.constant 13 : i32
        %swap3A_911 = arith.index_cast %swap3A_910 : i32 to index
        %swap3A_912 = arith.constant 0 : index
        %swap3A_913 = tpu.vector_load %arg10[%swap3A_911, %swap3A_912] {strides = array<i32>} : memref<16x16xf32, #tpu.memory_space<vmem>>, vector<16xf32>,
        tpu.vector_store %arg10[%swap3A_911, %swap3A_912], %add3A_909 {strides = array<i32>} : memref<16x16xf32, #tpu.memory_space<vmem>>, vector<16xf32>,
        %mul3A_914 = arith.constant 16 : i32
        %mul3A_915 = arith.muli %scan3A_61, %mul3A_914 : i32
        %add3A_916 = arith.constant 14 : i32
        %add3A_917 = arith.addi %mul3A_915, %add3A_916 : i32
        %get3A_918 = arith.index_cast %add3A_917 : i32 to index
        %get3A_919 = arith.constant 0 : index
        %get3A_920 = tpu.vector_load %arg7[%get3A_918, %get3A_919] {strides = array<i32>} : memref<128x128xf32, #tpu.memory_space<vmem>>, vector<16xf32>,
        %sub3A_921 = arith.subf %get3A_111, %get3A_920 : vector<16xf32>
        %abs3A_922 = math.absf %sub3A_921 : vector<16xf32>
        %get3A_923 = arith.index_cast %add3A_917 : i32 to index
        %get3A_924 = arith.constant 16 : index
        %get3A_925 = tpu.vector_load %arg7[%get3A_923, %get3A_924] {strides = array<i32>} : memref<128x128xf32, #tpu.memory_space<vmem>>, vector<16xf32>,
        %sub3A_926 = arith.subf %get3A_116, %get3A_925 : vector<16xf32>
        %abs3A_927 = math.absf %sub3A_926 : vector<16xf32>
        %add3A_928 = arith.addf %abs3A_922, %abs3A_927 : vector<16xf32>
        %get3A_929 = arith.index_cast %add3A_917 : i32 to index
        %get3A_930 = arith.constant 32 : index
        %get3A_931 = tpu.vector_load %arg7[%get3A_929, %get3A_930] {strides = array<i32>} : memref<128x128xf32, #tpu.memory_space<vmem>>, vector<16xf32>,
        %sub3A_932 = arith.subf %get3A_121, %get3A_931 : vector<16xf32>
        %abs3A_933 = math.absf %sub3A_932 : vector<16xf32>
        %add3A_934 = arith.addf %add3A_928, %abs3A_933 : vector<16xf32>
        %get3A_935 = arith.index_cast %add3A_917 : i32 to index
        %get3A_936 = arith.constant 48 : index
        %get3A_937 = tpu.vector_load %arg7[%get3A_935, %get3A_936] {strides = array<i32>} : memref<128x128xf32, #tpu.memory_space<vmem>>, vector<16xf32>,
        %sub3A_938 = arith.subf %get3A_126, %get3A_937 : vector<16xf32>
        %abs3A_939 = math.absf %sub3A_938 : vector<16xf32>
        %add3A_940 = arith.addf %add3A_934, %abs3A_939 : vector<16xf32>
        %get3A_941 = arith.index_cast %add3A_917 : i32 to index
        %get3A_942 = arith.constant 64 : index
        %get3A_943 = tpu.vector_load %arg7[%get3A_941, %get3A_942] {strides = array<i32>} : memref<128x128xf32, #tpu.memory_space<vmem>>, vector<16xf32>,
        %sub3A_944 = arith.subf %get3A_131, %get3A_943 : vector<16xf32>
        %abs3A_945 = math.absf %sub3A_944 : vector<16xf32>
        %add3A_946 = arith.addf %add3A_940, %abs3A_945 : vector<16xf32>
        %get3A_947 = arith.index_cast %add3A_917 : i32 to index
        %get3A_948 = arith.constant 80 : index
        %get3A_949 = tpu.vector_load %arg7[%get3A_947, %get3A_948] {strides = array<i32>} : memref<128x128xf32, #tpu.memory_space<vmem>>, vector<16xf32>,
        %sub3A_950 = arith.subf %get3A_136, %get3A_949 : vector<16xf32>
        %abs3A_951 = math.absf %sub3A_950 : vector<16xf32>
        %add3A_952 = arith.addf %add3A_946, %abs3A_951 : vector<16xf32>
        %get3A_953 = arith.index_cast %add3A_917 : i32 to index
        %get3A_954 = arith.constant 96 : index
        %get3A_955 = tpu.vector_load %arg7[%get3A_953, %get3A_954] {strides = array<i32>} : memref<128x128xf32, #tpu.memory_space<vmem>>, vector<16xf32>,
        %sub3A_956 = arith.subf %get3A_141, %get3A_955 : vector<16xf32>
        %abs3A_957 = math.absf %sub3A_956 : vector<16xf32>
        %add3A_958 = arith.addf %add3A_952, %abs3A_957 : vector<16xf32>
        %get3A_959 = arith.index_cast %add3A_917 : i32 to index
        %get3A_960 = arith.constant 112 : index
        %get3A_961 = tpu.vector_load %arg7[%get3A_959, %get3A_960] {strides = array<i32>} : memref<128x128xf32, #tpu.memory_space<vmem>>, vector<16xf32>,
        %sub3A_962 = arith.subf %get3A_146, %get3A_961 : vector<16xf32>
        %abs3A_963 = math.absf %sub3A_962 : vector<16xf32>
        %add3A_964 = arith.addf %add3A_958, %abs3A_963 : vector<16xf32>
        %swap3A_965 = arith.constant 14 : i32
        %swap3A_966 = arith.index_cast %swap3A_965 : i32 to index
        %swap3A_967 = arith.constant 0 : index
        %swap3A_968 = tpu.vector_load %arg10[%swap3A_966, %swap3A_967] {strides = array<i32>} : memref<16x16xf32, #tpu.memory_space<vmem>>, vector<16xf32>,
        tpu.vector_store %arg10[%swap3A_966, %swap3A_967], %add3A_964 {strides = array<i32>} : memref<16x16xf32, #tpu.memory_space<vmem>>, vector<16xf32>,
        %mul3A_969 = arith.constant 16 : i32
        %mul3A_970 = arith.muli %scan3A_61, %mul3A_969 : i32
        %add3A_971 = arith.constant 15 : i32
        %add3A_972 = arith.addi %mul3A_970, %add3A_971 : i32
        %get3A_973 = arith.index_cast %add3A_972 : i32 to index
        %get3A_974 = arith.constant 0 : index
        %get3A_975 = tpu.vector_load %arg7[%get3A_973, %get3A_974] {strides = array<i32>} : memref<128x128xf32, #tpu.memory_space<vmem>>, vector<16xf32>,
        %sub3A_976 = arith.subf %get3A_111, %get3A_975 : vector<16xf32>
        %abs3A_977 = math.absf %sub3A_976 : vector<16xf32>
        %get3A_978 = arith.index_cast %add3A_972 : i32 to index
        %get3A_979 = arith.constant 16 : index
        %get3A_980 = tpu.vector_load %arg7[%get3A_978, %get3A_979] {strides = array<i32>} : memref<128x128xf32, #tpu.memory_space<vmem>>, vector<16xf32>,
        %sub3A_981 = arith.subf %get3A_116, %get3A_980 : vector<16xf32>
        %abs3A_982 = math.absf %sub3A_981 : vector<16xf32>
        %add3A_983 = arith.addf %abs3A_977, %abs3A_982 : vector<16xf32>
        %get3A_984 = arith.index_cast %add3A_972 : i32 to index
        %get3A_985 = arith.constant 32 : index
        %get3A_986 = tpu.vector_load %arg7[%get3A_984, %get3A_985] {strides = array<i32>} : memref<128x128xf32, #tpu.memory_space<vmem>>, vector<16xf32>,
        %sub3A_987 = arith.subf %get3A_121, %get3A_986 : vector<16xf32>
        %abs3A_988 = math.absf %sub3A_987 : vector<16xf32>
        %add3A_989 = arith.addf %add3A_983, %abs3A_988 : vector<16xf32>
        %get3A_990 = arith.index_cast %add3A_972 : i32 to index
        %get3A_991 = arith.constant 48 : index
        %get3A_992 = tpu.vector_load %arg7[%get3A_990, %get3A_991] {strides = array<i32>} : memref<128x128xf32, #tpu.memory_space<vmem>>, vector<16xf32>,
        %sub3A_993 = arith.subf %get3A_126, %get3A_992 : vector<16xf32>
        %abs3A_994 = math.absf %sub3A_993 : vector<16xf32>
        %add3A_995 = arith.addf %add3A_989, %abs3A_994 : vector<16xf32>
        %get3A_996 = arith.index_cast %add3A_972 : i32 to index
        %get3A_997 = arith.constant 64 : index
        %get3A_998 = tpu.vector_load %arg7[%get3A_996, %get3A_997] {strides = array<i32>} : memref<128x128xf32, #tpu.memory_space<vmem>>, vector<16xf32>,
        %sub3A_999 = arith.subf %get3A_131, %get3A_998 : vector<16xf32>
        %abs3A_1000 = math.absf %sub3A_999 : vector<16xf32>
        %add3A_1001 = arith.addf %add3A_995, %abs3A_1000 : vector<16xf32>
        %get3A_1002 = arith.index_cast %add3A_972 : i32 to index
        %get3A_1003 = arith.constant 80 : index
        %get3A_1004 = tpu.vector_load %arg7[%get3A_1002, %get3A_1003] {strides = array<i32>} : memref<128x128xf32, #tpu.memory_space<vmem>>, vector<16xf32>,
        %sub3A_1005 = arith.subf %get3A_136, %get3A_1004 : vector<16xf32>
        %abs3A_1006 = math.absf %sub3A_1005 : vector<16xf32>
        %add3A_1007 = arith.addf %add3A_1001, %abs3A_1006 : vector<16xf32>
        %get3A_1008 = arith.index_cast %add3A_972 : i32 to index
        %get3A_1009 = arith.constant 96 : index
        %get3A_1010 = tpu.vector_load %arg7[%get3A_1008, %get3A_1009] {strides = array<i32>} : memref<128x128xf32, #tpu.memory_space<vmem>>, vector<16xf32>,
        %sub3A_1011 = arith.subf %get3A_141, %get3A_1010 : vector<16xf32>
        %abs3A_1012 = math.absf %sub3A_1011 : vector<16xf32>
        %add3A_1013 = arith.addf %add3A_1007, %abs3A_1012 : vector<16xf32>
        %get3A_1014 = arith.index_cast %add3A_972 : i32 to index
        %get3A_1015 = arith.constant 112 : index
        %get3A_1016 = tpu.vector_load %arg7[%get3A_1014, %get3A_1015] {strides = array<i32>} : memref<128x128xf32, #tpu.memory_space<vmem>>, vector<16xf32>,
        %sub3A_1017 = arith.subf %get3A_146, %get3A_1016 : vector<16xf32>
        %abs3A_1018 = math.absf %sub3A_1017 : vector<16xf32>
        %add3A_1019 = arith.addf %add3A_1013, %abs3A_1018 : vector<16xf32>
        %swap3A_1020 = arith.constant 15 : i32
        %swap3A_1021 = arith.index_cast %swap3A_1020 : i32 to index
        %swap3A_1022 = arith.constant 0 : index
        %swap3A_1023 = tpu.vector_load %arg10[%swap3A_1021, %swap3A_1022] {strides = array<i32>} : memref<16x16xf32, #tpu.memory_space<vmem>>, vector<16xf32>,
        tpu.vector_store %arg10[%swap3A_1021, %swap3A_1022], %add3A_1019 {strides = array<i32>} : memref<16x16xf32, #tpu.memory_space<vmem>>, vector<16xf32>,
        %broadcast_in_dim3A = arith.constant 0 : i32
        %broadcast_in_dim3A_1024 = vector.broadcast %broadcast_in_dim3A : i32 to vector<16xi32>
        %gather3A = tpu.vector_load_idx %arg10[%iota3A, %broadcast_in_dim3A_1024] : memref<16x16xf32, #tpu.memory_space<vmem>>[vector<16xi32>, vector<16xi32>], vector<16xf32>,
        %broadcast_in_dim3A_1025 = arith.constant 1 : i32
        %broadcast_in_dim3A_1026 = vector.broadcast %broadcast_in_dim3A_1025 : i32 to vector<16xi32>
        %gather3A_1027 = tpu.vector_load_idx %arg10[%iota3A, %broadcast_in_dim3A_1026] : memref<16x16xf32, #tpu.memory_space<vmem>>[vector<16xi32>, vector<16xi32>], vector<16xf32>,
        %add3A_1028 = arith.addf %gather3A, %gather3A_1027 : vector<16xf32>
        %broadcast_in_dim3A_1029 = arith.constant 2 : i32
        %broadcast_in_dim3A_1030 = vector.broadcast %broadcast_in_dim3A_1029 : i32 to vector<16xi32>
        %gather3A_1031 = tpu.vector_load_idx %arg10[%iota3A, %broadcast_in_dim3A_1030] : memref<16x16xf32, #tpu.memory_space<vmem>>[vector<16xi32>, vector<16xi32>], vector<16xf32>,
        %add3A_1032 = arith.addf %add3A_1028, %gather3A_1031 : vector<16xf32>
        %broadcast_in_dim3A_1033 = arith.constant 3 : i32
        %broadcast_in_dim3A_1034 = vector.broadcast %broadcast_in_dim3A_1033 : i32 to vector<16xi32>
        %gather3A_1035 = tpu.vector_load_idx %arg10[%iota3A, %broadcast_in_dim3A_1034] : memref<16x16xf32, #tpu.memory_space<vmem>>[vector<16xi32>, vector<16xi32>], vector<16xf32>,
        %add3A_1036 = arith.addf %add3A_1032, %gather3A_1035 : vector<16xf32>
        %broadcast_in_dim3A_1037 = arith.constant 4 : i32
        %broadcast_in_dim3A_1038 = vector.broadcast %broadcast_in_dim3A_1037 : i32 to vector<16xi32>
        %gather3A_1039 = tpu.vector_load_idx %arg10[%iota3A, %broadcast_in_dim3A_1038] : memref<16x16xf32, #tpu.memory_space<vmem>>[vector<16xi32>, vector<16xi32>], vector<16xf32>,
        %add3A_1040 = arith.addf %add3A_1036, %gather3A_1039 : vector<16xf32>
        %broadcast_in_dim3A_1041 = arith.constant 5 : i32
        %broadcast_in_dim3A_1042 = vector.broadcast %broadcast_in_dim3A_1041 : i32 to vector<16xi32>
        %gather3A_1043 = tpu.vector_load_idx %arg10[%iota3A, %broadcast_in_dim3A_1042] : memref<16x16xf32, #tpu.memory_space<vmem>>[vector<16xi32>, vector<16xi32>], vector<16xf32>,
        %add3A_1044 = arith.addf %add3A_1040, %gather3A_1043 : vector<16xf32>
        %broadcast_in_dim3A_1045 = arith.constant 6 : i32
        %broadcast_in_dim3A_1046 = vector.broadcast %broadcast_in_dim3A_1045 : i32 to vector<16xi32>
        %gather3A_1047 = tpu.vector_load_idx %arg10[%iota3A, %broadcast_in_dim3A_1046] : memref<16x16xf32, #tpu.memory_space<vmem>>[vector<16xi32>, vector<16xi32>], vector<16xf32>,
        %add3A_1048 = arith.addf %add3A_1044, %gather3A_1047 : vector<16xf32>
        %broadcast_in_dim3A_1049 = arith.constant 7 : i32
        %broadcast_in_dim3A_1050 = vector.broadcast %broadcast_in_dim3A_1049 : i32 to vector<16xi32>
        %gather3A_1051 = tpu.vector_load_idx %arg10[%iota3A, %broadcast_in_dim3A_1050] : memref<16x16xf32, #tpu.memory_space<vmem>>[vector<16xi32>, vector<16xi32>], vector<16xf32>,
        %add3A_1052 = arith.addf %add3A_1048, %gather3A_1051 : vector<16xf32>
        %broadcast_in_dim3A_1053 = arith.constant 8 : i32
        %broadcast_in_dim3A_1054 = vector.broadcast %broadcast_in_dim3A_1053 : i32 to vector<16xi32>
        %gather3A_1055 = tpu.vector_load_idx %arg10[%iota3A, %broadcast_in_dim3A_1054] : memref<16x16xf32, #tpu.memory_space<vmem>>[vector<16xi32>, vector<16xi32>], vector<16xf32>,
        %add3A_1056 = arith.addf %add3A_1052, %gather3A_1055 : vector<16xf32>
        %broadcast_in_dim3A_1057 = arith.constant 9 : i32
        %broadcast_in_dim3A_1058 = vector.broadcast %broadcast_in_dim3A_1057 : i32 to vector<16xi32>
        %gather3A_1059 = tpu.vector_load_idx %arg10[%iota3A, %broadcast_in_dim3A_1058] : memref<16x16xf32, #tpu.memory_space<vmem>>[vector<16xi32>, vector<16xi32>], vector<16xf32>,
        %add3A_1060 = arith.addf %add3A_1056, %gather3A_1059 : vector<16xf32>
        %broadcast_in_dim3A_1061 = arith.constant 10 : i32
        %broadcast_in_dim3A_1062 = vector.broadcast %broadcast_in_dim3A_1061 : i32 to vector<16xi32>
        %gather3A_1063 = tpu.vector_load_idx %arg10[%iota3A, %broadcast_in_dim3A_1062] : memref<16x16xf32, #tpu.memory_space<vmem>>[vector<16xi32>, vector<16xi32>], vector<16xf32>,
        %add3A_1064 = arith.addf %add3A_1060, %gather3A_1063 : vector<16xf32>
        %broadcast_in_dim3A_1065 = arith.constant 11 : i32
        %broadcast_in_dim3A_1066 = vector.broadcast %broadcast_in_dim3A_1065 : i32 to vector<16xi32>
        %gather3A_1067 = tpu.vector_load_idx %arg10[%iota3A, %broadcast_in_dim3A_1066] : memref<16x16xf32, #tpu.memory_space<vmem>>[vector<16xi32>, vector<16xi32>], vector<16xf32>,
        %add3A_1068 = arith.addf %add3A_1064, %gather3A_1067 : vector<16xf32>
        %broadcast_in_dim3A_1069 = arith.constant 12 : i32
        %broadcast_in_dim3A_1070 = vector.broadcast %broadcast_in_dim3A_1069 : i32 to vector<16xi32>
        %gather3A_1071 = tpu.vector_load_idx %arg10[%iota3A, %broadcast_in_dim3A_1070] : memref<16x16xf32, #tpu.memory_space<vmem>>[vector<16xi32>, vector<16xi32>], vector<16xf32>,
        %add3A_1072 = arith.addf %add3A_1068, %gather3A_1071 : vector<16xf32>
        %broadcast_in_dim3A_1073 = arith.constant 13 : i32
        %broadcast_in_dim3A_1074 = vector.broadcast %broadcast_in_dim3A_1073 : i32 to vector<16xi32>
        %gather3A_1075 = tpu.vector_load_idx %arg10[%iota3A, %broadcast_in_dim3A_1074] : memref<16x16xf32, #tpu.memory_space<vmem>>[vector<16xi32>, vector<16xi32>], vector<16xf32>,
        %add3A_1076 = arith.addf %add3A_1072, %gather3A_1075 : vector<16xf32>
        %broadcast_in_dim3A_1077 = arith.constant 14 : i32
        %broadcast_in_dim3A_1078 = vector.broadcast %broadcast_in_dim3A_1077 : i32 to vector<16xi32>
        %gather3A_1079 = tpu.vector_load_idx %arg10[%iota3A, %broadcast_in_dim3A_1078] : memref<16x16xf32, #tpu.memory_space<vmem>>[vector<16xi32>, vector<16xi32>], vector<16xf32>,
        %add3A_1080 = arith.addf %add3A_1076, %gather3A_1079 : vector<16xf32>
        %broadcast_in_dim3A_1081 = arith.constant 15 : i32
        %broadcast_in_dim3A_1082 = vector.broadcast %broadcast_in_dim3A_1081 : i32 to vector<16xi32>
        %gather3A_1083 = tpu.vector_load_idx %arg10[%iota3A, %broadcast_in_dim3A_1082] : memref<16x16xf32, #tpu.memory_space<vmem>>[vector<16xi32>, vector<16xi32>], vector<16xf32>,
        %add3A_1084 = arith.addf %add3A_1080, %gather3A_1083 : vector<16xf32>
        %mul3A_1085 = arith.constant 128 : i32
        %mul3A_1086 = arith.muli %mul3A_28, %mul3A_1085 : i32
        %mul3A_1087 = arith.constant 16 : i32
        %mul3A_1088 = arith.muli %scan3A_61, %mul3A_1087 : i32
        %add3A_1089 = arith.addi %mul3A_1086, %mul3A_1088 : i32
        %swap3A_1090 = arith.index_cast %add3A_1089 : i32 to index
        %swap3A_1091 = tpu.vector_load %arg9[%swap3A_1090] {strides = array<i32>} : memref<2048xf32, #tpu.memory_space<vmem>>, vector<16xf32>,
        tpu.vector_store %arg9[%swap3A_1090], %add3A_1084 {strides = array<i32>} : memref<2048xf32, #tpu.memory_space<vmem>>, vector<16xf32>,
        %scan3A_1092 = arith.constant 0 : i32
        scf.yield %scan3A_1092 : i32
      }
      %scan3A_35 = arith.constant 8 : i32
      %lt3A = arith.constant 7 : i32
      %lt3A_36 = arith.cmpi slt, %scan3A_20, %lt3A : i32
      %convert_element_type3A = arith.extui %lt3A_36 : i1 to i32
      %cond3A = arith.constant 0 : i32
      %cond3A_37 = arith.cmpi ne, %convert_element_type3A, %cond3A : i32
      scf.if %cond3A_37 {
        %mul3A_61 = arith.constant 2 : i32
        %mul3A_62 = arith.muli %mul3A_61, %scan3A_20 : i32
        %add3A_63 = arith.constant 2 : i32
        %add3A_64 = arith.addi %mul3A_62, %add3A_63 : i32
        %mul3A_65 = arith.constant 128 : i32
        %mul3A_66 = arith.muli %add3A_64, %mul3A_65 : i32
        %dma_start3A_67 = tpu.memref_slice %arg5[%mul3A_66] : memref<2048xi32, #tpu.memory_space<vmem>> -> memref<128xi32, #tpu.memory_space<vmem>>
        %dma_start3A_68 = arith.constant 0 : i32
        %dma_start3A_69 = arith.constant 0 : i32
        %dma_start3A_70 = tpu.memref_slice %arg2[%dma_start3A_68, %dma_start3A_69] : memref<8192x128xf32, #tpu.memory_space<hbm>> -> memref<8192x128xf32, #tpu.memory_space<hbm>>
        tpu.enqueue_indirect_dma source(%dma_start3A_70 : memref<8192x128xf32, #tpu.memory_space<hbm>>) target(%arg7 : memref<128x128xf32, #tpu.memory_space<vmem>>) offsets(%dma_start3A_67 : memref<128xi32, #tpu.memory_space<vmem>>) semaphore(%arg11 : memref<!tpu.dma_semaphore, #tpu.memory_space<semaphore_mem>>)
      } else {
      }
      %dma_wait3A_38 = arith.constant 0 : i32
      %dma_wait3A_39 = arith.constant 0 : i32
      %dma_wait3A_40 = tpu.memref_slice %arg2[%dma_wait3A_38, %dma_wait3A_39] : memref<8192x128xf32, #tpu.memory_space<hbm>> -> memref<128x128xf32, #tpu.memory_space<hbm>>
      %dma_wait3A_41 = arith.constant 0 : i32
      %dma_wait3A_42 = arith.constant 0 : i32
      %dma_wait3A_43 = tpu.memref_slice %arg2[%dma_wait3A_41, %dma_wait3A_42] : memref<8192x128xf32, #tpu.memory_space<hbm>> -> memref<128x128xf32, #tpu.memory_space<hbm>>
      tpu.wait_dma2 semaphore(%arg12 : memref<!tpu.dma_semaphore, #tpu.memory_space<semaphore_mem>>) src(%dma_wait3A_43 : memref<128x128xf32, #tpu.memory_space<hbm>>) dst(%arg8 : memref<128x128xf32, #tpu.memory_space<vmem>>)
      %mul3A_44 = arith.constant 2 : i32
      %mul3A_45 = arith.muli %mul3A_44, %scan3A_20 : i32
      %add3A_46 = arith.constant 1 : i32
      %add3A_47 = arith.addi %mul3A_45, %add3A_46 : i32
      %scan3A_48 = arith.constant 0 : i32
      %scan3A_49 = arith.constant 0 : i32
      %scan3A_50 = arith.constant 8 : i32
      %scan3A_51 = arith.addi %scan3A_49, %scan3A_50 : i32
      %scan3A_52 = arith.constant 1 : i32
      %scan3A_53 = scf.for %scan3A_61 = %scan3A_49 to %scan3A_51 step %scan3A_52 iter_args(%scan3A_62 = %scan3A_48) -> (i32)  : i32 {
        %mul3A_63 = arith.constant 16 : i32
        %mul3A_64 = arith.muli %add3A_47, %mul3A_63 : i32
        %mul3A_65 = arith.constant 2 : i32
        %mul3A_66 = arith.muli %scan3A_61, %mul3A_65 : i32
        %add3A_67 = arith.addi %mul3A_64, %mul3A_66 : i32
        %add3A_68 = arith.constant 0 : i32
        %add3A_69 = arith.addi %add3A_67, %add3A_68 : i32
        %get3A = arith.index_cast %add3A_69 : i32 to index
        %get3A_70 = arith.constant 0 : index
        %get3A_71 = tpu.vector_load %arg6[%get3A, %get3A_70] {strides = array<i32>} : memref<256x128xf32, #tpu.memory_space<vmem>>, vector<16xf32>,
        %add3A_72 = arith.constant 0 : i32
        %add3A_73 = arith.addi %add3A_67, %add3A_72 : i32
        %get3A_74 = arith.index_cast %add3A_73 : i32 to index
        %get3A_75 = arith.constant 16 : index
        %get3A_76 = tpu.vector_load %arg6[%get3A_74, %get3A_75] {strides = array<i32>} : memref<256x128xf32, #tpu.memory_space<vmem>>, vector<16xf32>,
        %add3A_77 = arith.constant 0 : i32
        %add3A_78 = arith.addi %add3A_67, %add3A_77 : i32
        %get3A_79 = arith.index_cast %add3A_78 : i32 to index
        %get3A_80 = arith.constant 32 : index
        %get3A_81 = tpu.vector_load %arg6[%get3A_79, %get3A_80] {strides = array<i32>} : memref<256x128xf32, #tpu.memory_space<vmem>>, vector<16xf32>,
        %add3A_82 = arith.constant 0 : i32
        %add3A_83 = arith.addi %add3A_67, %add3A_82 : i32
        %get3A_84 = arith.index_cast %add3A_83 : i32 to index
        %get3A_85 = arith.constant 48 : index
        %get3A_86 = tpu.vector_load %arg6[%get3A_84, %get3A_85] {strides = array<i32>} : memref<256x128xf32, #tpu.memory_space<vmem>>, vector<16xf32>,
        %add3A_87 = arith.constant 0 : i32
        %add3A_88 = arith.addi %add3A_67, %add3A_87 : i32
        %get3A_89 = arith.index_cast %add3A_88 : i32 to index
        %get3A_90 = arith.constant 64 : index
        %get3A_91 = tpu.vector_load %arg6[%get3A_89, %get3A_90] {strides = array<i32>} : memref<256x128xf32, #tpu.memory_space<vmem>>, vector<16xf32>,
        %add3A_92 = arith.constant 0 : i32
        %add3A_93 = arith.addi %add3A_67, %add3A_92 : i32
        %get3A_94 = arith.index_cast %add3A_93 : i32 to index
        %get3A_95 = arith.constant 80 : index
        %get3A_96 = tpu.vector_load %arg6[%get3A_94, %get3A_95] {strides = array<i32>} : memref<256x128xf32, #tpu.memory_space<vmem>>, vector<16xf32>,
        %add3A_97 = arith.constant 0 : i32
        %add3A_98 = arith.addi %add3A_67, %add3A_97 : i32
        %get3A_99 = arith.index_cast %add3A_98 : i32 to index
        %get3A_100 = arith.constant 96 : index
        %get3A_101 = tpu.vector_load %arg6[%get3A_99, %get3A_100] {strides = array<i32>} : memref<256x128xf32, #tpu.memory_space<vmem>>, vector<16xf32>,
        %add3A_102 = arith.constant 0 : i32
        %add3A_103 = arith.addi %add3A_67, %add3A_102 : i32
        %get3A_104 = arith.index_cast %add3A_103 : i32 to index
        %get3A_105 = arith.constant 112 : index
        %get3A_106 = tpu.vector_load %arg6[%get3A_104, %get3A_105] {strides = array<i32>} : memref<256x128xf32, #tpu.memory_space<vmem>>, vector<16xf32>,
        %add3A_107 = arith.constant 1 : i32
        %add3A_108 = arith.addi %add3A_67, %add3A_107 : i32
        %get3A_109 = arith.index_cast %add3A_108 : i32 to index
        %get3A_110 = arith.constant 0 : index
        %get3A_111 = tpu.vector_load %arg6[%get3A_109, %get3A_110] {strides = array<i32>} : memref<256x128xf32, #tpu.memory_space<vmem>>, vector<16xf32>,
        %add3A_112 = arith.constant 1 : i32
        %add3A_113 = arith.addi %add3A_67, %add3A_112 : i32
        %get3A_114 = arith.index_cast %add3A_113 : i32 to index
        %get3A_115 = arith.constant 16 : index
        %get3A_116 = tpu.vector_load %arg6[%get3A_114, %get3A_115] {strides = array<i32>} : memref<256x128xf32, #tpu.memory_space<vmem>>, vector<16xf32>,
        %add3A_117 = arith.constant 1 : i32
        %add3A_118 = arith.addi %add3A_67, %add3A_117 : i32
        %get3A_119 = arith.index_cast %add3A_118 : i32 to index
        %get3A_120 = arith.constant 32 : index
        %get3A_121 = tpu.vector_load %arg6[%get3A_119, %get3A_120] {strides = array<i32>} : memref<256x128xf32, #tpu.memory_space<vmem>>, vector<16xf32>,
        %add3A_122 = arith.constant 1 : i32
        %add3A_123 = arith.addi %add3A_67, %add3A_122 : i32
        %get3A_124 = arith.index_cast %add3A_123 : i32 to index
        %get3A_125 = arith.constant 48 : index
        %get3A_126 = tpu.vector_load %arg6[%get3A_124, %get3A_125] {strides = array<i32>} : memref<256x128xf32, #tpu.memory_space<vmem>>, vector<16xf32>,
        %add3A_127 = arith.constant 1 : i32
        %add3A_128 = arith.addi %add3A_67, %add3A_127 : i32
        %get3A_129 = arith.index_cast %add3A_128 : i32 to index
        %get3A_130 = arith.constant 64 : index
        %get3A_131 = tpu.vector_load %arg6[%get3A_129, %get3A_130] {strides = array<i32>} : memref<256x128xf32, #tpu.memory_space<vmem>>, vector<16xf32>,
        %add3A_132 = arith.constant 1 : i32
        %add3A_133 = arith.addi %add3A_67, %add3A_132 : i32
        %get3A_134 = arith.index_cast %add3A_133 : i32 to index
        %get3A_135 = arith.constant 80 : index
        %get3A_136 = tpu.vector_load %arg6[%get3A_134, %get3A_135] {strides = array<i32>} : memref<256x128xf32, #tpu.memory_space<vmem>>, vector<16xf32>,
        %add3A_137 = arith.constant 1 : i32
        %add3A_138 = arith.addi %add3A_67, %add3A_137 : i32
        %get3A_139 = arith.index_cast %add3A_138 : i32 to index
        %get3A_140 = arith.constant 96 : index
        %get3A_141 = tpu.vector_load %arg6[%get3A_139, %get3A_140] {strides = array<i32>} : memref<256x128xf32, #tpu.memory_space<vmem>>, vector<16xf32>,
        %add3A_142 = arith.constant 1 : i32
        %add3A_143 = arith.addi %add3A_67, %add3A_142 : i32
        %get3A_144 = arith.index_cast %add3A_143 : i32 to index
        %get3A_145 = arith.constant 112 : index
        %get3A_146 = tpu.vector_load %arg6[%get3A_144, %get3A_145] {strides = array<i32>} : memref<256x128xf32, #tpu.memory_space<vmem>>, vector<16xf32>,
        %mul3A_147 = arith.constant 16 : i32
        %mul3A_148 = arith.muli %scan3A_61, %mul3A_147 : i32
        %add3A_149 = arith.constant 0 : i32
        %add3A_150 = arith.addi %mul3A_148, %add3A_149 : i32
        %get3A_151 = arith.index_cast %add3A_150 : i32 to index
        %get3A_152 = arith.constant 0 : index
        %get3A_153 = tpu.vector_load %arg8[%get3A_151, %get3A_152] {strides = array<i32>} : memref<128x128xf32, #tpu.memory_space<vmem>>, vector<16xf32>,
        %sub3A = arith.subf %get3A_71, %get3A_153 : vector<16xf32>
        %abs3A = math.absf %sub3A : vector<16xf32>
        %get3A_154 = arith.index_cast %add3A_150 : i32 to index
        %get3A_155 = arith.constant 16 : index
        %get3A_156 = tpu.vector_load %arg8[%get3A_154, %get3A_155] {strides = array<i32>} : memref<128x128xf32, #tpu.memory_space<vmem>>, vector<16xf32>,
        %sub3A_157 = arith.subf %get3A_76, %get3A_156 : vector<16xf32>
        %abs3A_158 = math.absf %sub3A_157 : vector<16xf32>
        %add3A_159 = arith.addf %abs3A, %abs3A_158 : vector<16xf32>
        %get3A_160 = arith.index_cast %add3A_150 : i32 to index
        %get3A_161 = arith.constant 32 : index
        %get3A_162 = tpu.vector_load %arg8[%get3A_160, %get3A_161] {strides = array<i32>} : memref<128x128xf32, #tpu.memory_space<vmem>>, vector<16xf32>,
        %sub3A_163 = arith.subf %get3A_81, %get3A_162 : vector<16xf32>
        %abs3A_164 = math.absf %sub3A_163 : vector<16xf32>
        %add3A_165 = arith.addf %add3A_159, %abs3A_164 : vector<16xf32>
        %get3A_166 = arith.index_cast %add3A_150 : i32 to index
        %get3A_167 = arith.constant 48 : index
        %get3A_168 = tpu.vector_load %arg8[%get3A_166, %get3A_167] {strides = array<i32>} : memref<128x128xf32, #tpu.memory_space<vmem>>, vector<16xf32>,
        %sub3A_169 = arith.subf %get3A_86, %get3A_168 : vector<16xf32>
        %abs3A_170 = math.absf %sub3A_169 : vector<16xf32>
        %add3A_171 = arith.addf %add3A_165, %abs3A_170 : vector<16xf32>
        %get3A_172 = arith.index_cast %add3A_150 : i32 to index
        %get3A_173 = arith.constant 64 : index
        %get3A_174 = tpu.vector_load %arg8[%get3A_172, %get3A_173] {strides = array<i32>} : memref<128x128xf32, #tpu.memory_space<vmem>>, vector<16xf32>,
        %sub3A_175 = arith.subf %get3A_91, %get3A_174 : vector<16xf32>
        %abs3A_176 = math.absf %sub3A_175 : vector<16xf32>
        %add3A_177 = arith.addf %add3A_171, %abs3A_176 : vector<16xf32>
        %get3A_178 = arith.index_cast %add3A_150 : i32 to index
        %get3A_179 = arith.constant 80 : index
        %get3A_180 = tpu.vector_load %arg8[%get3A_178, %get3A_179] {strides = array<i32>} : memref<128x128xf32, #tpu.memory_space<vmem>>, vector<16xf32>,
        %sub3A_181 = arith.subf %get3A_96, %get3A_180 : vector<16xf32>
        %abs3A_182 = math.absf %sub3A_181 : vector<16xf32>
        %add3A_183 = arith.addf %add3A_177, %abs3A_182 : vector<16xf32>
        %get3A_184 = arith.index_cast %add3A_150 : i32 to index
        %get3A_185 = arith.constant 96 : index
        %get3A_186 = tpu.vector_load %arg8[%get3A_184, %get3A_185] {strides = array<i32>} : memref<128x128xf32, #tpu.memory_space<vmem>>, vector<16xf32>,
        %sub3A_187 = arith.subf %get3A_101, %get3A_186 : vector<16xf32>
        %abs3A_188 = math.absf %sub3A_187 : vector<16xf32>
        %add3A_189 = arith.addf %add3A_183, %abs3A_188 : vector<16xf32>
        %get3A_190 = arith.index_cast %add3A_150 : i32 to index
        %get3A_191 = arith.constant 112 : index
        %get3A_192 = tpu.vector_load %arg8[%get3A_190, %get3A_191] {strides = array<i32>} : memref<128x128xf32, #tpu.memory_space<vmem>>, vector<16xf32>,
        %sub3A_193 = arith.subf %get3A_106, %get3A_192 : vector<16xf32>
        %abs3A_194 = math.absf %sub3A_193 : vector<16xf32>
        %add3A_195 = arith.addf %add3A_189, %abs3A_194 : vector<16xf32>
        %swap3A = arith.constant 0 : i32
        %swap3A_196 = arith.index_cast %swap3A : i32 to index
        %swap3A_197 = arith.constant 0 : index
        %swap3A_198 = tpu.vector_load %arg10[%swap3A_196, %swap3A_197] {strides = array<i32>} : memref<16x16xf32, #tpu.memory_space<vmem>>, vector<16xf32>,
        tpu.vector_store %arg10[%swap3A_196, %swap3A_197], %add3A_195 {strides = array<i32>} : memref<16x16xf32, #tpu.memory_space<vmem>>, vector<16xf32>,
        %mul3A_199 = arith.constant 16 : i32
        %mul3A_200 = arith.muli %scan3A_61, %mul3A_199 : i32
        %add3A_201 = arith.constant 1 : i32
        %add3A_202 = arith.addi %mul3A_200, %add3A_201 : i32
        %get3A_203 = arith.index_cast %add3A_202 : i32 to index
        %get3A_204 = arith.constant 0 : index
        %get3A_205 = tpu.vector_load %arg8[%get3A_203, %get3A_204] {strides = array<i32>} : memref<128x128xf32, #tpu.memory_space<vmem>>, vector<16xf32>,
        %sub3A_206 = arith.subf %get3A_71, %get3A_205 : vector<16xf32>
        %abs3A_207 = math.absf %sub3A_206 : vector<16xf32>
        %get3A_208 = arith.index_cast %add3A_202 : i32 to index
        %get3A_209 = arith.constant 16 : index
        %get3A_210 = tpu.vector_load %arg8[%get3A_208, %get3A_209] {strides = array<i32>} : memref<128x128xf32, #tpu.memory_space<vmem>>, vector<16xf32>,
        %sub3A_211 = arith.subf %get3A_76, %get3A_210 : vector<16xf32>
        %abs3A_212 = math.absf %sub3A_211 : vector<16xf32>
        %add3A_213 = arith.addf %abs3A_207, %abs3A_212 : vector<16xf32>
        %get3A_214 = arith.index_cast %add3A_202 : i32 to index
        %get3A_215 = arith.constant 32 : index
        %get3A_216 = tpu.vector_load %arg8[%get3A_214, %get3A_215] {strides = array<i32>} : memref<128x128xf32, #tpu.memory_space<vmem>>, vector<16xf32>,
        %sub3A_217 = arith.subf %get3A_81, %get3A_216 : vector<16xf32>
        %abs3A_218 = math.absf %sub3A_217 : vector<16xf32>
        %add3A_219 = arith.addf %add3A_213, %abs3A_218 : vector<16xf32>
        %get3A_220 = arith.index_cast %add3A_202 : i32 to index
        %get3A_221 = arith.constant 48 : index
        %get3A_222 = tpu.vector_load %arg8[%get3A_220, %get3A_221] {strides = array<i32>} : memref<128x128xf32, #tpu.memory_space<vmem>>, vector<16xf32>,
        %sub3A_223 = arith.subf %get3A_86, %get3A_222 : vector<16xf32>
        %abs3A_224 = math.absf %sub3A_223 : vector<16xf32>
        %add3A_225 = arith.addf %add3A_219, %abs3A_224 : vector<16xf32>
        %get3A_226 = arith.index_cast %add3A_202 : i32 to index
        %get3A_227 = arith.constant 64 : index
        %get3A_228 = tpu.vector_load %arg8[%get3A_226, %get3A_227] {strides = array<i32>} : memref<128x128xf32, #tpu.memory_space<vmem>>, vector<16xf32>,
        %sub3A_229 = arith.subf %get3A_91, %get3A_228 : vector<16xf32>
        %abs3A_230 = math.absf %sub3A_229 : vector<16xf32>
        %add3A_231 = arith.addf %add3A_225, %abs3A_230 : vector<16xf32>
        %get3A_232 = arith.index_cast %add3A_202 : i32 to index
        %get3A_233 = arith.constant 80 : index
        %get3A_234 = tpu.vector_load %arg8[%get3A_232, %get3A_233] {strides = array<i32>} : memref<128x128xf32, #tpu.memory_space<vmem>>, vector<16xf32>,
        %sub3A_235 = arith.subf %get3A_96, %get3A_234 : vector<16xf32>
        %abs3A_236 = math.absf %sub3A_235 : vector<16xf32>
        %add3A_237 = arith.addf %add3A_231, %abs3A_236 : vector<16xf32>
        %get3A_238 = arith.index_cast %add3A_202 : i32 to index
        %get3A_239 = arith.constant 96 : index
        %get3A_240 = tpu.vector_load %arg8[%get3A_238, %get3A_239] {strides = array<i32>} : memref<128x128xf32, #tpu.memory_space<vmem>>, vector<16xf32>,
        %sub3A_241 = arith.subf %get3A_101, %get3A_240 : vector<16xf32>
        %abs3A_242 = math.absf %sub3A_241 : vector<16xf32>
        %add3A_243 = arith.addf %add3A_237, %abs3A_242 : vector<16xf32>
        %get3A_244 = arith.index_cast %add3A_202 : i32 to index
        %get3A_245 = arith.constant 112 : index
        %get3A_246 = tpu.vector_load %arg8[%get3A_244, %get3A_245] {strides = array<i32>} : memref<128x128xf32, #tpu.memory_space<vmem>>, vector<16xf32>,
        %sub3A_247 = arith.subf %get3A_106, %get3A_246 : vector<16xf32>
        %abs3A_248 = math.absf %sub3A_247 : vector<16xf32>
        %add3A_249 = arith.addf %add3A_243, %abs3A_248 : vector<16xf32>
        %swap3A_250 = arith.constant 1 : i32
        %swap3A_251 = arith.index_cast %swap3A_250 : i32 to index
        %swap3A_252 = arith.constant 0 : index
        %swap3A_253 = tpu.vector_load %arg10[%swap3A_251, %swap3A_252] {strides = array<i32>} : memref<16x16xf32, #tpu.memory_space<vmem>>, vector<16xf32>,
        tpu.vector_store %arg10[%swap3A_251, %swap3A_252], %add3A_249 {strides = array<i32>} : memref<16x16xf32, #tpu.memory_space<vmem>>, vector<16xf32>,
        %mul3A_254 = arith.constant 16 : i32
        %mul3A_255 = arith.muli %scan3A_61, %mul3A_254 : i32
        %add3A_256 = arith.constant 2 : i32
        %add3A_257 = arith.addi %mul3A_255, %add3A_256 : i32
        %get3A_258 = arith.index_cast %add3A_257 : i32 to index
        %get3A_259 = arith.constant 0 : index
        %get3A_260 = tpu.vector_load %arg8[%get3A_258, %get3A_259] {strides = array<i32>} : memref<128x128xf32, #tpu.memory_space<vmem>>, vector<16xf32>,
        %sub3A_261 = arith.subf %get3A_71, %get3A_260 : vector<16xf32>
        %abs3A_262 = math.absf %sub3A_261 : vector<16xf32>
        %get3A_263 = arith.index_cast %add3A_257 : i32 to index
        %get3A_264 = arith.constant 16 : index
        %get3A_265 = tpu.vector_load %arg8[%get3A_263, %get3A_264] {strides = array<i32>} : memref<128x128xf32, #tpu.memory_space<vmem>>, vector<16xf32>,
        %sub3A_266 = arith.subf %get3A_76, %get3A_265 : vector<16xf32>
        %abs3A_267 = math.absf %sub3A_266 : vector<16xf32>
        %add3A_268 = arith.addf %abs3A_262, %abs3A_267 : vector<16xf32>
        %get3A_269 = arith.index_cast %add3A_257 : i32 to index
        %get3A_270 = arith.constant 32 : index
        %get3A_271 = tpu.vector_load %arg8[%get3A_269, %get3A_270] {strides = array<i32>} : memref<128x128xf32, #tpu.memory_space<vmem>>, vector<16xf32>,
        %sub3A_272 = arith.subf %get3A_81, %get3A_271 : vector<16xf32>
        %abs3A_273 = math.absf %sub3A_272 : vector<16xf32>
        %add3A_274 = arith.addf %add3A_268, %abs3A_273 : vector<16xf32>
        %get3A_275 = arith.index_cast %add3A_257 : i32 to index
        %get3A_276 = arith.constant 48 : index
        %get3A_277 = tpu.vector_load %arg8[%get3A_275, %get3A_276] {strides = array<i32>} : memref<128x128xf32, #tpu.memory_space<vmem>>, vector<16xf32>,
        %sub3A_278 = arith.subf %get3A_86, %get3A_277 : vector<16xf32>
        %abs3A_279 = math.absf %sub3A_278 : vector<16xf32>
        %add3A_280 = arith.addf %add3A_274, %abs3A_279 : vector<16xf32>
        %get3A_281 = arith.index_cast %add3A_257 : i32 to index
        %get3A_282 = arith.constant 64 : index
        %get3A_283 = tpu.vector_load %arg8[%get3A_281, %get3A_282] {strides = array<i32>} : memref<128x128xf32, #tpu.memory_space<vmem>>, vector<16xf32>,
        %sub3A_284 = arith.subf %get3A_91, %get3A_283 : vector<16xf32>
        %abs3A_285 = math.absf %sub3A_284 : vector<16xf32>
        %add3A_286 = arith.addf %add3A_280, %abs3A_285 : vector<16xf32>
        %get3A_287 = arith.index_cast %add3A_257 : i32 to index
        %get3A_288 = arith.constant 80 : index
        %get3A_289 = tpu.vector_load %arg8[%get3A_287, %get3A_288] {strides = array<i32>} : memref<128x128xf32, #tpu.memory_space<vmem>>, vector<16xf32>,
        %sub3A_290 = arith.subf %get3A_96, %get3A_289 : vector<16xf32>
        %abs3A_291 = math.absf %sub3A_290 : vector<16xf32>
        %add3A_292 = arith.addf %add3A_286, %abs3A_291 : vector<16xf32>
        %get3A_293 = arith.index_cast %add3A_257 : i32 to index
        %get3A_294 = arith.constant 96 : index
        %get3A_295 = tpu.vector_load %arg8[%get3A_293, %get3A_294] {strides = array<i32>} : memref<128x128xf32, #tpu.memory_space<vmem>>, vector<16xf32>,
        %sub3A_296 = arith.subf %get3A_101, %get3A_295 : vector<16xf32>
        %abs3A_297 = math.absf %sub3A_296 : vector<16xf32>
        %add3A_298 = arith.addf %add3A_292, %abs3A_297 : vector<16xf32>
        %get3A_299 = arith.index_cast %add3A_257 : i32 to index
        %get3A_300 = arith.constant 112 : index
        %get3A_301 = tpu.vector_load %arg8[%get3A_299, %get3A_300] {strides = array<i32>} : memref<128x128xf32, #tpu.memory_space<vmem>>, vector<16xf32>,
        %sub3A_302 = arith.subf %get3A_106, %get3A_301 : vector<16xf32>
        %abs3A_303 = math.absf %sub3A_302 : vector<16xf32>
        %add3A_304 = arith.addf %add3A_298, %abs3A_303 : vector<16xf32>
        %swap3A_305 = arith.constant 2 : i32
        %swap3A_306 = arith.index_cast %swap3A_305 : i32 to index
        %swap3A_307 = arith.constant 0 : index
        %swap3A_308 = tpu.vector_load %arg10[%swap3A_306, %swap3A_307] {strides = array<i32>} : memref<16x16xf32, #tpu.memory_space<vmem>>, vector<16xf32>,
        tpu.vector_store %arg10[%swap3A_306, %swap3A_307], %add3A_304 {strides = array<i32>} : memref<16x16xf32, #tpu.memory_space<vmem>>, vector<16xf32>,
        %mul3A_309 = arith.constant 16 : i32
        %mul3A_310 = arith.muli %scan3A_61, %mul3A_309 : i32
        %add3A_311 = arith.constant 3 : i32
        %add3A_312 = arith.addi %mul3A_310, %add3A_311 : i32
        %get3A_313 = arith.index_cast %add3A_312 : i32 to index
        %get3A_314 = arith.constant 0 : index
        %get3A_315 = tpu.vector_load %arg8[%get3A_313, %get3A_314] {strides = array<i32>} : memref<128x128xf32, #tpu.memory_space<vmem>>, vector<16xf32>,
        %sub3A_316 = arith.subf %get3A_71, %get3A_315 : vector<16xf32>
        %abs3A_317 = math.absf %sub3A_316 : vector<16xf32>
        %get3A_318 = arith.index_cast %add3A_312 : i32 to index
        %get3A_319 = arith.constant 16 : index
        %get3A_320 = tpu.vector_load %arg8[%get3A_318, %get3A_319] {strides = array<i32>} : memref<128x128xf32, #tpu.memory_space<vmem>>, vector<16xf32>,
        %sub3A_321 = arith.subf %get3A_76, %get3A_320 : vector<16xf32>
        %abs3A_322 = math.absf %sub3A_321 : vector<16xf32>
        %add3A_323 = arith.addf %abs3A_317, %abs3A_322 : vector<16xf32>
        %get3A_324 = arith.index_cast %add3A_312 : i32 to index
        %get3A_325 = arith.constant 32 : index
        %get3A_326 = tpu.vector_load %arg8[%get3A_324, %get3A_325] {strides = array<i32>} : memref<128x128xf32, #tpu.memory_space<vmem>>, vector<16xf32>,
        %sub3A_327 = arith.subf %get3A_81, %get3A_326 : vector<16xf32>
        %abs3A_328 = math.absf %sub3A_327 : vector<16xf32>
        %add3A_329 = arith.addf %add3A_323, %abs3A_328 : vector<16xf32>
        %get3A_330 = arith.index_cast %add3A_312 : i32 to index
        %get3A_331 = arith.constant 48 : index
        %get3A_332 = tpu.vector_load %arg8[%get3A_330, %get3A_331] {strides = array<i32>} : memref<128x128xf32, #tpu.memory_space<vmem>>, vector<16xf32>,
        %sub3A_333 = arith.subf %get3A_86, %get3A_332 : vector<16xf32>
        %abs3A_334 = math.absf %sub3A_333 : vector<16xf32>
        %add3A_335 = arith.addf %add3A_329, %abs3A_334 : vector<16xf32>
        %get3A_336 = arith.index_cast %add3A_312 : i32 to index
        %get3A_337 = arith.constant 64 : index
        %get3A_338 = tpu.vector_load %arg8[%get3A_336, %get3A_337] {strides = array<i32>} : memref<128x128xf32, #tpu.memory_space<vmem>>, vector<16xf32>,
        %sub3A_339 = arith.subf %get3A_91, %get3A_338 : vector<16xf32>
        %abs3A_340 = math.absf %sub3A_339 : vector<16xf32>
        %add3A_341 = arith.addf %add3A_335, %abs3A_340 : vector<16xf32>
        %get3A_342 = arith.index_cast %add3A_312 : i32 to index
        %get3A_343 = arith.constant 80 : index
        %get3A_344 = tpu.vector_load %arg8[%get3A_342, %get3A_343] {strides = array<i32>} : memref<128x128xf32, #tpu.memory_space<vmem>>, vector<16xf32>,
        %sub3A_345 = arith.subf %get3A_96, %get3A_344 : vector<16xf32>
        %abs3A_346 = math.absf %sub3A_345 : vector<16xf32>
        %add3A_347 = arith.addf %add3A_341, %abs3A_346 : vector<16xf32>
        %get3A_348 = arith.index_cast %add3A_312 : i32 to index
        %get3A_349 = arith.constant 96 : index
        %get3A_350 = tpu.vector_load %arg8[%get3A_348, %get3A_349] {strides = array<i32>} : memref<128x128xf32, #tpu.memory_space<vmem>>, vector<16xf32>,
        %sub3A_351 = arith.subf %get3A_101, %get3A_350 : vector<16xf32>
        %abs3A_352 = math.absf %sub3A_351 : vector<16xf32>
        %add3A_353 = arith.addf %add3A_347, %abs3A_352 : vector<16xf32>
        %get3A_354 = arith.index_cast %add3A_312 : i32 to index
        %get3A_355 = arith.constant 112 : index
        %get3A_356 = tpu.vector_load %arg8[%get3A_354, %get3A_355] {strides = array<i32>} : memref<128x128xf32, #tpu.memory_space<vmem>>, vector<16xf32>,
        %sub3A_357 = arith.subf %get3A_106, %get3A_356 : vector<16xf32>
        %abs3A_358 = math.absf %sub3A_357 : vector<16xf32>
        %add3A_359 = arith.addf %add3A_353, %abs3A_358 : vector<16xf32>
        %swap3A_360 = arith.constant 3 : i32
        %swap3A_361 = arith.index_cast %swap3A_360 : i32 to index
        %swap3A_362 = arith.constant 0 : index
        %swap3A_363 = tpu.vector_load %arg10[%swap3A_361, %swap3A_362] {strides = array<i32>} : memref<16x16xf32, #tpu.memory_space<vmem>>, vector<16xf32>,
        tpu.vector_store %arg10[%swap3A_361, %swap3A_362], %add3A_359 {strides = array<i32>} : memref<16x16xf32, #tpu.memory_space<vmem>>, vector<16xf32>,
        %mul3A_364 = arith.constant 16 : i32
        %mul3A_365 = arith.muli %scan3A_61, %mul3A_364 : i32
        %add3A_366 = arith.constant 4 : i32
        %add3A_367 = arith.addi %mul3A_365, %add3A_366 : i32
        %get3A_368 = arith.index_cast %add3A_367 : i32 to index
        %get3A_369 = arith.constant 0 : index
        %get3A_370 = tpu.vector_load %arg8[%get3A_368, %get3A_369] {strides = array<i32>} : memref<128x128xf32, #tpu.memory_space<vmem>>, vector<16xf32>,
        %sub3A_371 = arith.subf %get3A_71, %get3A_370 : vector<16xf32>
        %abs3A_372 = math.absf %sub3A_371 : vector<16xf32>
        %get3A_373 = arith.index_cast %add3A_367 : i32 to index
        %get3A_374 = arith.constant 16 : index
        %get3A_375 = tpu.vector_load %arg8[%get3A_373, %get3A_374] {strides = array<i32>} : memref<128x128xf32, #tpu.memory_space<vmem>>, vector<16xf32>,
        %sub3A_376 = arith.subf %get3A_76, %get3A_375 : vector<16xf32>
        %abs3A_377 = math.absf %sub3A_376 : vector<16xf32>
        %add3A_378 = arith.addf %abs3A_372, %abs3A_377 : vector<16xf32>
        %get3A_379 = arith.index_cast %add3A_367 : i32 to index
        %get3A_380 = arith.constant 32 : index
        %get3A_381 = tpu.vector_load %arg8[%get3A_379, %get3A_380] {strides = array<i32>} : memref<128x128xf32, #tpu.memory_space<vmem>>, vector<16xf32>,
        %sub3A_382 = arith.subf %get3A_81, %get3A_381 : vector<16xf32>
        %abs3A_383 = math.absf %sub3A_382 : vector<16xf32>
        %add3A_384 = arith.addf %add3A_378, %abs3A_383 : vector<16xf32>
        %get3A_385 = arith.index_cast %add3A_367 : i32 to index
        %get3A_386 = arith.constant 48 : index
        %get3A_387 = tpu.vector_load %arg8[%get3A_385, %get3A_386] {strides = array<i32>} : memref<128x128xf32, #tpu.memory_space<vmem>>, vector<16xf32>,
        %sub3A_388 = arith.subf %get3A_86, %get3A_387 : vector<16xf32>
        %abs3A_389 = math.absf %sub3A_388 : vector<16xf32>
        %add3A_390 = arith.addf %add3A_384, %abs3A_389 : vector<16xf32>
        %get3A_391 = arith.index_cast %add3A_367 : i32 to index
        %get3A_392 = arith.constant 64 : index
        %get3A_393 = tpu.vector_load %arg8[%get3A_391, %get3A_392] {strides = array<i32>} : memref<128x128xf32, #tpu.memory_space<vmem>>, vector<16xf32>,
        %sub3A_394 = arith.subf %get3A_91, %get3A_393 : vector<16xf32>
        %abs3A_395 = math.absf %sub3A_394 : vector<16xf32>
        %add3A_396 = arith.addf %add3A_390, %abs3A_395 : vector<16xf32>
        %get3A_397 = arith.index_cast %add3A_367 : i32 to index
        %get3A_398 = arith.constant 80 : index
        %get3A_399 = tpu.vector_load %arg8[%get3A_397, %get3A_398] {strides = array<i32>} : memref<128x128xf32, #tpu.memory_space<vmem>>, vector<16xf32>,
        %sub3A_400 = arith.subf %get3A_96, %get3A_399 : vector<16xf32>
        %abs3A_401 = math.absf %sub3A_400 : vector<16xf32>
        %add3A_402 = arith.addf %add3A_396, %abs3A_401 : vector<16xf32>
        %get3A_403 = arith.index_cast %add3A_367 : i32 to index
        %get3A_404 = arith.constant 96 : index
        %get3A_405 = tpu.vector_load %arg8[%get3A_403, %get3A_404] {strides = array<i32>} : memref<128x128xf32, #tpu.memory_space<vmem>>, vector<16xf32>,
        %sub3A_406 = arith.subf %get3A_101, %get3A_405 : vector<16xf32>
        %abs3A_407 = math.absf %sub3A_406 : vector<16xf32>
        %add3A_408 = arith.addf %add3A_402, %abs3A_407 : vector<16xf32>
        %get3A_409 = arith.index_cast %add3A_367 : i32 to index
        %get3A_410 = arith.constant 112 : index
        %get3A_411 = tpu.vector_load %arg8[%get3A_409, %get3A_410] {strides = array<i32>} : memref<128x128xf32, #tpu.memory_space<vmem>>, vector<16xf32>,
        %sub3A_412 = arith.subf %get3A_106, %get3A_411 : vector<16xf32>
        %abs3A_413 = math.absf %sub3A_412 : vector<16xf32>
        %add3A_414 = arith.addf %add3A_408, %abs3A_413 : vector<16xf32>
        %swap3A_415 = arith.constant 4 : i32
        %swap3A_416 = arith.index_cast %swap3A_415 : i32 to index
        %swap3A_417 = arith.constant 0 : index
        %swap3A_418 = tpu.vector_load %arg10[%swap3A_416, %swap3A_417] {strides = array<i32>} : memref<16x16xf32, #tpu.memory_space<vmem>>, vector<16xf32>,
        tpu.vector_store %arg10[%swap3A_416, %swap3A_417], %add3A_414 {strides = array<i32>} : memref<16x16xf32, #tpu.memory_space<vmem>>, vector<16xf32>,
        %mul3A_419 = arith.constant 16 : i32
        %mul3A_420 = arith.muli %scan3A_61, %mul3A_419 : i32
        %add3A_421 = arith.constant 5 : i32
        %add3A_422 = arith.addi %mul3A_420, %add3A_421 : i32
        %get3A_423 = arith.index_cast %add3A_422 : i32 to index
        %get3A_424 = arith.constant 0 : index
        %get3A_425 = tpu.vector_load %arg8[%get3A_423, %get3A_424] {strides = array<i32>} : memref<128x128xf32, #tpu.memory_space<vmem>>, vector<16xf32>,
        %sub3A_426 = arith.subf %get3A_71, %get3A_425 : vector<16xf32>
        %abs3A_427 = math.absf %sub3A_426 : vector<16xf32>
        %get3A_428 = arith.index_cast %add3A_422 : i32 to index
        %get3A_429 = arith.constant 16 : index
        %get3A_430 = tpu.vector_load %arg8[%get3A_428, %get3A_429] {strides = array<i32>} : memref<128x128xf32, #tpu.memory_space<vmem>>, vector<16xf32>,
        %sub3A_431 = arith.subf %get3A_76, %get3A_430 : vector<16xf32>
        %abs3A_432 = math.absf %sub3A_431 : vector<16xf32>
        %add3A_433 = arith.addf %abs3A_427, %abs3A_432 : vector<16xf32>
        %get3A_434 = arith.index_cast %add3A_422 : i32 to index
        %get3A_435 = arith.constant 32 : index
        %get3A_436 = tpu.vector_load %arg8[%get3A_434, %get3A_435] {strides = array<i32>} : memref<128x128xf32, #tpu.memory_space<vmem>>, vector<16xf32>,
        %sub3A_437 = arith.subf %get3A_81, %get3A_436 : vector<16xf32>
        %abs3A_438 = math.absf %sub3A_437 : vector<16xf32>
        %add3A_439 = arith.addf %add3A_433, %abs3A_438 : vector<16xf32>
        %get3A_440 = arith.index_cast %add3A_422 : i32 to index
        %get3A_441 = arith.constant 48 : index
        %get3A_442 = tpu.vector_load %arg8[%get3A_440, %get3A_441] {strides = array<i32>} : memref<128x128xf32, #tpu.memory_space<vmem>>, vector<16xf32>,
        %sub3A_443 = arith.subf %get3A_86, %get3A_442 : vector<16xf32>
        %abs3A_444 = math.absf %sub3A_443 : vector<16xf32>
        %add3A_445 = arith.addf %add3A_439, %abs3A_444 : vector<16xf32>
        %get3A_446 = arith.index_cast %add3A_422 : i32 to index
        %get3A_447 = arith.constant 64 : index
        %get3A_448 = tpu.vector_load %arg8[%get3A_446, %get3A_447] {strides = array<i32>} : memref<128x128xf32, #tpu.memory_space<vmem>>, vector<16xf32>,
        %sub3A_449 = arith.subf %get3A_91, %get3A_448 : vector<16xf32>
        %abs3A_450 = math.absf %sub3A_449 : vector<16xf32>
        %add3A_451 = arith.addf %add3A_445, %abs3A_450 : vector<16xf32>
        %get3A_452 = arith.index_cast %add3A_422 : i32 to index
        %get3A_453 = arith.constant 80 : index
        %get3A_454 = tpu.vector_load %arg8[%get3A_452, %get3A_453] {strides = array<i32>} : memref<128x128xf32, #tpu.memory_space<vmem>>, vector<16xf32>,
        %sub3A_455 = arith.subf %get3A_96, %get3A_454 : vector<16xf32>
        %abs3A_456 = math.absf %sub3A_455 : vector<16xf32>
        %add3A_457 = arith.addf %add3A_451, %abs3A_456 : vector<16xf32>
        %get3A_458 = arith.index_cast %add3A_422 : i32 to index
        %get3A_459 = arith.constant 96 : index
        %get3A_460 = tpu.vector_load %arg8[%get3A_458, %get3A_459] {strides = array<i32>} : memref<128x128xf32, #tpu.memory_space<vmem>>, vector<16xf32>,
        %sub3A_461 = arith.subf %get3A_101, %get3A_460 : vector<16xf32>
        %abs3A_462 = math.absf %sub3A_461 : vector<16xf32>
        %add3A_463 = arith.addf %add3A_457, %abs3A_462 : vector<16xf32>
        %get3A_464 = arith.index_cast %add3A_422 : i32 to index
        %get3A_465 = arith.constant 112 : index
        %get3A_466 = tpu.vector_load %arg8[%get3A_464, %get3A_465] {strides = array<i32>} : memref<128x128xf32, #tpu.memory_space<vmem>>, vector<16xf32>,
        %sub3A_467 = arith.subf %get3A_106, %get3A_466 : vector<16xf32>
        %abs3A_468 = math.absf %sub3A_467 : vector<16xf32>
        %add3A_469 = arith.addf %add3A_463, %abs3A_468 : vector<16xf32>
        %swap3A_470 = arith.constant 5 : i32
        %swap3A_471 = arith.index_cast %swap3A_470 : i32 to index
        %swap3A_472 = arith.constant 0 : index
        %swap3A_473 = tpu.vector_load %arg10[%swap3A_471, %swap3A_472] {strides = array<i32>} : memref<16x16xf32, #tpu.memory_space<vmem>>, vector<16xf32>,
        tpu.vector_store %arg10[%swap3A_471, %swap3A_472], %add3A_469 {strides = array<i32>} : memref<16x16xf32, #tpu.memory_space<vmem>>, vector<16xf32>,
        %mul3A_474 = arith.constant 16 : i32
        %mul3A_475 = arith.muli %scan3A_61, %mul3A_474 : i32
        %add3A_476 = arith.constant 6 : i32
        %add3A_477 = arith.addi %mul3A_475, %add3A_476 : i32
        %get3A_478 = arith.index_cast %add3A_477 : i32 to index
        %get3A_479 = arith.constant 0 : index
        %get3A_480 = tpu.vector_load %arg8[%get3A_478, %get3A_479] {strides = array<i32>} : memref<128x128xf32, #tpu.memory_space<vmem>>, vector<16xf32>,
        %sub3A_481 = arith.subf %get3A_71, %get3A_480 : vector<16xf32>
        %abs3A_482 = math.absf %sub3A_481 : vector<16xf32>
        %get3A_483 = arith.index_cast %add3A_477 : i32 to index
        %get3A_484 = arith.constant 16 : index
        %get3A_485 = tpu.vector_load %arg8[%get3A_483, %get3A_484] {strides = array<i32>} : memref<128x128xf32, #tpu.memory_space<vmem>>, vector<16xf32>,
        %sub3A_486 = arith.subf %get3A_76, %get3A_485 : vector<16xf32>
        %abs3A_487 = math.absf %sub3A_486 : vector<16xf32>
        %add3A_488 = arith.addf %abs3A_482, %abs3A_487 : vector<16xf32>
        %get3A_489 = arith.index_cast %add3A_477 : i32 to index
        %get3A_490 = arith.constant 32 : index
        %get3A_491 = tpu.vector_load %arg8[%get3A_489, %get3A_490] {strides = array<i32>} : memref<128x128xf32, #tpu.memory_space<vmem>>, vector<16xf32>,
        %sub3A_492 = arith.subf %get3A_81, %get3A_491 : vector<16xf32>
        %abs3A_493 = math.absf %sub3A_492 : vector<16xf32>
        %add3A_494 = arith.addf %add3A_488, %abs3A_493 : vector<16xf32>
        %get3A_495 = arith.index_cast %add3A_477 : i32 to index
        %get3A_496 = arith.constant 48 : index
        %get3A_497 = tpu.vector_load %arg8[%get3A_495, %get3A_496] {strides = array<i32>} : memref<128x128xf32, #tpu.memory_space<vmem>>, vector<16xf32>,
        %sub3A_498 = arith.subf %get3A_86, %get3A_497 : vector<16xf32>
        %abs3A_499 = math.absf %sub3A_498 : vector<16xf32>
        %add3A_500 = arith.addf %add3A_494, %abs3A_499 : vector<16xf32>
        %get3A_501 = arith.index_cast %add3A_477 : i32 to index
        %get3A_502 = arith.constant 64 : index
        %get3A_503 = tpu.vector_load %arg8[%get3A_501, %get3A_502] {strides = array<i32>} : memref<128x128xf32, #tpu.memory_space<vmem>>, vector<16xf32>,
        %sub3A_504 = arith.subf %get3A_91, %get3A_503 : vector<16xf32>
        %abs3A_505 = math.absf %sub3A_504 : vector<16xf32>
        %add3A_506 = arith.addf %add3A_500, %abs3A_505 : vector<16xf32>
        %get3A_507 = arith.index_cast %add3A_477 : i32 to index
        %get3A_508 = arith.constant 80 : index
        %get3A_509 = tpu.vector_load %arg8[%get3A_507, %get3A_508] {strides = array<i32>} : memref<128x128xf32, #tpu.memory_space<vmem>>, vector<16xf32>,
        %sub3A_510 = arith.subf %get3A_96, %get3A_509 : vector<16xf32>
        %abs3A_511 = math.absf %sub3A_510 : vector<16xf32>
        %add3A_512 = arith.addf %add3A_506, %abs3A_511 : vector<16xf32>
        %get3A_513 = arith.index_cast %add3A_477 : i32 to index
        %get3A_514 = arith.constant 96 : index
        %get3A_515 = tpu.vector_load %arg8[%get3A_513, %get3A_514] {strides = array<i32>} : memref<128x128xf32, #tpu.memory_space<vmem>>, vector<16xf32>,
        %sub3A_516 = arith.subf %get3A_101, %get3A_515 : vector<16xf32>
        %abs3A_517 = math.absf %sub3A_516 : vector<16xf32>
        %add3A_518 = arith.addf %add3A_512, %abs3A_517 : vector<16xf32>
        %get3A_519 = arith.index_cast %add3A_477 : i32 to index
        %get3A_520 = arith.constant 112 : index
        %get3A_521 = tpu.vector_load %arg8[%get3A_519, %get3A_520] {strides = array<i32>} : memref<128x128xf32, #tpu.memory_space<vmem>>, vector<16xf32>,
        %sub3A_522 = arith.subf %get3A_106, %get3A_521 : vector<16xf32>
        %abs3A_523 = math.absf %sub3A_522 : vector<16xf32>
        %add3A_524 = arith.addf %add3A_518, %abs3A_523 : vector<16xf32>
        %swap3A_525 = arith.constant 6 : i32
        %swap3A_526 = arith.index_cast %swap3A_525 : i32 to index
        %swap3A_527 = arith.constant 0 : index
        %swap3A_528 = tpu.vector_load %arg10[%swap3A_526, %swap3A_527] {strides = array<i32>} : memref<16x16xf32, #tpu.memory_space<vmem>>, vector<16xf32>,
        tpu.vector_store %arg10[%swap3A_526, %swap3A_527], %add3A_524 {strides = array<i32>} : memref<16x16xf32, #tpu.memory_space<vmem>>, vector<16xf32>,
        %mul3A_529 = arith.constant 16 : i32
        %mul3A_530 = arith.muli %scan3A_61, %mul3A_529 : i32
        %add3A_531 = arith.constant 7 : i32
        %add3A_532 = arith.addi %mul3A_530, %add3A_531 : i32
        %get3A_533 = arith.index_cast %add3A_532 : i32 to index
        %get3A_534 = arith.constant 0 : index
        %get3A_535 = tpu.vector_load %arg8[%get3A_533, %get3A_534] {strides = array<i32>} : memref<128x128xf32, #tpu.memory_space<vmem>>, vector<16xf32>,
        %sub3A_536 = arith.subf %get3A_71, %get3A_535 : vector<16xf32>
        %abs3A_537 = math.absf %sub3A_536 : vector<16xf32>
        %get3A_538 = arith.index_cast %add3A_532 : i32 to index
        %get3A_539 = arith.constant 16 : index
        %get3A_540 = tpu.vector_load %arg8[%get3A_538, %get3A_539] {strides = array<i32>} : memref<128x128xf32, #tpu.memory_space<vmem>>, vector<16xf32>,
        %sub3A_541 = arith.subf %get3A_76, %get3A_540 : vector<16xf32>
        %abs3A_542 = math.absf %sub3A_541 : vector<16xf32>
        %add3A_543 = arith.addf %abs3A_537, %abs3A_542 : vector<16xf32>
        %get3A_544 = arith.index_cast %add3A_532 : i32 to index
        %get3A_545 = arith.constant 32 : index
        %get3A_546 = tpu.vector_load %arg8[%get3A_544, %get3A_545] {strides = array<i32>} : memref<128x128xf32, #tpu.memory_space<vmem>>, vector<16xf32>,
        %sub3A_547 = arith.subf %get3A_81, %get3A_546 : vector<16xf32>
        %abs3A_548 = math.absf %sub3A_547 : vector<16xf32>
        %add3A_549 = arith.addf %add3A_543, %abs3A_548 : vector<16xf32>
        %get3A_550 = arith.index_cast %add3A_532 : i32 to index
        %get3A_551 = arith.constant 48 : index
        %get3A_552 = tpu.vector_load %arg8[%get3A_550, %get3A_551] {strides = array<i32>} : memref<128x128xf32, #tpu.memory_space<vmem>>, vector<16xf32>,
        %sub3A_553 = arith.subf %get3A_86, %get3A_552 : vector<16xf32>
        %abs3A_554 = math.absf %sub3A_553 : vector<16xf32>
        %add3A_555 = arith.addf %add3A_549, %abs3A_554 : vector<16xf32>
        %get3A_556 = arith.index_cast %add3A_532 : i32 to index
        %get3A_557 = arith.constant 64 : index
        %get3A_558 = tpu.vector_load %arg8[%get3A_556, %get3A_557] {strides = array<i32>} : memref<128x128xf32, #tpu.memory_space<vmem>>, vector<16xf32>,
        %sub3A_559 = arith.subf %get3A_91, %get3A_558 : vector<16xf32>
        %abs3A_560 = math.absf %sub3A_559 : vector<16xf32>
        %add3A_561 = arith.addf %add3A_555, %abs3A_560 : vector<16xf32>
        %get3A_562 = arith.index_cast %add3A_532 : i32 to index
        %get3A_563 = arith.constant 80 : index
        %get3A_564 = tpu.vector_load %arg8[%get3A_562, %get3A_563] {strides = array<i32>} : memref<128x128xf32, #tpu.memory_space<vmem>>, vector<16xf32>,
        %sub3A_565 = arith.subf %get3A_96, %get3A_564 : vector<16xf32>
        %abs3A_566 = math.absf %sub3A_565 : vector<16xf32>
        %add3A_567 = arith.addf %add3A_561, %abs3A_566 : vector<16xf32>
        %get3A_568 = arith.index_cast %add3A_532 : i32 to index
        %get3A_569 = arith.constant 96 : index
        %get3A_570 = tpu.vector_load %arg8[%get3A_568, %get3A_569] {strides = array<i32>} : memref<128x128xf32, #tpu.memory_space<vmem>>, vector<16xf32>,
        %sub3A_571 = arith.subf %get3A_101, %get3A_570 : vector<16xf32>
        %abs3A_572 = math.absf %sub3A_571 : vector<16xf32>
        %add3A_573 = arith.addf %add3A_567, %abs3A_572 : vector<16xf32>
        %get3A_574 = arith.index_cast %add3A_532 : i32 to index
        %get3A_575 = arith.constant 112 : index
        %get3A_576 = tpu.vector_load %arg8[%get3A_574, %get3A_575] {strides = array<i32>} : memref<128x128xf32, #tpu.memory_space<vmem>>, vector<16xf32>,
        %sub3A_577 = arith.subf %get3A_106, %get3A_576 : vector<16xf32>
        %abs3A_578 = math.absf %sub3A_577 : vector<16xf32>
        %add3A_579 = arith.addf %add3A_573, %abs3A_578 : vector<16xf32>
        %swap3A_580 = arith.constant 7 : i32
        %swap3A_581 = arith.index_cast %swap3A_580 : i32 to index
        %swap3A_582 = arith.constant 0 : index
        %swap3A_583 = tpu.vector_load %arg10[%swap3A_581, %swap3A_582] {strides = array<i32>} : memref<16x16xf32, #tpu.memory_space<vmem>>, vector<16xf32>,
        tpu.vector_store %arg10[%swap3A_581, %swap3A_582], %add3A_579 {strides = array<i32>} : memref<16x16xf32, #tpu.memory_space<vmem>>, vector<16xf32>,
        %mul3A_584 = arith.constant 16 : i32
        %mul3A_585 = arith.muli %scan3A_61, %mul3A_584 : i32
        %add3A_586 = arith.constant 8 : i32
        %add3A_587 = arith.addi %mul3A_585, %add3A_586 : i32
        %get3A_588 = arith.index_cast %add3A_587 : i32 to index
        %get3A_589 = arith.constant 0 : index
        %get3A_590 = tpu.vector_load %arg8[%get3A_588, %get3A_589] {strides = array<i32>} : memref<128x128xf32, #tpu.memory_space<vmem>>, vector<16xf32>,
        %sub3A_591 = arith.subf %get3A_111, %get3A_590 : vector<16xf32>
        %abs3A_592 = math.absf %sub3A_591 : vector<16xf32>
        %get3A_593 = arith.index_cast %add3A_587 : i32 to index
        %get3A_594 = arith.constant 16 : index
        %get3A_595 = tpu.vector_load %arg8[%get3A_593, %get3A_594] {strides = array<i32>} : memref<128x128xf32, #tpu.memory_space<vmem>>, vector<16xf32>,
        %sub3A_596 = arith.subf %get3A_116, %get3A_595 : vector<16xf32>
        %abs3A_597 = math.absf %sub3A_596 : vector<16xf32>
        %add3A_598 = arith.addf %abs3A_592, %abs3A_597 : vector<16xf32>
        %get3A_599 = arith.index_cast %add3A_587 : i32 to index
        %get3A_600 = arith.constant 32 : index
        %get3A_601 = tpu.vector_load %arg8[%get3A_599, %get3A_600] {strides = array<i32>} : memref<128x128xf32, #tpu.memory_space<vmem>>, vector<16xf32>,
        %sub3A_602 = arith.subf %get3A_121, %get3A_601 : vector<16xf32>
        %abs3A_603 = math.absf %sub3A_602 : vector<16xf32>
        %add3A_604 = arith.addf %add3A_598, %abs3A_603 : vector<16xf32>
        %get3A_605 = arith.index_cast %add3A_587 : i32 to index
        %get3A_606 = arith.constant 48 : index
        %get3A_607 = tpu.vector_load %arg8[%get3A_605, %get3A_606] {strides = array<i32>} : memref<128x128xf32, #tpu.memory_space<vmem>>, vector<16xf32>,
        %sub3A_608 = arith.subf %get3A_126, %get3A_607 : vector<16xf32>
        %abs3A_609 = math.absf %sub3A_608 : vector<16xf32>
        %add3A_610 = arith.addf %add3A_604, %abs3A_609 : vector<16xf32>
        %get3A_611 = arith.index_cast %add3A_587 : i32 to index
        %get3A_612 = arith.constant 64 : index
        %get3A_613 = tpu.vector_load %arg8[%get3A_611, %get3A_612] {strides = array<i32>} : memref<128x128xf32, #tpu.memory_space<vmem>>, vector<16xf32>,
        %sub3A_614 = arith.subf %get3A_131, %get3A_613 : vector<16xf32>
        %abs3A_615 = math.absf %sub3A_614 : vector<16xf32>
        %add3A_616 = arith.addf %add3A_610, %abs3A_615 : vector<16xf32>
        %get3A_617 = arith.index_cast %add3A_587 : i32 to index
        %get3A_618 = arith.constant 80 : index
        %get3A_619 = tpu.vector_load %arg8[%get3A_617, %get3A_618] {strides = array<i32>} : memref<128x128xf32, #tpu.memory_space<vmem>>, vector<16xf32>,
        %sub3A_620 = arith.subf %get3A_136, %get3A_619 : vector<16xf32>
        %abs3A_621 = math.absf %sub3A_620 : vector<16xf32>
        %add3A_622 = arith.addf %add3A_616, %abs3A_621 : vector<16xf32>
        %get3A_623 = arith.index_cast %add3A_587 : i32 to index
        %get3A_624 = arith.constant 96 : index
        %get3A_625 = tpu.vector_load %arg8[%get3A_623, %get3A_624] {strides = array<i32>} : memref<128x128xf32, #tpu.memory_space<vmem>>, vector<16xf32>,
        %sub3A_626 = arith.subf %get3A_141, %get3A_625 : vector<16xf32>
        %abs3A_627 = math.absf %sub3A_626 : vector<16xf32>
        %add3A_628 = arith.addf %add3A_622, %abs3A_627 : vector<16xf32>
        %get3A_629 = arith.index_cast %add3A_587 : i32 to index
        %get3A_630 = arith.constant 112 : index
        %get3A_631 = tpu.vector_load %arg8[%get3A_629, %get3A_630] {strides = array<i32>} : memref<128x128xf32, #tpu.memory_space<vmem>>, vector<16xf32>,
        %sub3A_632 = arith.subf %get3A_146, %get3A_631 : vector<16xf32>
        %abs3A_633 = math.absf %sub3A_632 : vector<16xf32>
        %add3A_634 = arith.addf %add3A_628, %abs3A_633 : vector<16xf32>
        %swap3A_635 = arith.constant 8 : i32
        %swap3A_636 = arith.index_cast %swap3A_635 : i32 to index
        %swap3A_637 = arith.constant 0 : index
        %swap3A_638 = tpu.vector_load %arg10[%swap3A_636, %swap3A_637] {strides = array<i32>} : memref<16x16xf32, #tpu.memory_space<vmem>>, vector<16xf32>,
        tpu.vector_store %arg10[%swap3A_636, %swap3A_637], %add3A_634 {strides = array<i32>} : memref<16x16xf32, #tpu.memory_space<vmem>>, vector<16xf32>,
        %mul3A_639 = arith.constant 16 : i32
        %mul3A_640 = arith.muli %scan3A_61, %mul3A_639 : i32
        %add3A_641 = arith.constant 9 : i32
        %add3A_642 = arith.addi %mul3A_640, %add3A_641 : i32
        %get3A_643 = arith.index_cast %add3A_642 : i32 to index
        %get3A_644 = arith.constant 0 : index
        %get3A_645 = tpu.vector_load %arg8[%get3A_643, %get3A_644] {strides = array<i32>} : memref<128x128xf32, #tpu.memory_space<vmem>>, vector<16xf32>,
        %sub3A_646 = arith.subf %get3A_111, %get3A_645 : vector<16xf32>
        %abs3A_647 = math.absf %sub3A_646 : vector<16xf32>
        %get3A_648 = arith.index_cast %add3A_642 : i32 to index
        %get3A_649 = arith.constant 16 : index
        %get3A_650 = tpu.vector_load %arg8[%get3A_648, %get3A_649] {strides = array<i32>} : memref<128x128xf32, #tpu.memory_space<vmem>>, vector<16xf32>,
        %sub3A_651 = arith.subf %get3A_116, %get3A_650 : vector<16xf32>
        %abs3A_652 = math.absf %sub3A_651 : vector<16xf32>
        %add3A_653 = arith.addf %abs3A_647, %abs3A_652 : vector<16xf32>
        %get3A_654 = arith.index_cast %add3A_642 : i32 to index
        %get3A_655 = arith.constant 32 : index
        %get3A_656 = tpu.vector_load %arg8[%get3A_654, %get3A_655] {strides = array<i32>} : memref<128x128xf32, #tpu.memory_space<vmem>>, vector<16xf32>,
        %sub3A_657 = arith.subf %get3A_121, %get3A_656 : vector<16xf32>
        %abs3A_658 = math.absf %sub3A_657 : vector<16xf32>
        %add3A_659 = arith.addf %add3A_653, %abs3A_658 : vector<16xf32>
        %get3A_660 = arith.index_cast %add3A_642 : i32 to index
        %get3A_661 = arith.constant 48 : index
        %get3A_662 = tpu.vector_load %arg8[%get3A_660, %get3A_661] {strides = array<i32>} : memref<128x128xf32, #tpu.memory_space<vmem>>, vector<16xf32>,
        %sub3A_663 = arith.subf %get3A_126, %get3A_662 : vector<16xf32>
        %abs3A_664 = math.absf %sub3A_663 : vector<16xf32>
        %add3A_665 = arith.addf %add3A_659, %abs3A_664 : vector<16xf32>
        %get3A_666 = arith.index_cast %add3A_642 : i32 to index
        %get3A_667 = arith.constant 64 : index
        %get3A_668 = tpu.vector_load %arg8[%get3A_666, %get3A_667] {strides = array<i32>} : memref<128x128xf32, #tpu.memory_space<vmem>>, vector<16xf32>,
        %sub3A_669 = arith.subf %get3A_131, %get3A_668 : vector<16xf32>
        %abs3A_670 = math.absf %sub3A_669 : vector<16xf32>
        %add3A_671 = arith.addf %add3A_665, %abs3A_670 : vector<16xf32>
        %get3A_672 = arith.index_cast %add3A_642 : i32 to index
        %get3A_673 = arith.constant 80 : index
        %get3A_674 = tpu.vector_load %arg8[%get3A_672, %get3A_673] {strides = array<i32>} : memref<128x128xf32, #tpu.memory_space<vmem>>, vector<16xf32>,
        %sub3A_675 = arith.subf %get3A_136, %get3A_674 : vector<16xf32>
        %abs3A_676 = math.absf %sub3A_675 : vector<16xf32>
        %add3A_677 = arith.addf %add3A_671, %abs3A_676 : vector<16xf32>
        %get3A_678 = arith.index_cast %add3A_642 : i32 to index
        %get3A_679 = arith.constant 96 : index
        %get3A_680 = tpu.vector_load %arg8[%get3A_678, %get3A_679] {strides = array<i32>} : memref<128x128xf32, #tpu.memory_space<vmem>>, vector<16xf32>,
        %sub3A_681 = arith.subf %get3A_141, %get3A_680 : vector<16xf32>
        %abs3A_682 = math.absf %sub3A_681 : vector<16xf32>
        %add3A_683 = arith.addf %add3A_677, %abs3A_682 : vector<16xf32>
        %get3A_684 = arith.index_cast %add3A_642 : i32 to index
        %get3A_685 = arith.constant 112 : index
        %get3A_686 = tpu.vector_load %arg8[%get3A_684, %get3A_685] {strides = array<i32>} : memref<128x128xf32, #tpu.memory_space<vmem>>, vector<16xf32>,
        %sub3A_687 = arith.subf %get3A_146, %get3A_686 : vector<16xf32>
        %abs3A_688 = math.absf %sub3A_687 : vector<16xf32>
        %add3A_689 = arith.addf %add3A_683, %abs3A_688 : vector<16xf32>
        %swap3A_690 = arith.constant 9 : i32
        %swap3A_691 = arith.index_cast %swap3A_690 : i32 to index
        %swap3A_692 = arith.constant 0 : index
        %swap3A_693 = tpu.vector_load %arg10[%swap3A_691, %swap3A_692] {strides = array<i32>} : memref<16x16xf32, #tpu.memory_space<vmem>>, vector<16xf32>,
        tpu.vector_store %arg10[%swap3A_691, %swap3A_692], %add3A_689 {strides = array<i32>} : memref<16x16xf32, #tpu.memory_space<vmem>>, vector<16xf32>,
        %mul3A_694 = arith.constant 16 : i32
        %mul3A_695 = arith.muli %scan3A_61, %mul3A_694 : i32
        %add3A_696 = arith.constant 10 : i32
        %add3A_697 = arith.addi %mul3A_695, %add3A_696 : i32
        %get3A_698 = arith.index_cast %add3A_697 : i32 to index
        %get3A_699 = arith.constant 0 : index
        %get3A_700 = tpu.vector_load %arg8[%get3A_698, %get3A_699] {strides = array<i32>} : memref<128x128xf32, #tpu.memory_space<vmem>>, vector<16xf32>,
        %sub3A_701 = arith.subf %get3A_111, %get3A_700 : vector<16xf32>
        %abs3A_702 = math.absf %sub3A_701 : vector<16xf32>
        %get3A_703 = arith.index_cast %add3A_697 : i32 to index
        %get3A_704 = arith.constant 16 : index
        %get3A_705 = tpu.vector_load %arg8[%get3A_703, %get3A_704] {strides = array<i32>} : memref<128x128xf32, #tpu.memory_space<vmem>>, vector<16xf32>,
        %sub3A_706 = arith.subf %get3A_116, %get3A_705 : vector<16xf32>
        %abs3A_707 = math.absf %sub3A_706 : vector<16xf32>
        %add3A_708 = arith.addf %abs3A_702, %abs3A_707 : vector<16xf32>
        %get3A_709 = arith.index_cast %add3A_697 : i32 to index
        %get3A_710 = arith.constant 32 : index
        %get3A_711 = tpu.vector_load %arg8[%get3A_709, %get3A_710] {strides = array<i32>} : memref<128x128xf32, #tpu.memory_space<vmem>>, vector<16xf32>,
        %sub3A_712 = arith.subf %get3A_121, %get3A_711 : vector<16xf32>
        %abs3A_713 = math.absf %sub3A_712 : vector<16xf32>
        %add3A_714 = arith.addf %add3A_708, %abs3A_713 : vector<16xf32>
        %get3A_715 = arith.index_cast %add3A_697 : i32 to index
        %get3A_716 = arith.constant 48 : index
        %get3A_717 = tpu.vector_load %arg8[%get3A_715, %get3A_716] {strides = array<i32>} : memref<128x128xf32, #tpu.memory_space<vmem>>, vector<16xf32>,
        %sub3A_718 = arith.subf %get3A_126, %get3A_717 : vector<16xf32>
        %abs3A_719 = math.absf %sub3A_718 : vector<16xf32>
        %add3A_720 = arith.addf %add3A_714, %abs3A_719 : vector<16xf32>
        %get3A_721 = arith.index_cast %add3A_697 : i32 to index
        %get3A_722 = arith.constant 64 : index
        %get3A_723 = tpu.vector_load %arg8[%get3A_721, %get3A_722] {strides = array<i32>} : memref<128x128xf32, #tpu.memory_space<vmem>>, vector<16xf32>,
        %sub3A_724 = arith.subf %get3A_131, %get3A_723 : vector<16xf32>
        %abs3A_725 = math.absf %sub3A_724 : vector<16xf32>
        %add3A_726 = arith.addf %add3A_720, %abs3A_725 : vector<16xf32>
        %get3A_727 = arith.index_cast %add3A_697 : i32 to index
        %get3A_728 = arith.constant 80 : index
        %get3A_729 = tpu.vector_load %arg8[%get3A_727, %get3A_728] {strides = array<i32>} : memref<128x128xf32, #tpu.memory_space<vmem>>, vector<16xf32>,
        %sub3A_730 = arith.subf %get3A_136, %get3A_729 : vector<16xf32>
        %abs3A_731 = math.absf %sub3A_730 : vector<16xf32>
        %add3A_732 = arith.addf %add3A_726, %abs3A_731 : vector<16xf32>
        %get3A_733 = arith.index_cast %add3A_697 : i32 to index
        %get3A_734 = arith.constant 96 : index
        %get3A_735 = tpu.vector_load %arg8[%get3A_733, %get3A_734] {strides = array<i32>} : memref<128x128xf32, #tpu.memory_space<vmem>>, vector<16xf32>,
        %sub3A_736 = arith.subf %get3A_141, %get3A_735 : vector<16xf32>
        %abs3A_737 = math.absf %sub3A_736 : vector<16xf32>
        %add3A_738 = arith.addf %add3A_732, %abs3A_737 : vector<16xf32>
        %get3A_739 = arith.index_cast %add3A_697 : i32 to index
        %get3A_740 = arith.constant 112 : index
        %get3A_741 = tpu.vector_load %arg8[%get3A_739, %get3A_740] {strides = array<i32>} : memref<128x128xf32, #tpu.memory_space<vmem>>, vector<16xf32>,
        %sub3A_742 = arith.subf %get3A_146, %get3A_741 : vector<16xf32>
        %abs3A_743 = math.absf %sub3A_742 : vector<16xf32>
        %add3A_744 = arith.addf %add3A_738, %abs3A_743 : vector<16xf32>
        %swap3A_745 = arith.constant 10 : i32
        %swap3A_746 = arith.index_cast %swap3A_745 : i32 to index
        %swap3A_747 = arith.constant 0 : index
        %swap3A_748 = tpu.vector_load %arg10[%swap3A_746, %swap3A_747] {strides = array<i32>} : memref<16x16xf32, #tpu.memory_space<vmem>>, vector<16xf32>,
        tpu.vector_store %arg10[%swap3A_746, %swap3A_747], %add3A_744 {strides = array<i32>} : memref<16x16xf32, #tpu.memory_space<vmem>>, vector<16xf32>,
        %mul3A_749 = arith.constant 16 : i32
        %mul3A_750 = arith.muli %scan3A_61, %mul3A_749 : i32
        %add3A_751 = arith.constant 11 : i32
        %add3A_752 = arith.addi %mul3A_750, %add3A_751 : i32
        %get3A_753 = arith.index_cast %add3A_752 : i32 to index
        %get3A_754 = arith.constant 0 : index
        %get3A_755 = tpu.vector_load %arg8[%get3A_753, %get3A_754] {strides = array<i32>} : memref<128x128xf32, #tpu.memory_space<vmem>>, vector<16xf32>,
        %sub3A_756 = arith.subf %get3A_111, %get3A_755 : vector<16xf32>
        %abs3A_757 = math.absf %sub3A_756 : vector<16xf32>
        %get3A_758 = arith.index_cast %add3A_752 : i32 to index
        %get3A_759 = arith.constant 16 : index
        %get3A_760 = tpu.vector_load %arg8[%get3A_758, %get3A_759] {strides = array<i32>} : memref<128x128xf32, #tpu.memory_space<vmem>>, vector<16xf32>,
        %sub3A_761 = arith.subf %get3A_116, %get3A_760 : vector<16xf32>
        %abs3A_762 = math.absf %sub3A_761 : vector<16xf32>
        %add3A_763 = arith.addf %abs3A_757, %abs3A_762 : vector<16xf32>
        %get3A_764 = arith.index_cast %add3A_752 : i32 to index
        %get3A_765 = arith.constant 32 : index
        %get3A_766 = tpu.vector_load %arg8[%get3A_764, %get3A_765] {strides = array<i32>} : memref<128x128xf32, #tpu.memory_space<vmem>>, vector<16xf32>,
        %sub3A_767 = arith.subf %get3A_121, %get3A_766 : vector<16xf32>
        %abs3A_768 = math.absf %sub3A_767 : vector<16xf32>
        %add3A_769 = arith.addf %add3A_763, %abs3A_768 : vector<16xf32>
        %get3A_770 = arith.index_cast %add3A_752 : i32 to index
        %get3A_771 = arith.constant 48 : index
        %get3A_772 = tpu.vector_load %arg8[%get3A_770, %get3A_771] {strides = array<i32>} : memref<128x128xf32, #tpu.memory_space<vmem>>, vector<16xf32>,
        %sub3A_773 = arith.subf %get3A_126, %get3A_772 : vector<16xf32>
        %abs3A_774 = math.absf %sub3A_773 : vector<16xf32>
        %add3A_775 = arith.addf %add3A_769, %abs3A_774 : vector<16xf32>
        %get3A_776 = arith.index_cast %add3A_752 : i32 to index
        %get3A_777 = arith.constant 64 : index
        %get3A_778 = tpu.vector_load %arg8[%get3A_776, %get3A_777] {strides = array<i32>} : memref<128x128xf32, #tpu.memory_space<vmem>>, vector<16xf32>,
        %sub3A_779 = arith.subf %get3A_131, %get3A_778 : vector<16xf32>
        %abs3A_780 = math.absf %sub3A_779 : vector<16xf32>
        %add3A_781 = arith.addf %add3A_775, %abs3A_780 : vector<16xf32>
        %get3A_782 = arith.index_cast %add3A_752 : i32 to index
        %get3A_783 = arith.constant 80 : index
        %get3A_784 = tpu.vector_load %arg8[%get3A_782, %get3A_783] {strides = array<i32>} : memref<128x128xf32, #tpu.memory_space<vmem>>, vector<16xf32>,
        %sub3A_785 = arith.subf %get3A_136, %get3A_784 : vector<16xf32>
        %abs3A_786 = math.absf %sub3A_785 : vector<16xf32>
        %add3A_787 = arith.addf %add3A_781, %abs3A_786 : vector<16xf32>
        %get3A_788 = arith.index_cast %add3A_752 : i32 to index
        %get3A_789 = arith.constant 96 : index
        %get3A_790 = tpu.vector_load %arg8[%get3A_788, %get3A_789] {strides = array<i32>} : memref<128x128xf32, #tpu.memory_space<vmem>>, vector<16xf32>,
        %sub3A_791 = arith.subf %get3A_141, %get3A_790 : vector<16xf32>
        %abs3A_792 = math.absf %sub3A_791 : vector<16xf32>
        %add3A_793 = arith.addf %add3A_787, %abs3A_792 : vector<16xf32>
        %get3A_794 = arith.index_cast %add3A_752 : i32 to index
        %get3A_795 = arith.constant 112 : index
        %get3A_796 = tpu.vector_load %arg8[%get3A_794, %get3A_795] {strides = array<i32>} : memref<128x128xf32, #tpu.memory_space<vmem>>, vector<16xf32>,
        %sub3A_797 = arith.subf %get3A_146, %get3A_796 : vector<16xf32>
        %abs3A_798 = math.absf %sub3A_797 : vector<16xf32>
        %add3A_799 = arith.addf %add3A_793, %abs3A_798 : vector<16xf32>
        %swap3A_800 = arith.constant 11 : i32
        %swap3A_801 = arith.index_cast %swap3A_800 : i32 to index
        %swap3A_802 = arith.constant 0 : index
        %swap3A_803 = tpu.vector_load %arg10[%swap3A_801, %swap3A_802] {strides = array<i32>} : memref<16x16xf32, #tpu.memory_space<vmem>>, vector<16xf32>,
        tpu.vector_store %arg10[%swap3A_801, %swap3A_802], %add3A_799 {strides = array<i32>} : memref<16x16xf32, #tpu.memory_space<vmem>>, vector<16xf32>,
        %mul3A_804 = arith.constant 16 : i32
        %mul3A_805 = arith.muli %scan3A_61, %mul3A_804 : i32
        %add3A_806 = arith.constant 12 : i32
        %add3A_807 = arith.addi %mul3A_805, %add3A_806 : i32
        %get3A_808 = arith.index_cast %add3A_807 : i32 to index
        %get3A_809 = arith.constant 0 : index
        %get3A_810 = tpu.vector_load %arg8[%get3A_808, %get3A_809] {strides = array<i32>} : memref<128x128xf32, #tpu.memory_space<vmem>>, vector<16xf32>,
        %sub3A_811 = arith.subf %get3A_111, %get3A_810 : vector<16xf32>
        %abs3A_812 = math.absf %sub3A_811 : vector<16xf32>
        %get3A_813 = arith.index_cast %add3A_807 : i32 to index
        %get3A_814 = arith.constant 16 : index
        %get3A_815 = tpu.vector_load %arg8[%get3A_813, %get3A_814] {strides = array<i32>} : memref<128x128xf32, #tpu.memory_space<vmem>>, vector<16xf32>,
        %sub3A_816 = arith.subf %get3A_116, %get3A_815 : vector<16xf32>
        %abs3A_817 = math.absf %sub3A_816 : vector<16xf32>
        %add3A_818 = arith.addf %abs3A_812, %abs3A_817 : vector<16xf32>
        %get3A_819 = arith.index_cast %add3A_807 : i32 to index
        %get3A_820 = arith.constant 32 : index
        %get3A_821 = tpu.vector_load %arg8[%get3A_819, %get3A_820] {strides = array<i32>} : memref<128x128xf32, #tpu.memory_space<vmem>>, vector<16xf32>,
        %sub3A_822 = arith.subf %get3A_121, %get3A_821 : vector<16xf32>
        %abs3A_823 = math.absf %sub3A_822 : vector<16xf32>
        %add3A_824 = arith.addf %add3A_818, %abs3A_823 : vector<16xf32>
        %get3A_825 = arith.index_cast %add3A_807 : i32 to index
        %get3A_826 = arith.constant 48 : index
        %get3A_827 = tpu.vector_load %arg8[%get3A_825, %get3A_826] {strides = array<i32>} : memref<128x128xf32, #tpu.memory_space<vmem>>, vector<16xf32>,
        %sub3A_828 = arith.subf %get3A_126, %get3A_827 : vector<16xf32>
        %abs3A_829 = math.absf %sub3A_828 : vector<16xf32>
        %add3A_830 = arith.addf %add3A_824, %abs3A_829 : vector<16xf32>
        %get3A_831 = arith.index_cast %add3A_807 : i32 to index
        %get3A_832 = arith.constant 64 : index
        %get3A_833 = tpu.vector_load %arg8[%get3A_831, %get3A_832] {strides = array<i32>} : memref<128x128xf32, #tpu.memory_space<vmem>>, vector<16xf32>,
        %sub3A_834 = arith.subf %get3A_131, %get3A_833 : vector<16xf32>
        %abs3A_835 = math.absf %sub3A_834 : vector<16xf32>
        %add3A_836 = arith.addf %add3A_830, %abs3A_835 : vector<16xf32>
        %get3A_837 = arith.index_cast %add3A_807 : i32 to index
        %get3A_838 = arith.constant 80 : index
        %get3A_839 = tpu.vector_load %arg8[%get3A_837, %get3A_838] {strides = array<i32>} : memref<128x128xf32, #tpu.memory_space<vmem>>, vector<16xf32>,
        %sub3A_840 = arith.subf %get3A_136, %get3A_839 : vector<16xf32>
        %abs3A_841 = math.absf %sub3A_840 : vector<16xf32>
        %add3A_842 = arith.addf %add3A_836, %abs3A_841 : vector<16xf32>
        %get3A_843 = arith.index_cast %add3A_807 : i32 to index
        %get3A_844 = arith.constant 96 : index
        %get3A_845 = tpu.vector_load %arg8[%get3A_843, %get3A_844] {strides = array<i32>} : memref<128x128xf32, #tpu.memory_space<vmem>>, vector<16xf32>,
        %sub3A_846 = arith.subf %get3A_141, %get3A_845 : vector<16xf32>
        %abs3A_847 = math.absf %sub3A_846 : vector<16xf32>
        %add3A_848 = arith.addf %add3A_842, %abs3A_847 : vector<16xf32>
        %get3A_849 = arith.index_cast %add3A_807 : i32 to index
        %get3A_850 = arith.constant 112 : index
        %get3A_851 = tpu.vector_load %arg8[%get3A_849, %get3A_850] {strides = array<i32>} : memref<128x128xf32, #tpu.memory_space<vmem>>, vector<16xf32>,
        %sub3A_852 = arith.subf %get3A_146, %get3A_851 : vector<16xf32>
        %abs3A_853 = math.absf %sub3A_852 : vector<16xf32>
        %add3A_854 = arith.addf %add3A_848, %abs3A_853 : vector<16xf32>
        %swap3A_855 = arith.constant 12 : i32
        %swap3A_856 = arith.index_cast %swap3A_855 : i32 to index
        %swap3A_857 = arith.constant 0 : index
        %swap3A_858 = tpu.vector_load %arg10[%swap3A_856, %swap3A_857] {strides = array<i32>} : memref<16x16xf32, #tpu.memory_space<vmem>>, vector<16xf32>,
        tpu.vector_store %arg10[%swap3A_856, %swap3A_857], %add3A_854 {strides = array<i32>} : memref<16x16xf32, #tpu.memory_space<vmem>>, vector<16xf32>,
        %mul3A_859 = arith.constant 16 : i32
        %mul3A_860 = arith.muli %scan3A_61, %mul3A_859 : i32
        %add3A_861 = arith.constant 13 : i32
        %add3A_862 = arith.addi %mul3A_860, %add3A_861 : i32
        %get3A_863 = arith.index_cast %add3A_862 : i32 to index
        %get3A_864 = arith.constant 0 : index
        %get3A_865 = tpu.vector_load %arg8[%get3A_863, %get3A_864] {strides = array<i32>} : memref<128x128xf32, #tpu.memory_space<vmem>>, vector<16xf32>,
        %sub3A_866 = arith.subf %get3A_111, %get3A_865 : vector<16xf32>
        %abs3A_867 = math.absf %sub3A_866 : vector<16xf32>
        %get3A_868 = arith.index_cast %add3A_862 : i32 to index
        %get3A_869 = arith.constant 16 : index
        %get3A_870 = tpu.vector_load %arg8[%get3A_868, %get3A_869] {strides = array<i32>} : memref<128x128xf32, #tpu.memory_space<vmem>>, vector<16xf32>,
        %sub3A_871 = arith.subf %get3A_116, %get3A_870 : vector<16xf32>
        %abs3A_872 = math.absf %sub3A_871 : vector<16xf32>
        %add3A_873 = arith.addf %abs3A_867, %abs3A_872 : vector<16xf32>
        %get3A_874 = arith.index_cast %add3A_862 : i32 to index
        %get3A_875 = arith.constant 32 : index
        %get3A_876 = tpu.vector_load %arg8[%get3A_874, %get3A_875] {strides = array<i32>} : memref<128x128xf32, #tpu.memory_space<vmem>>, vector<16xf32>,
        %sub3A_877 = arith.subf %get3A_121, %get3A_876 : vector<16xf32>
        %abs3A_878 = math.absf %sub3A_877 : vector<16xf32>
        %add3A_879 = arith.addf %add3A_873, %abs3A_878 : vector<16xf32>
        %get3A_880 = arith.index_cast %add3A_862 : i32 to index
        %get3A_881 = arith.constant 48 : index
        %get3A_882 = tpu.vector_load %arg8[%get3A_880, %get3A_881] {strides = array<i32>} : memref<128x128xf32, #tpu.memory_space<vmem>>, vector<16xf32>,
        %sub3A_883 = arith.subf %get3A_126, %get3A_882 : vector<16xf32>
        %abs3A_884 = math.absf %sub3A_883 : vector<16xf32>
        %add3A_885 = arith.addf %add3A_879, %abs3A_884 : vector<16xf32>
        %get3A_886 = arith.index_cast %add3A_862 : i32 to index
        %get3A_887 = arith.constant 64 : index
        %get3A_888 = tpu.vector_load %arg8[%get3A_886, %get3A_887] {strides = array<i32>} : memref<128x128xf32, #tpu.memory_space<vmem>>, vector<16xf32>,
        %sub3A_889 = arith.subf %get3A_131, %get3A_888 : vector<16xf32>
        %abs3A_890 = math.absf %sub3A_889 : vector<16xf32>
        %add3A_891 = arith.addf %add3A_885, %abs3A_890 : vector<16xf32>
        %get3A_892 = arith.index_cast %add3A_862 : i32 to index
        %get3A_893 = arith.constant 80 : index
        %get3A_894 = tpu.vector_load %arg8[%get3A_892, %get3A_893] {strides = array<i32>} : memref<128x128xf32, #tpu.memory_space<vmem>>, vector<16xf32>,
        %sub3A_895 = arith.subf %get3A_136, %get3A_894 : vector<16xf32>
        %abs3A_896 = math.absf %sub3A_895 : vector<16xf32>
        %add3A_897 = arith.addf %add3A_891, %abs3A_896 : vector<16xf32>
        %get3A_898 = arith.index_cast %add3A_862 : i32 to index
        %get3A_899 = arith.constant 96 : index
        %get3A_900 = tpu.vector_load %arg8[%get3A_898, %get3A_899] {strides = array<i32>} : memref<128x128xf32, #tpu.memory_space<vmem>>, vector<16xf32>,
        %sub3A_901 = arith.subf %get3A_141, %get3A_900 : vector<16xf32>
        %abs3A_902 = math.absf %sub3A_901 : vector<16xf32>
        %add3A_903 = arith.addf %add3A_897, %abs3A_902 : vector<16xf32>
        %get3A_904 = arith.index_cast %add3A_862 : i32 to index
        %get3A_905 = arith.constant 112 : index
        %get3A_906 = tpu.vector_load %arg8[%get3A_904, %get3A_905] {strides = array<i32>} : memref<128x128xf32, #tpu.memory_space<vmem>>, vector<16xf32>,
        %sub3A_907 = arith.subf %get3A_146, %get3A_906 : vector<16xf32>
        %abs3A_908 = math.absf %sub3A_907 : vector<16xf32>
        %add3A_909 = arith.addf %add3A_903, %abs3A_908 : vector<16xf32>
        %swap3A_910 = arith.constant 13 : i32
        %swap3A_911 = arith.index_cast %swap3A_910 : i32 to index
        %swap3A_912 = arith.constant 0 : index
        %swap3A_913 = tpu.vector_load %arg10[%swap3A_911, %swap3A_912] {strides = array<i32>} : memref<16x16xf32, #tpu.memory_space<vmem>>, vector<16xf32>,
        tpu.vector_store %arg10[%swap3A_911, %swap3A_912], %add3A_909 {strides = array<i32>} : memref<16x16xf32, #tpu.memory_space<vmem>>, vector<16xf32>,
        %mul3A_914 = arith.constant 16 : i32
        %mul3A_915 = arith.muli %scan3A_61, %mul3A_914 : i32
        %add3A_916 = arith.constant 14 : i32
        %add3A_917 = arith.addi %mul3A_915, %add3A_916 : i32
        %get3A_918 = arith.index_cast %add3A_917 : i32 to index
        %get3A_919 = arith.constant 0 : index
        %get3A_920 = tpu.vector_load %arg8[%get3A_918, %get3A_919] {strides = array<i32>} : memref<128x128xf32, #tpu.memory_space<vmem>>, vector<16xf32>,
        %sub3A_921 = arith.subf %get3A_111, %get3A_920 : vector<16xf32>
        %abs3A_922 = math.absf %sub3A_921 : vector<16xf32>
        %get3A_923 = arith.index_cast %add3A_917 : i32 to index
        %get3A_924 = arith.constant 16 : index
        %get3A_925 = tpu.vector_load %arg8[%get3A_923, %get3A_924] {strides = array<i32>} : memref<128x128xf32, #tpu.memory_space<vmem>>, vector<16xf32>,
        %sub3A_926 = arith.subf %get3A_116, %get3A_925 : vector<16xf32>
        %abs3A_927 = math.absf %sub3A_926 : vector<16xf32>
        %add3A_928 = arith.addf %abs3A_922, %abs3A_927 : vector<16xf32>
        %get3A_929 = arith.index_cast %add3A_917 : i32 to index
        %get3A_930 = arith.constant 32 : index
        %get3A_931 = tpu.vector_load %arg8[%get3A_929, %get3A_930] {strides = array<i32>} : memref<128x128xf32, #tpu.memory_space<vmem>>, vector<16xf32>,
        %sub3A_932 = arith.subf %get3A_121, %get3A_931 : vector<16xf32>
        %abs3A_933 = math.absf %sub3A_932 : vector<16xf32>
        %add3A_934 = arith.addf %add3A_928, %abs3A_933 : vector<16xf32>
        %get3A_935 = arith.index_cast %add3A_917 : i32 to index
        %get3A_936 = arith.constant 48 : index
        %get3A_937 = tpu.vector_load %arg8[%get3A_935, %get3A_936] {strides = array<i32>} : memref<128x128xf32, #tpu.memory_space<vmem>>, vector<16xf32>,
        %sub3A_938 = arith.subf %get3A_126, %get3A_937 : vector<16xf32>
        %abs3A_939 = math.absf %sub3A_938 : vector<16xf32>
        %add3A_940 = arith.addf %add3A_934, %abs3A_939 : vector<16xf32>
        %get3A_941 = arith.index_cast %add3A_917 : i32 to index
        %get3A_942 = arith.constant 64 : index
        %get3A_943 = tpu.vector_load %arg8[%get3A_941, %get3A_942] {strides = array<i32>} : memref<128x128xf32, #tpu.memory_space<vmem>>, vector<16xf32>,
        %sub3A_944 = arith.subf %get3A_131, %get3A_943 : vector<16xf32>
        %abs3A_945 = math.absf %sub3A_944 : vector<16xf32>
        %add3A_946 = arith.addf %add3A_940, %abs3A_945 : vector<16xf32>
        %get3A_947 = arith.index_cast %add3A_917 : i32 to index
        %get3A_948 = arith.constant 80 : index
        %get3A_949 = tpu.vector_load %arg8[%get3A_947, %get3A_948] {strides = array<i32>} : memref<128x128xf32, #tpu.memory_space<vmem>>, vector<16xf32>,
        %sub3A_950 = arith.subf %get3A_136, %get3A_949 : vector<16xf32>
        %abs3A_951 = math.absf %sub3A_950 : vector<16xf32>
        %add3A_952 = arith.addf %add3A_946, %abs3A_951 : vector<16xf32>
        %get3A_953 = arith.index_cast %add3A_917 : i32 to index
        %get3A_954 = arith.constant 96 : index
        %get3A_955 = tpu.vector_load %arg8[%get3A_953, %get3A_954] {strides = array<i32>} : memref<128x128xf32, #tpu.memory_space<vmem>>, vector<16xf32>,
        %sub3A_956 = arith.subf %get3A_141, %get3A_955 : vector<16xf32>
        %abs3A_957 = math.absf %sub3A_956 : vector<16xf32>
        %add3A_958 = arith.addf %add3A_952, %abs3A_957 : vector<16xf32>
        %get3A_959 = arith.index_cast %add3A_917 : i32 to index
        %get3A_960 = arith.constant 112 : index
        %get3A_961 = tpu.vector_load %arg8[%get3A_959, %get3A_960] {strides = array<i32>} : memref<128x128xf32, #tpu.memory_space<vmem>>, vector<16xf32>,
        %sub3A_962 = arith.subf %get3A_146, %get3A_961 : vector<16xf32>
        %abs3A_963 = math.absf %sub3A_962 : vector<16xf32>
        %add3A_964 = arith.addf %add3A_958, %abs3A_963 : vector<16xf32>
        %swap3A_965 = arith.constant 14 : i32
        %swap3A_966 = arith.index_cast %swap3A_965 : i32 to index
        %swap3A_967 = arith.constant 0 : index
        %swap3A_968 = tpu.vector_load %arg10[%swap3A_966, %swap3A_967] {strides = array<i32>} : memref<16x16xf32, #tpu.memory_space<vmem>>, vector<16xf32>,
        tpu.vector_store %arg10[%swap3A_966, %swap3A_967], %add3A_964 {strides = array<i32>} : memref<16x16xf32, #tpu.memory_space<vmem>>, vector<16xf32>,
        %mul3A_969 = arith.constant 16 : i32
        %mul3A_970 = arith.muli %scan3A_61, %mul3A_969 : i32
        %add3A_971 = arith.constant 15 : i32
        %add3A_972 = arith.addi %mul3A_970, %add3A_971 : i32
        %get3A_973 = arith.index_cast %add3A_972 : i32 to index
        %get3A_974 = arith.constant 0 : index
        %get3A_975 = tpu.vector_load %arg8[%get3A_973, %get3A_974] {strides = array<i32>} : memref<128x128xf32, #tpu.memory_space<vmem>>, vector<16xf32>,
        %sub3A_976 = arith.subf %get3A_111, %get3A_975 : vector<16xf32>
        %abs3A_977 = math.absf %sub3A_976 : vector<16xf32>
        %get3A_978 = arith.index_cast %add3A_972 : i32 to index
        %get3A_979 = arith.constant 16 : index
        %get3A_980 = tpu.vector_load %arg8[%get3A_978, %get3A_979] {strides = array<i32>} : memref<128x128xf32, #tpu.memory_space<vmem>>, vector<16xf32>,
        %sub3A_981 = arith.subf %get3A_116, %get3A_980 : vector<16xf32>
        %abs3A_982 = math.absf %sub3A_981 : vector<16xf32>
        %add3A_983 = arith.addf %abs3A_977, %abs3A_982 : vector<16xf32>
        %get3A_984 = arith.index_cast %add3A_972 : i32 to index
        %get3A_985 = arith.constant 32 : index
        %get3A_986 = tpu.vector_load %arg8[%get3A_984, %get3A_985] {strides = array<i32>} : memref<128x128xf32, #tpu.memory_space<vmem>>, vector<16xf32>,
        %sub3A_987 = arith.subf %get3A_121, %get3A_986 : vector<16xf32>
        %abs3A_988 = math.absf %sub3A_987 : vector<16xf32>
        %add3A_989 = arith.addf %add3A_983, %abs3A_988 : vector<16xf32>
        %get3A_990 = arith.index_cast %add3A_972 : i32 to index
        %get3A_991 = arith.constant 48 : index
        %get3A_992 = tpu.vector_load %arg8[%get3A_990, %get3A_991] {strides = array<i32>} : memref<128x128xf32, #tpu.memory_space<vmem>>, vector<16xf32>,
        %sub3A_993 = arith.subf %get3A_126, %get3A_992 : vector<16xf32>
        %abs3A_994 = math.absf %sub3A_993 : vector<16xf32>
        %add3A_995 = arith.addf %add3A_989, %abs3A_994 : vector<16xf32>
        %get3A_996 = arith.index_cast %add3A_972 : i32 to index
        %get3A_997 = arith.constant 64 : index
        %get3A_998 = tpu.vector_load %arg8[%get3A_996, %get3A_997] {strides = array<i32>} : memref<128x128xf32, #tpu.memory_space<vmem>>, vector<16xf32>,
        %sub3A_999 = arith.subf %get3A_131, %get3A_998 : vector<16xf32>
        %abs3A_1000 = math.absf %sub3A_999 : vector<16xf32>
        %add3A_1001 = arith.addf %add3A_995, %abs3A_1000 : vector<16xf32>
        %get3A_1002 = arith.index_cast %add3A_972 : i32 to index
        %get3A_1003 = arith.constant 80 : index
        %get3A_1004 = tpu.vector_load %arg8[%get3A_1002, %get3A_1003] {strides = array<i32>} : memref<128x128xf32, #tpu.memory_space<vmem>>, vector<16xf32>,
        %sub3A_1005 = arith.subf %get3A_136, %get3A_1004 : vector<16xf32>
        %abs3A_1006 = math.absf %sub3A_1005 : vector<16xf32>
        %add3A_1007 = arith.addf %add3A_1001, %abs3A_1006 : vector<16xf32>
        %get3A_1008 = arith.index_cast %add3A_972 : i32 to index
        %get3A_1009 = arith.constant 96 : index
        %get3A_1010 = tpu.vector_load %arg8[%get3A_1008, %get3A_1009] {strides = array<i32>} : memref<128x128xf32, #tpu.memory_space<vmem>>, vector<16xf32>,
        %sub3A_1011 = arith.subf %get3A_141, %get3A_1010 : vector<16xf32>
        %abs3A_1012 = math.absf %sub3A_1011 : vector<16xf32>
        %add3A_1013 = arith.addf %add3A_1007, %abs3A_1012 : vector<16xf32>
        %get3A_1014 = arith.index_cast %add3A_972 : i32 to index
        %get3A_1015 = arith.constant 112 : index
        %get3A_1016 = tpu.vector_load %arg8[%get3A_1014, %get3A_1015] {strides = array<i32>} : memref<128x128xf32, #tpu.memory_space<vmem>>, vector<16xf32>,
        %sub3A_1017 = arith.subf %get3A_146, %get3A_1016 : vector<16xf32>
        %abs3A_1018 = math.absf %sub3A_1017 : vector<16xf32>
        %add3A_1019 = arith.addf %add3A_1013, %abs3A_1018 : vector<16xf32>
        %swap3A_1020 = arith.constant 15 : i32
        %swap3A_1021 = arith.index_cast %swap3A_1020 : i32 to index
        %swap3A_1022 = arith.constant 0 : index
        %swap3A_1023 = tpu.vector_load %arg10[%swap3A_1021, %swap3A_1022] {strides = array<i32>} : memref<16x16xf32, #tpu.memory_space<vmem>>, vector<16xf32>,
        tpu.vector_store %arg10[%swap3A_1021, %swap3A_1022], %add3A_1019 {strides = array<i32>} : memref<16x16xf32, #tpu.memory_space<vmem>>, vector<16xf32>,
        %broadcast_in_dim3A = arith.constant 0 : i32
        %broadcast_in_dim3A_1024 = vector.broadcast %broadcast_in_dim3A : i32 to vector<16xi32>
        %gather3A = tpu.vector_load_idx %arg10[%iota3A, %broadcast_in_dim3A_1024] : memref<16x16xf32, #tpu.memory_space<vmem>>[vector<16xi32>, vector<16xi32>], vector<16xf32>,
        %broadcast_in_dim3A_1025 = arith.constant 1 : i32
        %broadcast_in_dim3A_1026 = vector.broadcast %broadcast_in_dim3A_1025 : i32 to vector<16xi32>
        %gather3A_1027 = tpu.vector_load_idx %arg10[%iota3A, %broadcast_in_dim3A_1026] : memref<16x16xf32, #tpu.memory_space<vmem>>[vector<16xi32>, vector<16xi32>], vector<16xf32>,
        %add3A_1028 = arith.addf %gather3A, %gather3A_1027 : vector<16xf32>
        %broadcast_in_dim3A_1029 = arith.constant 2 : i32
        %broadcast_in_dim3A_1030 = vector.broadcast %broadcast_in_dim3A_1029 : i32 to vector<16xi32>
        %gather3A_1031 = tpu.vector_load_idx %arg10[%iota3A, %broadcast_in_dim3A_1030] : memref<16x16xf32, #tpu.memory_space<vmem>>[vector<16xi32>, vector<16xi32>], vector<16xf32>,
        %add3A_1032 = arith.addf %add3A_1028, %gather3A_1031 : vector<16xf32>
        %broadcast_in_dim3A_1033 = arith.constant 3 : i32
        %broadcast_in_dim3A_1034 = vector.broadcast %broadcast_in_dim3A_1033 : i32 to vector<16xi32>
        %gather3A_1035 = tpu.vector_load_idx %arg10[%iota3A, %broadcast_in_dim3A_1034] : memref<16x16xf32, #tpu.memory_space<vmem>>[vector<16xi32>, vector<16xi32>], vector<16xf32>,
        %add3A_1036 = arith.addf %add3A_1032, %gather3A_1035 : vector<16xf32>
        %broadcast_in_dim3A_1037 = arith.constant 4 : i32
        %broadcast_in_dim3A_1038 = vector.broadcast %broadcast_in_dim3A_1037 : i32 to vector<16xi32>
        %gather3A_1039 = tpu.vector_load_idx %arg10[%iota3A, %broadcast_in_dim3A_1038] : memref<16x16xf32, #tpu.memory_space<vmem>>[vector<16xi32>, vector<16xi32>], vector<16xf32>,
        %add3A_1040 = arith.addf %add3A_1036, %gather3A_1039 : vector<16xf32>
        %broadcast_in_dim3A_1041 = arith.constant 5 : i32
        %broadcast_in_dim3A_1042 = vector.broadcast %broadcast_in_dim3A_1041 : i32 to vector<16xi32>
        %gather3A_1043 = tpu.vector_load_idx %arg10[%iota3A, %broadcast_in_dim3A_1042] : memref<16x16xf32, #tpu.memory_space<vmem>>[vector<16xi32>, vector<16xi32>], vector<16xf32>,
        %add3A_1044 = arith.addf %add3A_1040, %gather3A_1043 : vector<16xf32>
        %broadcast_in_dim3A_1045 = arith.constant 6 : i32
        %broadcast_in_dim3A_1046 = vector.broadcast %broadcast_in_dim3A_1045 : i32 to vector<16xi32>
        %gather3A_1047 = tpu.vector_load_idx %arg10[%iota3A, %broadcast_in_dim3A_1046] : memref<16x16xf32, #tpu.memory_space<vmem>>[vector<16xi32>, vector<16xi32>], vector<16xf32>,
        %add3A_1048 = arith.addf %add3A_1044, %gather3A_1047 : vector<16xf32>
        %broadcast_in_dim3A_1049 = arith.constant 7 : i32
        %broadcast_in_dim3A_1050 = vector.broadcast %broadcast_in_dim3A_1049 : i32 to vector<16xi32>
        %gather3A_1051 = tpu.vector_load_idx %arg10[%iota3A, %broadcast_in_dim3A_1050] : memref<16x16xf32, #tpu.memory_space<vmem>>[vector<16xi32>, vector<16xi32>], vector<16xf32>,
        %add3A_1052 = arith.addf %add3A_1048, %gather3A_1051 : vector<16xf32>
        %broadcast_in_dim3A_1053 = arith.constant 8 : i32
        %broadcast_in_dim3A_1054 = vector.broadcast %broadcast_in_dim3A_1053 : i32 to vector<16xi32>
        %gather3A_1055 = tpu.vector_load_idx %arg10[%iota3A, %broadcast_in_dim3A_1054] : memref<16x16xf32, #tpu.memory_space<vmem>>[vector<16xi32>, vector<16xi32>], vector<16xf32>,
        %add3A_1056 = arith.addf %add3A_1052, %gather3A_1055 : vector<16xf32>
        %broadcast_in_dim3A_1057 = arith.constant 9 : i32
        %broadcast_in_dim3A_1058 = vector.broadcast %broadcast_in_dim3A_1057 : i32 to vector<16xi32>
        %gather3A_1059 = tpu.vector_load_idx %arg10[%iota3A, %broadcast_in_dim3A_1058] : memref<16x16xf32, #tpu.memory_space<vmem>>[vector<16xi32>, vector<16xi32>], vector<16xf32>,
        %add3A_1060 = arith.addf %add3A_1056, %gather3A_1059 : vector<16xf32>
        %broadcast_in_dim3A_1061 = arith.constant 10 : i32
        %broadcast_in_dim3A_1062 = vector.broadcast %broadcast_in_dim3A_1061 : i32 to vector<16xi32>
        %gather3A_1063 = tpu.vector_load_idx %arg10[%iota3A, %broadcast_in_dim3A_1062] : memref<16x16xf32, #tpu.memory_space<vmem>>[vector<16xi32>, vector<16xi32>], vector<16xf32>,
        %add3A_1064 = arith.addf %add3A_1060, %gather3A_1063 : vector<16xf32>
        %broadcast_in_dim3A_1065 = arith.constant 11 : i32
        %broadcast_in_dim3A_1066 = vector.broadcast %broadcast_in_dim3A_1065 : i32 to vector<16xi32>
        %gather3A_1067 = tpu.vector_load_idx %arg10[%iota3A, %broadcast_in_dim3A_1066] : memref<16x16xf32, #tpu.memory_space<vmem>>[vector<16xi32>, vector<16xi32>], vector<16xf32>,
        %add3A_1068 = arith.addf %add3A_1064, %gather3A_1067 : vector<16xf32>
        %broadcast_in_dim3A_1069 = arith.constant 12 : i32
        %broadcast_in_dim3A_1070 = vector.broadcast %broadcast_in_dim3A_1069 : i32 to vector<16xi32>
        %gather3A_1071 = tpu.vector_load_idx %arg10[%iota3A, %broadcast_in_dim3A_1070] : memref<16x16xf32, #tpu.memory_space<vmem>>[vector<16xi32>, vector<16xi32>], vector<16xf32>,
        %add3A_1072 = arith.addf %add3A_1068, %gather3A_1071 : vector<16xf32>
        %broadcast_in_dim3A_1073 = arith.constant 13 : i32
        %broadcast_in_dim3A_1074 = vector.broadcast %broadcast_in_dim3A_1073 : i32 to vector<16xi32>
        %gather3A_1075 = tpu.vector_load_idx %arg10[%iota3A, %broadcast_in_dim3A_1074] : memref<16x16xf32, #tpu.memory_space<vmem>>[vector<16xi32>, vector<16xi32>], vector<16xf32>,
        %add3A_1076 = arith.addf %add3A_1072, %gather3A_1075 : vector<16xf32>
        %broadcast_in_dim3A_1077 = arith.constant 14 : i32
        %broadcast_in_dim3A_1078 = vector.broadcast %broadcast_in_dim3A_1077 : i32 to vector<16xi32>
        %gather3A_1079 = tpu.vector_load_idx %arg10[%iota3A, %broadcast_in_dim3A_1078] : memref<16x16xf32, #tpu.memory_space<vmem>>[vector<16xi32>, vector<16xi32>], vector<16xf32>,
        %add3A_1080 = arith.addf %add3A_1076, %gather3A_1079 : vector<16xf32>
        %broadcast_in_dim3A_1081 = arith.constant 15 : i32
        %broadcast_in_dim3A_1082 = vector.broadcast %broadcast_in_dim3A_1081 : i32 to vector<16xi32>
        %gather3A_1083 = tpu.vector_load_idx %arg10[%iota3A, %broadcast_in_dim3A_1082] : memref<16x16xf32, #tpu.memory_space<vmem>>[vector<16xi32>, vector<16xi32>], vector<16xf32>,
        %add3A_1084 = arith.addf %add3A_1080, %gather3A_1083 : vector<16xf32>
        %mul3A_1085 = arith.constant 128 : i32
        %mul3A_1086 = arith.muli %add3A_47, %mul3A_1085 : i32
        %mul3A_1087 = arith.constant 16 : i32
        %mul3A_1088 = arith.muli %scan3A_61, %mul3A_1087 : i32
        %add3A_1089 = arith.addi %mul3A_1086, %mul3A_1088 : i32
        %swap3A_1090 = arith.index_cast %add3A_1089 : i32 to index
        %swap3A_1091 = tpu.vector_load %arg9[%swap3A_1090] {strides = array<i32>} : memref<2048xf32, #tpu.memory_space<vmem>>, vector<16xf32>,
        tpu.vector_store %arg9[%swap3A_1090], %add3A_1084 {strides = array<i32>} : memref<2048xf32, #tpu.memory_space<vmem>>, vector<16xf32>,
        %scan3A_1092 = arith.constant 0 : i32
        scf.yield %scan3A_1092 : i32
      }
      %scan3A_54 = arith.constant 8 : i32
      %lt3A_55 = arith.constant 7 : i32
      %lt3A_56 = arith.cmpi slt, %scan3A_20, %lt3A_55 : i32
      %convert_element_type3A_57 = arith.extui %lt3A_56 : i1 to i32
      %cond3A_58 = arith.constant 0 : i32
      %cond3A_59 = arith.cmpi ne, %convert_element_type3A_57, %cond3A_58 : i32
      scf.if %cond3A_59 {
        %mul3A_61 = arith.constant 2 : i32
        %mul3A_62 = arith.muli %mul3A_61, %scan3A_20 : i32
        %add3A_63 = arith.constant 3 : i32
        %add3A_64 = arith.addi %mul3A_62, %add3A_63 : i32
        %mul3A_65 = arith.constant 128 : i32
        %mul3A_66 = arith.muli %add3A_64, %mul3A_65 : i32
        %dma_start3A_67 = tpu.memref_slice %arg5[%mul3A_66] : memref<2048xi32, #tpu.memory_space<vmem>> -> memref<128xi32, #tpu.memory_space<vmem>>
        %dma_start3A_68 = arith.constant 0 : i32
        %dma_start3A_69 = arith.constant 0 : i32
        %dma_start3A_70 = tpu.memref_slice %arg2[%dma_start3A_68, %dma_start3A_69] : memref<8192x128xf32, #tpu.memory_space<hbm>> -> memref<8192x128xf32, #tpu.memory_space<hbm>>
        tpu.enqueue_indirect_dma source(%dma_start3A_70 : memref<8192x128xf32, #tpu.memory_space<hbm>>) target(%arg8 : memref<128x128xf32, #tpu.memory_space<vmem>>) offsets(%dma_start3A_67 : memref<128xi32, #tpu.memory_space<vmem>>) semaphore(%arg12 : memref<!tpu.dma_semaphore, #tpu.memory_space<semaphore_mem>>)
      } else {
      }
      %scan3A_60 = arith.constant 0 : i32
      scf.yield %scan3A_60 : i32
    }
    %scan3A_19 = arith.constant 8 : i32
    "tpu.region"() ({
      %run_scoped3A = tpu.sem_alloc : memref<!tpu.dma_semaphore, #tpu.memory_space<semaphore_mem>>
      %dma_start3A_20 = tpu.memref_slice %arg4[%mul3A_2] : memref<65536xf32, #tpu.memory_space<hbm>> -> memref<2048xf32, #tpu.memory_space<hbm>>
      %dma_start3A_21 = tpu.memref_slice %arg4[%mul3A_2] : memref<65536xf32, #tpu.memory_space<hbm>> -> memref<2048xf32, #tpu.memory_space<hbm>>
      tpu.enqueue_dma source(%arg9 : memref<2048xf32, #tpu.memory_space<vmem>>) target(%dma_start3A_21 : memref<2048xf32, #tpu.memory_space<hbm>>) target_semaphore(%run_scoped3A : memref<!tpu.dma_semaphore, #tpu.memory_space<semaphore_mem>>)
      %dma_wait3A = tpu.memref_slice %arg4[%mul3A_2] : memref<65536xf32, #tpu.memory_space<hbm>> -> memref<2048xf32, #tpu.memory_space<hbm>>
      %dma_wait3A_22 = tpu.memref_slice %arg4[%mul3A_2] : memref<65536xf32, #tpu.memory_space<hbm>> -> memref<2048xf32, #tpu.memory_space<hbm>>
      tpu.wait_dma2 semaphore(%run_scoped3A : memref<!tpu.dma_semaphore, #tpu.memory_space<semaphore_mem>>) src(%arg9 : memref<2048xf32, #tpu.memory_space<vmem>>) dst(%dma_wait3A_22 : memref<2048xf32, #tpu.memory_space<hbm>>)
      tpu.yield
    }) : () -> ()
    return
  }
}

module attributes {stable_mosaic.version = 14 : i64} {
  func.func @_knn_body(%arg0: i32, %arg1: memref<512x8xf32, #tpu.memory_space<vmem>>, %arg2: memref<8x8192xf32, #tpu.memory_space<vmem>>, %arg3: memref<512x8xi32, #tpu.memory_space<vmem>>) attributes {dimension_semantics = [#tpu.dimension_semantics<arbitrary>], iteration_bounds = array<i64: 16>, scalar_prefetch = 0 : i64, scratch_operands = 0 : i64, tpu.core_type = #tpu.core_type<tc>, window_params = [{transform_indices = @transform_0, window_bounds = array<i64: 512, 8>}, {pipeline_mode = #tpu.pipeline_mode<synchronous>, transform_indices = @transform_1, window_bounds = array<i64: 8, 8192>}, {transform_indices = @transform_2, window_bounds = array<i64: 512, 8>}]} {
    %get3A = arith.constant 0 : index
    %get3A_0 = arith.constant 0 : index
    %get3A_1 = vector.load %arg1[%get3A, %get3A_0] : memref<512x8xf32, #tpu.memory_space<vmem>>, vector<512x8xf32>
    %get3A_2 = arith.constant 0 : index
    %get3A_3 = arith.constant 0 : index
    %get3A_4 = vector.load %arg2[%get3A_2, %get3A_3] : memref<8x8192xf32, #tpu.memory_space<vmem>>, vector<8x8192xf32>
    %dot_general3A = arith.constant dense<0.000000e+00> : vector<512x8192xf32>
    %dot_general3A_5 = tpu.matmul %get3A_1, %get3A_4, %dot_general3A {dimension_numbers = #tpu.dot_dimension_numbers<[1], [0], [0], [1], [0, 0, 1, 1], [], []>, transpose_lhs_hint = false} : vector<512x8xf32>, vector<8x8192xf32>, vector<512x8192xf32> -> vector<512x8192xf32>
    %mul3A = arith.mulf %get3A_1, %get3A_1 : vector<512x8xf32>
    %reduce_sum3A = arith.constant dense<0.000000e+00> : vector<512xf32>
    %reduce_sum3A_6 = vector.multi_reduction <add>, %mul3A, %reduce_sum3A [1] : vector<512x8xf32> to vector<512xf32>
    %broadcast_in_dim3A = vector.shape_cast %reduce_sum3A_6 : vector<512xf32> to vector<512x1xf32>
    %mul3A_7 = arith.mulf %get3A_4, %get3A_4 : vector<8x8192xf32>
    %reduce_sum3A_8 = arith.constant dense<0.000000e+00> : vector<8192xf32>
    %reduce_sum3A_9 = vector.multi_reduction <add>, %mul3A_7, %reduce_sum3A_8 [0] : vector<8x8192xf32> to vector<8192xf32>
    %broadcast_in_dim3A_10 = vector.shape_cast %reduce_sum3A_9 : vector<8192xf32> to vector<1x8192xf32>
    %add3A = vector.broadcast %broadcast_in_dim3A : vector<512x1xf32> to vector<512x8192xf32>
    %add3A_11 = vector.broadcast %broadcast_in_dim3A_10 : vector<1x8192xf32> to vector<512x8192xf32>
    %add3A_12 = arith.addf %add3A, %add3A_11 : vector<512x8192xf32>
    %mul3A_13 = arith.constant 2.000000e+00 : f32
    %mul3A_14 = vector.broadcast %mul3A_13 : f32 to vector<512x8192xf32>
    %mul3A_15 = arith.mulf %mul3A_14, %dot_general3A_5 : vector<512x8192xf32>
    %sub3A = arith.subf %add3A_12, %mul3A_15 : vector<512x8192xf32>
    %iota3A = tpu.iota {dimensions = array<i32: 1>} : vector<512x8192xi32>
    %convert_element_type3A = arith.sitofp %iota3A : vector<512x8192xi32> to vector<512x8192xf32>
    %reduce_min3A = arith.constant dense<0x7F800000> : vector<512xf32>
    %reduce_min3A_16 = vector.multi_reduction <minimumf>, %sub3A, %reduce_min3A [1] : vector<512x8192xf32> to vector<512xf32>
    %broadcast_in_dim3A_17 = vector.shape_cast %reduce_min3A_16 : vector<512xf32> to vector<512x1xf32>
    %eq3A = vector.broadcast %broadcast_in_dim3A_17 : vector<512x1xf32> to vector<512x8192xf32>
    %eq3A_18 = arith.cmpf oeq, %sub3A, %eq3A : vector<512x8192xf32>
    %jit3A = arith.constant 1.000000e+09 : f32
    %broadcast_in_dim3A_19 = vector.broadcast %jit3A : f32 to vector<512x8192xf32>
    %select_n3A = arith.select %eq3A_18, %convert_element_type3A, %broadcast_in_dim3A_19 : vector<512x8192xi1>, vector<512x8192xf32>
    %reduce_min3A_20 = arith.constant dense<0x7F800000> : vector<512xf32>
    %reduce_min3A_21 = vector.multi_reduction <minimumf>, %select_n3A, %reduce_min3A_20 [1] : vector<512x8192xf32> to vector<512xf32>
    %broadcast_in_dim3A_22 = vector.shape_cast %reduce_min3A_21 : vector<512xf32> to vector<512x1xf32>
    %convert_element_type3A_23 = arith.fptosi %broadcast_in_dim3A_22 : vector<512x1xf32> to vector<512x1xi32>
    %jit3A_24 = arith.constant 0x7F800000 : f32
    %broadcast_in_dim3A_25 = vector.broadcast %jit3A_24 : f32 to vector<512x8192xf32>
    %select_n3A_26 = arith.select %eq3A_18, %broadcast_in_dim3A_25, %sub3A : vector<512x8192xi1>, vector<512x8192xf32>
    %reduce_min3A_27 = arith.constant dense<0x7F800000> : vector<512xf32>
    %reduce_min3A_28 = vector.multi_reduction <minimumf>, %select_n3A_26, %reduce_min3A_27 [1] : vector<512x8192xf32> to vector<512xf32>
    %broadcast_in_dim3A_29 = vector.shape_cast %reduce_min3A_28 : vector<512xf32> to vector<512x1xf32>
    %eq3A_30 = vector.broadcast %broadcast_in_dim3A_29 : vector<512x1xf32> to vector<512x8192xf32>
    %eq3A_31 = arith.cmpf oeq, %select_n3A_26, %eq3A_30 : vector<512x8192xf32>
    %jit3A_32 = arith.constant 1.000000e+09 : f32
    %broadcast_in_dim3A_33 = vector.broadcast %jit3A_32 : f32 to vector<512x8192xf32>
    %select_n3A_34 = arith.select %eq3A_31, %convert_element_type3A, %broadcast_in_dim3A_33 : vector<512x8192xi1>, vector<512x8192xf32>
    %reduce_min3A_35 = arith.constant dense<0x7F800000> : vector<512xf32>
    %reduce_min3A_36 = vector.multi_reduction <minimumf>, %select_n3A_34, %reduce_min3A_35 [1] : vector<512x8192xf32> to vector<512xf32>
    %broadcast_in_dim3A_37 = vector.shape_cast %reduce_min3A_36 : vector<512xf32> to vector<512x1xf32>
    %convert_element_type3A_38 = arith.fptosi %broadcast_in_dim3A_37 : vector<512x1xf32> to vector<512x1xi32>
    %jit3A_39 = arith.constant 0x7F800000 : f32
    %broadcast_in_dim3A_40 = vector.broadcast %jit3A_39 : f32 to vector<512x8192xf32>
    %select_n3A_41 = arith.select %eq3A_31, %broadcast_in_dim3A_40, %select_n3A_26 : vector<512x8192xi1>, vector<512x8192xf32>
    %reduce_min3A_42 = arith.constant dense<0x7F800000> : vector<512xf32>
    %reduce_min3A_43 = vector.multi_reduction <minimumf>, %select_n3A_41, %reduce_min3A_42 [1] : vector<512x8192xf32> to vector<512xf32>
    %broadcast_in_dim3A_44 = vector.shape_cast %reduce_min3A_43 : vector<512xf32> to vector<512x1xf32>
    %eq3A_45 = vector.broadcast %broadcast_in_dim3A_44 : vector<512x1xf32> to vector<512x8192xf32>
    %eq3A_46 = arith.cmpf oeq, %select_n3A_41, %eq3A_45 : vector<512x8192xf32>
    %jit3A_47 = arith.constant 1.000000e+09 : f32
    %broadcast_in_dim3A_48 = vector.broadcast %jit3A_47 : f32 to vector<512x8192xf32>
    %select_n3A_49 = arith.select %eq3A_46, %convert_element_type3A, %broadcast_in_dim3A_48 : vector<512x8192xi1>, vector<512x8192xf32>
    %reduce_min3A_50 = arith.constant dense<0x7F800000> : vector<512xf32>
    %reduce_min3A_51 = vector.multi_reduction <minimumf>, %select_n3A_49, %reduce_min3A_50 [1] : vector<512x8192xf32> to vector<512xf32>
    %broadcast_in_dim3A_52 = vector.shape_cast %reduce_min3A_51 : vector<512xf32> to vector<512x1xf32>
    %convert_element_type3A_53 = arith.fptosi %broadcast_in_dim3A_52 : vector<512x1xf32> to vector<512x1xi32>
    %jit3A_54 = arith.constant 0x7F800000 : f32
    %broadcast_in_dim3A_55 = vector.broadcast %jit3A_54 : f32 to vector<512x8192xf32>
    %select_n3A_56 = arith.select %eq3A_46, %broadcast_in_dim3A_55, %select_n3A_41 : vector<512x8192xi1>, vector<512x8192xf32>
    %reduce_min3A_57 = arith.constant dense<0x7F800000> : vector<512xf32>
    %reduce_min3A_58 = vector.multi_reduction <minimumf>, %select_n3A_56, %reduce_min3A_57 [1] : vector<512x8192xf32> to vector<512xf32>
    %broadcast_in_dim3A_59 = vector.shape_cast %reduce_min3A_58 : vector<512xf32> to vector<512x1xf32>
    %eq3A_60 = vector.broadcast %broadcast_in_dim3A_59 : vector<512x1xf32> to vector<512x8192xf32>
    %eq3A_61 = arith.cmpf oeq, %select_n3A_56, %eq3A_60 : vector<512x8192xf32>
    %jit3A_62 = arith.constant 1.000000e+09 : f32
    %broadcast_in_dim3A_63 = vector.broadcast %jit3A_62 : f32 to vector<512x8192xf32>
    %select_n3A_64 = arith.select %eq3A_61, %convert_element_type3A, %broadcast_in_dim3A_63 : vector<512x8192xi1>, vector<512x8192xf32>
    %reduce_min3A_65 = arith.constant dense<0x7F800000> : vector<512xf32>
    %reduce_min3A_66 = vector.multi_reduction <minimumf>, %select_n3A_64, %reduce_min3A_65 [1] : vector<512x8192xf32> to vector<512xf32>
    %broadcast_in_dim3A_67 = vector.shape_cast %reduce_min3A_66 : vector<512xf32> to vector<512x1xf32>
    %convert_element_type3A_68 = arith.fptosi %broadcast_in_dim3A_67 : vector<512x1xf32> to vector<512x1xi32>
    %jit3A_69 = arith.constant 0x7F800000 : f32
    %broadcast_in_dim3A_70 = vector.broadcast %jit3A_69 : f32 to vector<512x8192xf32>
    %select_n3A_71 = arith.select %eq3A_61, %broadcast_in_dim3A_70, %select_n3A_56 : vector<512x8192xi1>, vector<512x8192xf32>
    %reduce_min3A_72 = arith.constant dense<0x7F800000> : vector<512xf32>
    %reduce_min3A_73 = vector.multi_reduction <minimumf>, %select_n3A_71, %reduce_min3A_72 [1] : vector<512x8192xf32> to vector<512xf32>
    %broadcast_in_dim3A_74 = vector.shape_cast %reduce_min3A_73 : vector<512xf32> to vector<512x1xf32>
    %eq3A_75 = vector.broadcast %broadcast_in_dim3A_74 : vector<512x1xf32> to vector<512x8192xf32>
    %eq3A_76 = arith.cmpf oeq, %select_n3A_71, %eq3A_75 : vector<512x8192xf32>
    %jit3A_77 = arith.constant 1.000000e+09 : f32
    %broadcast_in_dim3A_78 = vector.broadcast %jit3A_77 : f32 to vector<512x8192xf32>
    %select_n3A_79 = arith.select %eq3A_76, %convert_element_type3A, %broadcast_in_dim3A_78 : vector<512x8192xi1>, vector<512x8192xf32>
    %reduce_min3A_80 = arith.constant dense<0x7F800000> : vector<512xf32>
    %reduce_min3A_81 = vector.multi_reduction <minimumf>, %select_n3A_79, %reduce_min3A_80 [1] : vector<512x8192xf32> to vector<512xf32>
    %broadcast_in_dim3A_82 = vector.shape_cast %reduce_min3A_81 : vector<512xf32> to vector<512x1xf32>
    %convert_element_type3A_83 = arith.fptosi %broadcast_in_dim3A_82 : vector<512x1xf32> to vector<512x1xi32>
    %jit3A_84 = arith.constant 0x7F800000 : f32
    %broadcast_in_dim3A_85 = vector.broadcast %jit3A_84 : f32 to vector<512x8192xf32>
    %select_n3A_86 = arith.select %eq3A_76, %broadcast_in_dim3A_85, %select_n3A_71 : vector<512x8192xi1>, vector<512x8192xf32>
    %reduce_min3A_87 = arith.constant dense<0x7F800000> : vector<512xf32>
    %reduce_min3A_88 = vector.multi_reduction <minimumf>, %select_n3A_86, %reduce_min3A_87 [1] : vector<512x8192xf32> to vector<512xf32>
    %broadcast_in_dim3A_89 = vector.shape_cast %reduce_min3A_88 : vector<512xf32> to vector<512x1xf32>
    %eq3A_90 = vector.broadcast %broadcast_in_dim3A_89 : vector<512x1xf32> to vector<512x8192xf32>
    %eq3A_91 = arith.cmpf oeq, %select_n3A_86, %eq3A_90 : vector<512x8192xf32>
    %jit3A_92 = arith.constant 1.000000e+09 : f32
    %broadcast_in_dim3A_93 = vector.broadcast %jit3A_92 : f32 to vector<512x8192xf32>
    %select_n3A_94 = arith.select %eq3A_91, %convert_element_type3A, %broadcast_in_dim3A_93 : vector<512x8192xi1>, vector<512x8192xf32>
    %reduce_min3A_95 = arith.constant dense<0x7F800000> : vector<512xf32>
    %reduce_min3A_96 = vector.multi_reduction <minimumf>, %select_n3A_94, %reduce_min3A_95 [1] : vector<512x8192xf32> to vector<512xf32>
    %broadcast_in_dim3A_97 = vector.shape_cast %reduce_min3A_96 : vector<512xf32> to vector<512x1xf32>
    %convert_element_type3A_98 = arith.fptosi %broadcast_in_dim3A_97 : vector<512x1xf32> to vector<512x1xi32>
    %jit3A_99 = arith.constant 0x7F800000 : f32
    %broadcast_in_dim3A_100 = vector.broadcast %jit3A_99 : f32 to vector<512x8192xf32>
    %select_n3A_101 = arith.select %eq3A_91, %broadcast_in_dim3A_100, %select_n3A_86 : vector<512x8192xi1>, vector<512x8192xf32>
    %reduce_min3A_102 = arith.constant dense<0x7F800000> : vector<512xf32>
    %reduce_min3A_103 = vector.multi_reduction <minimumf>, %select_n3A_101, %reduce_min3A_102 [1] : vector<512x8192xf32> to vector<512xf32>
    %broadcast_in_dim3A_104 = vector.shape_cast %reduce_min3A_103 : vector<512xf32> to vector<512x1xf32>
    %eq3A_105 = vector.broadcast %broadcast_in_dim3A_104 : vector<512x1xf32> to vector<512x8192xf32>
    %eq3A_106 = arith.cmpf oeq, %select_n3A_101, %eq3A_105 : vector<512x8192xf32>
    %jit3A_107 = arith.constant 1.000000e+09 : f32
    %broadcast_in_dim3A_108 = vector.broadcast %jit3A_107 : f32 to vector<512x8192xf32>
    %select_n3A_109 = arith.select %eq3A_106, %convert_element_type3A, %broadcast_in_dim3A_108 : vector<512x8192xi1>, vector<512x8192xf32>
    %reduce_min3A_110 = arith.constant dense<0x7F800000> : vector<512xf32>
    %reduce_min3A_111 = vector.multi_reduction <minimumf>, %select_n3A_109, %reduce_min3A_110 [1] : vector<512x8192xf32> to vector<512xf32>
    %broadcast_in_dim3A_112 = vector.shape_cast %reduce_min3A_111 : vector<512xf32> to vector<512x1xf32>
    %convert_element_type3A_113 = arith.fptosi %broadcast_in_dim3A_112 : vector<512x1xf32> to vector<512x1xi32>
    %jit3A_114 = arith.constant 0x7F800000 : f32
    %broadcast_in_dim3A_115 = vector.broadcast %jit3A_114 : f32 to vector<512x8192xf32>
    %select_n3A_116 = arith.select %eq3A_106, %broadcast_in_dim3A_115, %select_n3A_101 : vector<512x8192xi1>, vector<512x8192xf32>
    %reduce_min3A_117 = arith.constant dense<0x7F800000> : vector<512xf32>
    %reduce_min3A_118 = vector.multi_reduction <minimumf>, %select_n3A_116, %reduce_min3A_117 [1] : vector<512x8192xf32> to vector<512xf32>
    %broadcast_in_dim3A_119 = vector.shape_cast %reduce_min3A_118 : vector<512xf32> to vector<512x1xf32>
    %eq3A_120 = vector.broadcast %broadcast_in_dim3A_119 : vector<512x1xf32> to vector<512x8192xf32>
    %eq3A_121 = arith.cmpf oeq, %select_n3A_116, %eq3A_120 : vector<512x8192xf32>
    %jit3A_122 = arith.constant 1.000000e+09 : f32
    %broadcast_in_dim3A_123 = vector.broadcast %jit3A_122 : f32 to vector<512x8192xf32>
    %select_n3A_124 = arith.select %eq3A_121, %convert_element_type3A, %broadcast_in_dim3A_123 : vector<512x8192xi1>, vector<512x8192xf32>
    %reduce_min3A_125 = arith.constant dense<0x7F800000> : vector<512xf32>
    %reduce_min3A_126 = vector.multi_reduction <minimumf>, %select_n3A_124, %reduce_min3A_125 [1] : vector<512x8192xf32> to vector<512xf32>
    %broadcast_in_dim3A_127 = vector.shape_cast %reduce_min3A_126 : vector<512xf32> to vector<512x1xf32>
    %convert_element_type3A_128 = arith.fptosi %broadcast_in_dim3A_127 : vector<512x1xf32> to vector<512x1xi32>
    %concatenate3A = tpu.concatenate %convert_element_type3A_23, %convert_element_type3A_38, %convert_element_type3A_53, %convert_element_type3A_68, %convert_element_type3A_83, %convert_element_type3A_98, %convert_element_type3A_113, %convert_element_type3A_128 in 1 : vector<512x1xi32>, vector<512x1xi32>, vector<512x1xi32>, vector<512x1xi32>, vector<512x1xi32>, vector<512x1xi32>, vector<512x1xi32>, vector<512x1xi32> -> vector<512x8xi32>
    %concatenate3A_129 = tpu.concatenate %broadcast_in_dim3A_17, %broadcast_in_dim3A_29, %broadcast_in_dim3A_44, %broadcast_in_dim3A_59, %broadcast_in_dim3A_74, %broadcast_in_dim3A_89, %broadcast_in_dim3A_104, %broadcast_in_dim3A_119 in 1 : vector<512x1xf32>, vector<512x1xf32>, vector<512x1xf32>, vector<512x1xf32>, vector<512x1xf32>, vector<512x1xf32>, vector<512x1xf32>, vector<512x1xf32> -> vector<512x8xf32>
    %gt3A = arith.constant 1.000000e+00 : f32
    %gt3A_130 = vector.broadcast %gt3A : f32 to vector<512x8xf32>
    %gt3A_131 = arith.cmpf ogt, %concatenate3A_129, %gt3A_130 : vector<512x8xf32>
    %slice3A = vector.extract_strided_slice %concatenate3A {offsets = [0, 0], sizes = [512, 1], strides = [1, 1]} : vector<512x8xi32> to vector<512x1xi32>
    %broadcast_in_dim3A_132 = vector.shape_cast %slice3A : vector<512x1xi32> to vector<512x1xi32>
    %broadcast_in_dim3A_133 = vector.broadcast %broadcast_in_dim3A_132 : vector<512x1xi32> to vector<512x8xi32>
    %select_n3A_134 = arith.select %gt3A_131, %broadcast_in_dim3A_133, %concatenate3A : vector<512x8xi1>, vector<512x8xi32>
    %swap3A = arith.constant 0 : index
    %swap3A_135 = arith.constant 0 : index
    %swap3A_136 = vector.load %arg3[%swap3A, %swap3A_135] : memref<512x8xi32, #tpu.memory_space<vmem>>, vector<512x8xi32>
    tpu.vector_store %arg3[%swap3A, %swap3A_135], %select_n3A_134 {strides = array<i32>} : memref<512x8xi32, #tpu.memory_space<vmem>>, vector<512x8xi32>,
    return
  }
  func.func @transform_0(%arg0: i32) -> (i32, i32) {
    %c0_i32 = arith.constant 0 : i32
    %c0_i32_0 = arith.constant 0 : i32
    return %arg0, %c0_i32 : i32, i32
  }
  func.func @transform_1(%arg0: i32) -> (i32, i32) {
    %c0_i32 = arith.constant 0 : i32
    %c0_i32_0 = arith.constant 0 : i32
    %c0_i32_1 = arith.constant 0 : i32
    return %c0_i32, %c0_i32_0 : i32, i32
  }
  func.func @transform_2(%arg0: i32) -> (i32, i32) {
    %c0_i32 = arith.constant 0 : i32
    %c0_i32_0 = arith.constant 0 : i32
    return %arg0, %c0_i32 : i32, i32
  }
}

module attributes {stable_mosaic.version = 14 : i64} {
  func.func @_mean_body(%arg0: memref<512x128xf32, #tpu.memory_space<vmem>>, %arg1: memref<1x1xf32, #tpu.memory_space<vmem>>) attributes {dimension_semantics = [], scalar_prefetch = 0 : i64, scratch_operands = 0 : i64, tpu.core_type = #tpu.core_type<tc>} {
    %get3A = arith.constant 0 : index
    %get3A_0 = arith.constant 0 : index
    %get3A_1 = vector.load %arg0[%get3A, %get3A_0] : memref<512x128xf32, #tpu.memory_space<vmem>>, vector<512x128xf32>
    %reduce_sum3A = vector.shape_cast %get3A_1 : vector<512x128xf32> to vector<1x512x128xf32>
    %reduce_sum3A_2 = arith.constant dense<0.000000e+00> : vector<1xf32>
    %reduce_sum3A_3 = vector.multi_reduction <add>, %reduce_sum3A, %reduce_sum3A_2 [1, 2] : vector<1x512x128xf32> to vector<1xf32>
    %reduce_sum3A_4 = vector.shape_cast %reduce_sum3A_3 : vector<1xf32> to vector<1x1x1xf32>
    %reduce_sum3A_5 = vector.extract %reduce_sum3A_4[0, 0, 0] : f32 from vector<1x1x1xf32>
    %reshape3A = vector.broadcast %reduce_sum3A_5 : f32 to vector<1x1xf32>
    %mul3A = arith.constant 1.52587891E-5 : f32
    %mul3A_6 = vector.broadcast %mul3A : f32 to vector<1x1xf32>
    %mul3A_7 = arith.mulf %reshape3A, %mul3A_6 : vector<1x1xf32>
    %swap3A = arith.constant 0 : index
    %swap3A_8 = arith.constant 0 : index
    %swap3A_9 = vector.load %arg1[%swap3A, %swap3A_8] : memref<1x1xf32, #tpu.memory_space<vmem>>, vector<1x1xf32>
    tpu.vector_store %arg1[%swap3A, %swap3A_8], %mul3A_7 {strides = array<i32>} : memref<1x1xf32, #tpu.memory_space<vmem>>, vector<1x1xf32>,
    return
  }
}

</mosaic_0001>

<sc_bundles>
// kernel: kernel.5.cloned.1.call-start
scs
__scs_entry_jumppad:
0x0: {  	(pc) =	sbr.rel $0x88, $3  }
0x1: {  	(tag) =	ssettag $0x0;
	lr =	simm.s32 $0x1  }
0x2: {  	[smem:$0x3F9F] =	sst lr;
	_ =	strace $0xD0000000  }
0x3: {  	_ = 	snop  }
0x4: {  	_ = 	snop  }
0x5: {  	_ = 	snop  }
0x6: {  	_ = 	snop  }
0x7: {  	_ = 	snop  }
__scs_overlays_trampoline_lowered:
0x8: {  	[smem:$0x3FAE] =	sst s0  }
0x9: {  	[smem:$0x3FAF] =	sst s1  }
0xa: {  	[smem:$0x3FB0] =	sst s2  }
0xb: {  	[smem:$0x3FB1] =	sst s3  }
0xc: {  	[smem:$0x3FB2] =	sst s4  }
0xd: {  	[smem:$0x3FB3] =	sst s5  }
0xe: {  	[smem:$0x3FB4] =	sst s6  }
0xf: {  	[smem:$0x3FB5] =	sst s7  }
0x10: {  	[smem:$0x3FB6] =	sst s8  }
0x11: {  	[smem:$0x3FB7] =	sst s9;
	s0 =	simm.s32 @!p0 $0x0  }
0x12: {  	s1 =	sld [smem:$0x3F9D];
	s0 =	simm.s32 @p0 $0x1  }
0x13: {  	[smem:$0x3FB8] =	sst s0;
	s0 =	simm.s32 @!p1 $0x0  }
0x14: {  	s2 =	sld [smem:$0x3F9C];
	s0 =	simm.s32 @p1 $0x1  }
0x15: {  	[smem:$0x3FB9] =	sst s0;
	s0 =	simm.s32 @!p2 $0x0  }
0x16: {  	s3 =	sld [smem:$0x3FDB];
	s0 =	simm.s32 @p2 $0x1  }
0x17: {  	s4 =	simm.s32 $0x1BF5;
	[smem:$0x3FBB] =	sst s0  }
0x18: {  	s0 =	sld [smem:$0x3F9E];
	_ =	swait.ge [sflag:s4], $0x0  }
0x19: {  	s7 =	sld [smem:$0x3F9F]  }
0x1a: {  	s8 =	sadd.s32 $0xFFFFE003, lr  }
0x1b: {  	s9 =	sadd.s32 $0xFFFFFEF7, lr;
	s5 =	simm.s32 $0xFFFFFFFF;
	p2 =	slt.u32 s8, $0xFFFFF086  }
0x1c: {  	p1 =	slt.u32 s9, $0xF7A;
	s5 =	simm.s32 @!p2 $0x0  }
0x1d: {  	s5 =	simm.s32 @p1 $0x1;
	p0 =	seq.s32 s7, s2  }
0x1e: {  	s7 =	smul.u32 @!p0 $0xF7A, s2;
	p2 =	seq.s32 @!p0 s5, $0x0  }
0x1f: {  	s9 =	smul.u32 $0xF7A, s1;
	s8 =	simm.s32 @!p0 $0x1BF5;
	p2 =	por !p2, p0  }
0x20: {  	[sflag:s8] =	ssyncset.s32 @!p0 $0xFFFFF086;
	s6 =	sadd.s32 @!p0 s3, s7;
	s7 =	simm.s32 @!p0 $0x108  }
0x21: {  	s3 =	sadd.s32 s3, s9;
	s6 =	sadd.s32 @!p0 $0x88, s6;
	s7 =	simm.s32 @p2 $0x1082  }
0x22: {  	[simem:s7], [sflag:s8] =	dma.local @!p0 [hbm:s6], $0xF7A  }
0x23: {  	s9 =	sor.u32 $0xD0000000, s2;
	s6 =	simm.s32 $0x108;
	_ =	swait.ge @!p0 [sflag:s8], $0x0  }
0x24: {  	s3 =	sadd.s32 $0x88, s3;
	s6 =	simm.s32 @!p1 $0x1082;
	[sflag:s4] =	ssyncset.s32 $0xFFFFF086  }
0x25: {  	[simem:s6], [sflag:s4] =	dma.local [hbm:s3], $0xF7A  }
0x26: {  	[smem:$0x3F9F] =	sst s1;
	(tag) =	ssettag s2;
	_ =	strace s9  }
0x27: {  	s1 =	sld [smem:$0x3FAF]  }
0x28: {  	s2 =	sld [smem:$0x3FB0]  }
0x29: {  	s4 =	sld [smem:$0x3FB2]  }
0x2a: {  	p0 =	seq.s32 s5, $0x0;
	s5 =	sld [smem:$0x3FB3]  }
0x2b: {  	s6 =	sld [smem:$0x3FB4]  }
0x2c: {  	s7 =	sld [smem:$0x3FB5]  }
0x2d: {  	s3 =	simm.s32 $0x108;
	s8 =	sld [smem:$0x3FB6]  }
0x2e: {  	s3 =	simm.s32 @!p0 $0x1082;
	s9 =	sld [smem:$0x3FB7]  }
0x2f: {  	lr =	sadd.s32 s0, s3;
	s0 =	sld [smem:$0x3FAE]  }
0x30: {  	s3 =	sld [smem:$0x3FB1]  }
0x31: {  	[smem:$0x3FBA] =	sst s10  }
0x32: {  	s10 =	sld [smem:$0x3FB8];
	_ =	sdelay $0x3  }
0x33: {  	p0 =	seq.s32 s10, $0x1;
	s10 =	sld [smem:$0x3FBA];
	_ =	sdelay $0x3  }
0x34: {  	[smem:$0x3FBA] =	sst s10  }
0x35: {  	s10 =	sld [smem:$0x3FB9];
	_ =	sdelay $0x3  }
0x36: {  	p1 =	seq.s32 s10, $0x1;
	s10 =	sld [smem:$0x3FBA];
	_ =	sdelay $0x3  }
0x37: {  	[smem:$0x3FBA] =	sst s10  }
0x38: {  	s10 =	sld [smem:$0x3FBB]  }
0x39: {  	_ = 	snop;
	(pc) =	sbr.ind lr, $3  }
0x3a: {  	_ = 	snop  }
0x3b: {  	_ = 	snop  }
0x3c: {  	p2 =	seq.s32 s10, $0x1;
	s10 =	sld [smem:$0x3FBA]  }
0x3d: {  	_ =	shalt  }
0x3e: {  	_ =	shalt  }
0x3f: {  	_ =	shalt  }
0x40: {  	_ =	shalt  }
0x41: {  	_ =	shalt  }
0x42: {  	_ =	shalt  }
0x43: {  	_ =	shalt  }
0x44: {  	_ =	shalt  }
0x45: {  	_ =	shalt  }
0x46: {  	_ =	shalt  }
0x47: {  	_ =	shalt  }
0x48: {  	_ =	shalt  }
0x49: {  	_ =	shalt  }
0x4a: {  	_ =	shalt  }
0x4b: {  	_ =	shalt  }
0x4c: {  	_ =	shalt  }
0x4d: {  	_ =	shalt  }
0x4e: {  	_ =	shalt  }
0x4f: {  	_ =	shalt  }
0x50: {  	_ =	shalt  }
0x51: {  	_ =	shalt  }
0x52: {  	_ =	shalt  }
0x53: {  	_ =	shalt  }
0x54: {  	_ =	shalt  }
0x55: {  	_ =	shalt  }
0x56: {  	_ =	shalt  }
0x57: {  	_ =	shalt  }
0x58: {  	_ =	shalt  }
0x59: {  	_ =	shalt  }
0x5a: {  	_ =	shalt  }
0x5b: {  	_ =	shalt  }
0x5c: {  	_ =	shalt  }
0x5d: {  	_ =	shalt  }
0x5e: {  	_ =	shalt  }
0x5f: {  	_ =	shalt  }
0x60: {  	_ =	shalt  }
0x61: {  	_ =	shalt  }
0x62: {  	_ =	shalt  }
0x63: {  	_ =	shalt  }
0x64: {  	_ =	shalt  }
0x65: {  	_ =	shalt  }
0x66: {  	_ =	shalt  }
0x67: {  	_ =	shalt  }
0x68: {  	_ =	shalt  }
0x69: {  	_ =	shalt  }
0x6a: {  	_ =	shalt  }
0x6b: {  	_ =	shalt  }
0x6c: {  	_ =	shalt  }
0x6d: {  	_ =	shalt  }
0x6e: {  	_ =	shalt  }
0x6f: {  	_ =	shalt  }
0x70: {  	_ =	shalt  }
0x71: {  	_ =	shalt  }
0x72: {  	_ =	shalt  }
0x73: {  	_ =	shalt  }
0x74: {  	_ =	shalt  }
0x75: {  	_ =	shalt  }
0x76: {  	_ =	shalt  }
0x77: {  	_ =	shalt  }
0x78: {  	_ =	shalt  }
0x79: {  	_ =	shalt  }
0x7a: {  	_ =	shalt  }
0x7b: {  	_ =	shalt  }
0x7c: {  	_ =	shalt  }
0x7d: {  	_ =	shalt  }
0x7e: {  	_ =	shalt  }
0x7f: {  	_ =	shalt  }
0x80: {  	_ =	shalt  }
0x81: {  	_ =	shalt  }
0x82: {  	_ =	shalt  }
0x83: {  	_ =	shalt  }
0x84: {  	_ =	shalt  }
0x85: {  	_ =	shalt  }
0x86: {  	_ =	shalt  }
0x87: {  	_ =	shalt  }
.Lfunc_end0:
.L_simem_size_0:
called_computation_lowered:
.L_overlay_start_0:
0x88: {  	s2 =	sld [smem:$0x3FD9]  }
0x89: {  	s3 =	sld [smem:$0x3FFE];
	_ =	sdelay $0x1  }
0x8a: {  	s1 =	srdreg.scid  }
0x8b: {  	s0 =	sand.u32 $0x1, s1  }
0x8c: {  	s14 =	sshll.u32 s0, $0xA;
	s2 =	sadd.s32 s3, s2  }
0x8d: {  	s2 =	sadd.s32 s2, s14  }
0x8e: {  	[smem:$0x3FC6] =	sst s2  }
0x8f: {  	_ = 	snop  }
0x90: {  	s2 =	sld [smem:$0x3FD0];
	_ =	sdelay $0x2  }
0x91: {  	s4 =	simm.s32 $0xA;
	s5 =	simm.s32 $0x10;
	s15 =	sld [smem:$0x3FC9]  }
0x92: {  	[smem:s5], [sflag:s4] =	dma.local [hbm:s2], $0x1  }
0x93: {  	_ =	swait.eq [sflag:s4], $0x1  }
0x94: {  	[sflag:s4] =	ssyncset.done $0x0  }
0x95: {  	[sflag:s4] =	ssyncadd.s32 $0xFFFFFFFF  }
0x96: {  	s16 =	sld [smem:$0x11];
	(tm) =	ssettm $0x1  }
0x97: {  	s17 =	sld [smem:$0x3FFB];
	_ =	sdelay $0x3  }
0x98: {  	_ =	strace s17  }
0x99: {  	s4 =	sld [smem:$0x3FFC];
	_ =	sdelay $0x3  }
0x9a: {  	_ =	strace s4  }
0x9b: {  	s4 =	sld [smem:$0x3FFD];
	_ =	sdelay $0x3  }
0x9c: {  	_ =	strace s4  }
0x9d: {  	_ =	strace $0x8FFFFFFF  }
0x9e: {  	s18 =	sld [smem:$0x3FDB];
	_ =	sdelay $0x1  }
0x9f: {  	s19 =	simm.s32 $_scs_section_size  }
0xa0: {  	s6 =	simm.s32 $_size__tile_overlayer_lowered;
	s7 =	simm.s32 $_tile_overlayer_lowered  }
0xa1: {  	s22 =	simm.s32 $0x1BFF;
	s21 =	sshll.u32 s7, $0x1;
	s4 =	sadd.s32 s19, s18  }
0xa2: {  	s8 =	simm.s32 $0x0;
	s20 =	sshll.u32 s6, $0x1;
	s6 =	sadd.s32 s21, s4  }
0xa3: {  	[timem:s8], [sflag:s22] =	dma.local [hbm:s6], s20  }
0xa4: {  	_ =	swait.ge [sflag:s22], s20  }
0xa5: {  	s5 =	ssub.s32 $0x0, s20;
	[sflag:s22] =	ssyncset.done $0x0  }
0xa6: {  	[sflag:s22] =	ssyncadd.s32 s5;
	_ =	sdelay $0x1  }
0xa7: {  	s23 =	simm.s32 $0x1B8B  }
0xa8: {  	_ =	swait.ge [sflag:s23], $0x1  }
0xa9: {  	[sflag:s23] =	ssyncset.done $0x0  }
0xaa: {  	s25 =	simm.s32 $0x1B8E;
	s24 =	sld [smem:$0x3FFE];
	[sflag:s23] =	ssyncadd.s32 $0xFFFFFFFF  }
0xab: {  	s26 =	simm.s32 $execute0_lowered;
	[smem:$0x3FD2] =	sst s25  }
0xac: {  	s6 =	sshll.u32 s26, $0x1;
	_ =	strace $0x80000046;
	[dreg:$0x1] =	wrdreg $0xFFFFFFFF  }
0xad: {  	s28 =	simm.s32 $_size_execute0_lowered;
	s4 =	sadd.s32 s4, s6;
	[dreg:$0x0] =	wrdreg $0x0  }
0xae: {  	s6 =	sshll.u32 s28, $0x1;
	[dreg:$0x2] =	wrdreg s4  }
0xaf: {  	[dreg:$0x3] =	wrdreg s6  }
0xb0: {  	[dreg:$0x4] =	wrdreg $0xC0  }
0xb1: {  	_ =	task [dreg:s8], $0x5FFFF  }
0xb2: {  	[dreg:$0x1] =	wrdreg $0xFFFFFFFF  }
0xb3: {  	[dreg:$0x0] =	wrdreg $0x60  }
0xb4: {  	[dreg:$0x2] =	wrdreg s15  }
0xb5: {  	[dreg:$0x3] =	wrdreg s16  }
0xb6: {  	[dreg:$0x4] =	wrdreg s24  }
0xb7: {  	[dreg:$0x5] =	wrdreg $0x9  }
0xb8: {  	_ =	task.clear_ibuf [dreg:s8], $0x6FFFF;
	_ =	strace $0x90000046  }
0xb9: {  	s29 =	simm.s32 $0x9;
	_ =	strace $0x80000048  }
0xba: {  	_ =	swait.ge [sflag:s29], $0x1  }
0xbb: {  	[sflag:s29] =	ssyncadd.s32 $0xFFFFFFFF  }
0xbc: {  	_ =	strace $0x90000048  }
0xbd: {  	_ =	sfence  }
0xbe: {  	s30 =	sld [smem:$0x0];
	_ =	sdelay $0x2  }
0xbf: {  	s31 =	sshll.u32 s1, $0xD;
	s1 =	sshrl.u32 s1, $0x2  }
0xc0: {  	s3 =	sand.u32 $0x4000, s31;
	s1 =	sadd.s32 s1, s30  }
0xc1: {  	s0 =	sor.u32 s3, s0;
	s1 =	sshll.u32 s1, $0x11  }
0xc2: {  	s0 =	sor.u32 s1, s0  }
0xc3: {  	s0 =	sadd.s32 $0x8F2B, s0  }
0xc4: {  	[sflag:s0] =	ssyncadd.remote.s32 $0x1  }
0xc5: {  	_ =	sfence.sel $0xFFFF  }
0xc6: {  	[dreg:$0x0] =	wrdreg $0xFFFFFFFF;
	(pc) =	sbr.abs _section_cstart, $3  }
0xc7: {  	[dreg:$0x1] =	wrdreg $0xFFFFFFFF  }
0xc8: {  	_ =	task.clear_ibuf [dreg:s8], $0x2FFFF;
	_ =	strace $0x9FFFFFFF  }
0xc9: {  	(tm) =	ssettm $0x7FFFFFFF  }
tec
execute0_lowered:
.L_overlay_start_1:
0x0: {  	(tag) =	ssettag $0x1  }
0x1: {  	s1 =	rddreg [dreg:$0x0]  }
0x2: {  	s4 =	rddreg [dreg:$0x1]  }
0x3: {  	s5 =	rddreg [dreg:$0x2]  }
0x4: {  	s0 =	rddreg [dreg:$0x3]  }
0x5: {  	s6 =	srdreg.scid;
	s2 =	stileid.u32  }
0x6: {  	s3 =	simm.s32 $0x0;
	s11 =	simm.s32 $0x8800;
	s12 =	simm.s32 $0xC800  }
0x7: {  	v0 =	vlaneseq.u32;
	s13 =	simm.s32 $0x1;
	s14 =	simm.s32 $0x11000;
	s15 =	simm.s32 $0x2  }
0x8: {  	s16 =	simm.s32 $0x10800;
	s6 =	sand.u32 $0x1, s6;
	s7 =	sshll.u32 s2, $0x1;
	v0 =	vmul.u32 $0x80, v0  }
0x9: {  	s17 =	simm.s32 $0x0;
	[smem:$0x7FF] =	sst s3;
	s7 =	sor.u32 s6, s7  }
.Ltmp0:
0xa: {  	_ =	strace $0x80000047;
	s6 =	ssub.s32 $0x2, s6;
	v1 =	vor.u32 $0x1, v0;
	v2 =	vor.u32 $0x2, v0;
	v3 =	vor.u32 $0x3, v0;
	(pc) =	sbr.rel .LBB2_1-.Ltmp0, $4  }
0xb: {  	s8 =	sshll.u32 s7, $0x8;
	s31 =	sshrl.u32 s6, $0x1;
	s7 =	sshll.u32 s7, $0xC;
	v4 =	vor.u32 $0x4, v0;
	v5 =	vor.u32 $0x5, v0;
	v6 =	vor.u32 $0x6, v0  }
0xc: {  	v7 =	vor.u32 $0x7, v0;
	v8 =	vor.u32 $0x8, v0;
	v9 =	vor.u32 $0x9, v0;
	s9 =	sadd.s32 s8, s5;
	s10 =	ssub.s32 s6, s31;
	s4 =	sadd.s32 s4, s8  }
0xd: {  	v10 =	vor.u32 $0xA, v0;
	v11 =	vor.u32 $0xB, v0;
	v12 =	vor.u32 $0xC, v0;
	s5 =	sadd.s32 s1, s7;
	s8 =	simm.s32 $0x3;
	s6 =	sadd.s32 $0x600, s9  }
0xe: {  	v13 =	vor.u32 $0xD, v0;
	v14 =	vor.u32 $0xE, v0;
	v15 =	vor.u32 $0xF, v0;
	s7 =	smax.u32 s10, $0x1;
	s9 =	simm.s32 $0x800;
	s10 =	simm.s32 $0x80  }
.LBB2_8:
0xf: {  	s17 =	sadd.s32 $0x1, s17  }
0x10: {  	p0 =	sne.s32 s17, s7  }
.Ltmp1:
0x11: {  	_ = 	snop;
	(pc) =	sbr.rel @!p0 .LBB2_9-.Ltmp1, $4  }
0x12: {  	[hbm4b:s6+s3] =	stream.linear.scatter [tilespmem:s16], [sflag:$0x3], $0x800, $0x38;
	[tilespmem:$0x11800] =	vst v63  }
0x13: {  	_ =	swait.ge [sflag:s8], $0x800  }
0x14: {  	[sflag:s8] =	ssyncset.done $0x0  }
0x15: {  	[sflag:s8] =	ssyncadd.s32 $0xFFFFF800  }
.LBB2_1:
0x16: {  	[tilespmem:s3], [sflag:$0x3] =	stream.linear.gather [hbm4b:s4+s3], $0x800, $0x38;
	[tilespmem:$0x11800] =	vst v63  }
0x17: {  	_ =	swait.ge [sflag:s8], $0x800  }
0x18: {  	[sflag:s8] =	ssyncset.done $0x0  }
0x19: {  	[sflag:s8] =	ssyncadd.s32 $0xFFFFF800  }
0x1a: {  	[tilespmem:s9], [sflag:$0x3] =	stream.linear.gather [hbm4b:s5+s3], $0x8000, $0x38;
	[tilespmem:$0x11800] =	vst v63  }
0x1b: {  	_ =	swait.ge [sflag:s8], $0x8000  }
0x1c: {  	[sflag:s8] =	ssyncset.done $0x0  }
0x1d: {  	s18 =	simm.s32 $0x880;
	s19 =	simm.s32 $0x10880;
	[sflag:s8] =	ssyncadd.s32 $0xFFFF8000  }
0x1e: {  	[tilespmem:s11], [sflag:$0x1] =	stream.indirect.gather [hbm4b:s1+s10], $0x80, s3, s10, $0xb8;
	[tilespmem:$0x11800] =	vst v63  }
0x1f: {  	s20 =	simm.s32 $0x10F0;
	s21 =	simm.s32 $0x10800;
	s22 =	simm.s32 $0x0  }
0x20: {  	[tilespmem:s12], [sflag:$0x2] =	stream.indirect.gather [hbm4b:s1+s10], $0x80, s10, s10, $0xb8;
	[tilespmem:$0x11800] =	vst v63  }
.LBB2_2:
0x21: {  	_ =	swait.ge [sflag:s13], $0x4000  }
0x22: {  	s23 =	sshll.u32 s22, $0xA;
	s24 =	simm.s32 $0x0;
	[sflag:s13] =	ssyncset.done $0x0  }
0x23: {  	s25 =	simm.s32 $0x8C00;
	v16 =	vmov s21;
	s26 =	smov.u32 s18;
	[sflag:s13] =	ssyncadd.s32 $0xFFFFC000  }
.LBB2_3:
0x24: {  	v29 =	vld [tilespmem:s26+$0xFFFFFF80]  }
0x25: {  	v30 =	vld [tilespmem:s26+$0xFFFFFF90]  }
0x26: {  	v17 =	vld [tilespmem:s25+$0xFFFFFC00]  }
0x27: {  	v18 =	vld [tilespmem:s25+$0xFFFFFC10]  }
0x28: {  	v32 =	vld [tilespmem:s26+$0xFFFFFFA0]  }
0x29: {  	v19 =	vld [tilespmem:s25+$0xFFFFFC20]  }
0x2a: {  	v27 =	vld [tilespmem:s26+$0xFFFFFFB0]  }
0x2b: {  	v20 =	vld [tilespmem:s25+$0xFFFFFC30]  }
0x2c: {  	v25 =	vld [tilespmem:s26+$0xFFFFFFC0];
	v17 =	vsub.f32 v29, v17;
	v18 =	vsub.f32 v30, v18  }
0x2d: {  	v21 =	vld [tilespmem:s25+$0xFFFFFC40]  }
0x2e: {  	v26 =	vld [tilespmem:s26+$0xFFFFFFD0];
	v19 =	vsub.f32 v32, v19;
	v17 =	vand.u32 $0x7FFFFFFF, v17;
	v18 =	vand.u32 $0x7FFFFFFF, v18  }
0x2f: {  	v17 =	vadd.f32 v18, v17;
	v18 =	vld [tilespmem:s25+$0xFFFFFC50]  }
0x30: {  	v28 =	vld [tilespmem:s26+$0xFFFFFFE0];
	v20 =	vsub.f32 v27, v20;
	v19 =	vand.u32 $0x7FFFFFFF, v19  }
0x31: {  	v17 =	vadd.f32 v19, v17;
	v19 =	vld [tilespmem:s25+$0xFFFFFC60]  }
0x32: {  	v31 =	vld [tilespmem:s26+$0xFFFFFFF0];
	v21 =	vsub.f32 v25, v21;
	v20 =	vand.u32 $0x7FFFFFFF, v20  }
0x33: {  	v54 =	vld [tilespmem:s25+$0xFFFFFC70];
	v17 =	vadd.f32 v20, v17  }
0x34: {  	v21 =	vand.u32 $0x7FFFFFFF, v21;
	v18 =	vsub.f32 v26, v18  }
0x35: {  	v17 =	vadd.f32 v21, v17  }
0x36: {  	v22 =	vld [tilespmem:s26+$0x0];
	v18 =	vand.u32 $0x7FFFFFFF, v18;
	v19 =	vsub.f32 v28, v19  }
0x37: {  	v24 =	vld [tilespmem:s26+$0x10];
	v17 =	vadd.f32 v18, v17  }
0x38: {  	v23 =	vld [tilespmem:s26+$0x20];
	v33 =	vsub.f32 v31, v54;
	v18 =	vand.u32 $0x7FFFFFFF, v19  }
0x39: {  	v20 =	vld [tilespmem:s26+$0x40];
	v17 =	vadd.f32 v18, v17  }
0x3a: {  	v33 =	vand.u32 $0x7FFFFFFF, v33;
	v21 =	vld [tilespmem:s26+$0x30]  }
0x3b: {  	v19 =	vld [tilespmem:s26+$0x50];
	v33 =	vadd.f32 v33, v17  }
0x3c: {  	v18 =	vld [tilespmem:s26+$0x60]  }
0x3d: {  	v17 =	vld [tilespmem:s26+$0x70];
	[tilespmem:$0x11000] =	vst v33  }
0x3e: {  	v33 =	vld [tilespmem:s25+$0xFFFFFC80]  }
0x3f: {  	v34 =	vld [tilespmem:s25+$0xFFFFFC90];
	_ =	sdelay $0x1  }
0x40: {  	v35 =	vld [tilespmem:s25+$0xFFFFFCA0];
	_ =	sdelay $0x1  }
0x41: {  	v36 =	vld [tilespmem:s25+$0xFFFFFCB0]  }
0x42: {  	v33 =	vsub.f32 v29, v33;
	v34 =	vsub.f32 v30, v34  }
0x43: {  	v37 =	vld [tilespmem:s25+$0xFFFFFCC0]  }
0x44: {  	v35 =	vsub.f32 v32, v35;
	v33 =	vand.u32 $0x7FFFFFFF, v33;
	v34 =	vand.u32 $0x7FFFFFFF, v34  }
0x45: {  	v55 =	vld [tilespmem:s25+$0xFFFFFCD0];
	v33 =	vadd.f32 v34, v33  }
0x46: {  	v36 =	vsub.f32 v27, v36;
	v35 =	vand.u32 $0x7FFFFFFF, v35  }
0x47: {  	v56 =	vld [tilespmem:s25+$0xFFFFFCE0];
	v33 =	vadd.f32 v35, v33  }
0x48: {  	v37 =	vsub.f32 v25, v37;
	v36 =	vand.u32 $0x7FFFFFFF, v36  }
0x49: {  	v57 =	vld [tilespmem:s25+$0xFFFFFCF0];
	v33 =	vadd.f32 v36, v33  }
0x4a: {  	v37 =	vand.u32 $0x7FFFFFFF, v37;
	v34 =	vsub.f32 v26, v55  }
0x4b: {  	v33 =	vadd.f32 v37, v33  }
0x4c: {  	v34 =	vand.u32 $0x7FFFFFFF, v34;
	v35 =	vsub.f32 v28, v56  }
0x4d: {  	v33 =	vadd.f32 v34, v33  }
0x4e: {  	v59 =	vsub.f32 v31, v57;
	v58 =	vand.u32 $0x7FFFFFFF, v35  }
0x4f: {  	v33 =	vadd.f32 v58, v33  }
0x50: {  	v60 =	vand.u32 $0x7FFFFFFF, v59  }
0x51: {  	v33 =	vadd.f32 v60, v33;
	_ =	sdelay $0x1  }
0x52: {  	[tilespmem:$0x11080] =	vst v33  }
0x53: {  	v33 =	vld [tilespmem:s25+$0xFFFFFD00]  }
0x54: {  	v61 =	vld [tilespmem:s25+$0xFFFFFD10];
	_ =	sdelay $0x1  }
0x55: {  	v62 =	vld [tilespmem:s25+$0xFFFFFD20];
	_ =	sdelay $0x1  }
0x56: {  	v63 =	vld [tilespmem:s25+$0xFFFFFD30]  }
0x57: {  	v33 =	vsub.f32 v29, v33;
	v34 =	vsub.f32 v30, v61  }
0x58: {  	v40 =	vld [tilespmem:s25+$0xFFFFFD40]  }
0x59: {  	v35 =	vsub.f32 v32, v62;
	v33 =	vand.u32 $0x7FFFFFFF, v33;
	v34 =	vand.u32 $0x7FFFFFFF, v34  }
0x5a: {  	v41 =	vld [tilespmem:s25+$0xFFFFFD50];
	v33 =	vadd.f32 v34, v33  }
0x5b: {  	v36 =	vsub.f32 v27, v63;
	v35 =	vand.u32 $0x7FFFFFFF, v35  }
0x5c: {  	v42 =	vld [tilespmem:s25+$0xFFFFFD60];
	v33 =	vadd.f32 v35, v33  }
0x5d: {  	v37 =	vsub.f32 v25, v40;
	v36 =	vand.u32 $0x7FFFFFFF, v36  }
0x5e: {  	v43 =	vld [tilespmem:s25+$0xFFFFFD70];
	v33 =	vadd.f32 v36, v33  }
0x5f: {  	v37 =	vand.u32 $0x7FFFFFFF, v37;
	v34 =	vsub.f32 v26, v41  }
0x60: {  	v33 =	vadd.f32 v37, v33  }
0x61: {  	v34 =	vand.u32 $0x7FFFFFFF, v34;
	v35 =	vsub.f32 v28, v42  }
0x62: {  	v33 =	vadd.f32 v34, v33  }
0x63: {  	v45 =	vsub.f32 v31, v43;
	v44 =	vand.u32 $0x7FFFFFFF, v35  }
0x64: {  	v33 =	vadd.f32 v44, v33  }
0x65: {  	v46 =	vand.u32 $0x7FFFFFFF, v45  }
0x66: {  	v33 =	vadd.f32 v46, v33;
	_ =	sdelay $0x1  }
0x67: {  	[tilespmem:$0x11100] =	vst v33  }
0x68: {  	v33 =	vld [tilespmem:s25+$0xFFFFFD80]  }
0x69: {  	v47 =	vld [tilespmem:s25+$0xFFFFFD90];
	_ =	sdelay $0x1  }
0x6a: {  	v48 =	vld [tilespmem:s25+$0xFFFFFDA0];
	_ =	sdelay $0x1  }
0x6b: {  	v49 =	vld [tilespmem:s25+$0xFFFFFDB0]  }
0x6c: {  	v33 =	vsub.f32 v29, v33;
	v34 =	vsub.f32 v30, v47  }
0x6d: {  	v50 =	vld [tilespmem:s25+$0xFFFFFDC0]  }
0x6e: {  	v35 =	vsub.f32 v32, v48;
	v33 =	vand.u32 $0x7FFFFFFF, v33;
	v34 =	vand.u32 $0x7FFFFFFF, v34  }
0x6f: {  	v51 =	vld [tilespmem:s25+$0xFFFFFDD0];
	v33 =	vadd.f32 v34, v33  }
0x70: {  	v36 =	vsub.f32 v27, v49;
	v35 =	vand.u32 $0x7FFFFFFF, v35  }
0x71: {  	v52 =	vld [tilespmem:s25+$0xFFFFFDE0];
	v33 =	vadd.f32 v35, v33  }
0x72: {  	v37 =	vsub.f32 v25, v50;
	v36 =	vand.u32 $0x7FFFFFFF, v36  }
0x73: {  	v53 =	vld [tilespmem:s25+$0xFFFFFDF0];
	v33 =	vadd.f32 v36, v33  }
0x74: {  	v37 =	vand.u32 $0x7FFFFFFF, v37;
	v34 =	vsub.f32 v26, v51  }
0x75: {  	v33 =	vadd.f32 v37, v33  }
0x76: {  	v34 =	vand.u32 $0x7FFFFFFF, v34;
	v35 =	vsub.f32 v28, v52  }
0x77: {  	v33 =	vadd.f32 v34, v33  }
0x78: {  	v55 =	vsub.f32 v31, v53;
	v54 =	vand.u32 $0x7FFFFFFF, v35  }
0x79: {  	v33 =	vadd.f32 v54, v33  }
0x7a: {  	v56 =	vand.u32 $0x7FFFFFFF, v55  }
0x7b: {  	v33 =	vadd.f32 v56, v33;
	_ =	sdelay $0x1  }
0x7c: {  	[tilespmem:$0x11180] =	vst v33  }
0x7d: {  	v33 =	vld [tilespmem:s25+$0xFFFFFE00]  }
0x7e: {  	v57 =	vld [tilespmem:s25+$0xFFFFFE10];
	_ =	sdelay $0x1  }
0x7f: {  	v58 =	vld [tilespmem:s25+$0xFFFFFE20];
	_ =	sdelay $0x1  }
0x80: {  	v59 =	vld [tilespmem:s25+$0xFFFFFE30]  }
0x81: {  	v33 =	vsub.f32 v29, v33;
	v34 =	vsub.f32 v30, v57  }
0x82: {  	v60 =	vld [tilespmem:s25+$0xFFFFFE40]  }
0x83: {  	v35 =	vsub.f32 v32, v58;
	v33 =	vand.u32 $0x7FFFFFFF, v33;
	v34 =	vand.u32 $0x7FFFFFFF, v34  }
0x84: {  	v61 =	vld [tilespmem:s25+$0xFFFFFE50];
	v33 =	vadd.f32 v34, v33  }
0x85: {  	v36 =	vsub.f32 v27, v59;
	v35 =	vand.u32 $0x7FFFFFFF, v35  }
0x86: {  	v62 =	vld [tilespmem:s25+$0xFFFFFE60];
	v33 =	vadd.f32 v35, v33  }
0x87: {  	v37 =	vsub.f32 v25, v60;
	v36 =	vand.u32 $0x7FFFFFFF, v36  }
0x88: {  	v63 =	vld [tilespmem:s25+$0xFFFFFE70];
	v33 =	vadd.f32 v36, v33  }
0x89: {  	v37 =	vand.u32 $0x7FFFFFFF, v37;
	v34 =	vsub.f32 v26, v61  }
0x8a: {  	v33 =	vadd.f32 v37, v33  }
0x8b: {  	v34 =	vand.u32 $0x7FFFFFFF, v34;
	v35 =	vsub.f32 v28, v62  }
0x8c: {  	v33 =	vadd.f32 v34, v33  }
0x8d: {  	v39 =	vsub.f32 v31, v63;
	v38 =	vand.u32 $0x7FFFFFFF, v35  }
0x8e: {  	v33 =	vadd.f32 v38, v33  }
0x8f: {  	v40 =	vand.u32 $0x7FFFFFFF, v39  }
0x90: {  	v33 =	vadd.f32 v40, v33;
	_ =	sdelay $0x1  }
0x91: {  	[tilespmem:$0x11200] =	vst v33  }
0x92: {  	v33 =	vld [tilespmem:s25+$0xFFFFFE80]  }
0x93: {  	v41 =	vld [tilespmem:s25+$0xFFFFFE90];
	_ =	sdelay $0x1  }
0x94: {  	v42 =	vld [tilespmem:s25+$0xFFFFFEA0];
	_ =	sdelay $0x1  }
0x95: {  	v43 =	vld [tilespmem:s25+$0xFFFFFEB0]  }
0x96: {  	v33 =	vsub.f32 v29, v33;
	v34 =	vsub.f32 v30, v41  }
0x97: {  	v44 =	vld [tilespmem:s25+$0xFFFFFEC0]  }
0x98: {  	v35 =	vsub.f32 v32, v42;
	v33 =	vand.u32 $0x7FFFFFFF, v33;
	v34 =	vand.u32 $0x7FFFFFFF, v34  }
0x99: {  	v45 =	vld [tilespmem:s25+$0xFFFFFED0];
	v33 =	vadd.f32 v34, v33  }
0x9a: {  	v36 =	vsub.f32 v27, v43;
	v35 =	vand.u32 $0x7FFFFFFF, v35  }
0x9b: {  	v46 =	vld [tilespmem:s25+$0xFFFFFEE0];
	v33 =	vadd.f32 v35, v33  }
0x9c: {  	v37 =	vsub.f32 v25, v44;
	v36 =	vand.u32 $0x7FFFFFFF, v36  }
0x9d: {  	v47 =	vld [tilespmem:s25+$0xFFFFFEF0];
	v33 =	vadd.f32 v36, v33  }
0x9e: {  	v37 =	vand.u32 $0x7FFFFFFF, v37;
	v34 =	vsub.f32 v26, v45  }
0x9f: {  	v33 =	vadd.f32 v37, v33  }
0xa0: {  	v34 =	vand.u32 $0x7FFFFFFF, v34;
	v35 =	vsub.f32 v28, v46  }
0xa1: {  	v33 =	vadd.f32 v34, v33  }
0xa2: {  	v49 =	vsub.f32 v31, v47;
	v48 =	vand.u32 $0x7FFFFFFF, v35  }
0xa3: {  	v33 =	vadd.f32 v48, v33  }
0xa4: {  	v50 =	vand.u32 $0x7FFFFFFF, v49  }
0xa5: {  	v33 =	vadd.f32 v50, v33;
	_ =	sdelay $0x1  }
0xa6: {  	[tilespmem:$0x11280] =	vst v33  }
0xa7: {  	v33 =	vld [tilespmem:s25+$0xFFFFFF00]  }
0xa8: {  	v51 =	vld [tilespmem:s25+$0xFFFFFF10];
	_ =	sdelay $0x1  }
0xa9: {  	v52 =	vld [tilespmem:s25+$0xFFFFFF20];
	_ =	sdelay $0x1  }
0xaa: {  	v53 =	vld [tilespmem:s25+$0xFFFFFF30]  }
0xab: {  	v33 =	vsub.f32 v29, v33;
	v34 =	vsub.f32 v30, v51  }
0xac: {  	v54 =	vld [tilespmem:s25+$0xFFFFFF40]  }
0xad: {  	v35 =	vsub.f32 v32, v52;
	v33 =	vand.u32 $0x7FFFFFFF, v33;
	v34 =	vand.u32 $0x7FFFFFFF, v34  }
0xae: {  	v55 =	vld [tilespmem:s25+$0xFFFFFF50];
	v33 =	vadd.f32 v34, v33  }
0xaf: {  	v36 =	vsub.f32 v27, v53;
	v35 =	vand.u32 $0x7FFFFFFF, v35  }
0xb0: {  	v56 =	vld [tilespmem:s25+$0xFFFFFF60];
	v33 =	vadd.f32 v35, v33  }
0xb1: {  	v37 =	vsub.f32 v25, v54;
	v36 =	vand.u32 $0x7FFFFFFF, v36  }
0xb2: {  	v57 =	vld [tilespmem:s25+$0xFFFFFF70];
	v33 =	vadd.f32 v36, v33  }
0xb3: {  	v37 =	vand.u32 $0x7FFFFFFF, v37;
	v34 =	vsub.f32 v26, v55  }
0xb4: {  	v33 =	vadd.f32 v37, v33  }
0xb5: {  	v34 =	vand.u32 $0x7FFFFFFF, v34;
	v35 =	vsub.f32 v28, v56  }
0xb6: {  	v33 =	vadd.f32 v34, v33  }
0xb7: {  	v59 =	vsub.f32 v31, v57;
	v58 =	vand.u32 $0x7FFFFFFF, v35  }
0xb8: {  	v33 =	vadd.f32 v58, v33  }
0xb9: {  	v60 =	vand.u32 $0x7FFFFFFF, v59  }
0xba: {  	v33 =	vadd.f32 v60, v33;
	_ =	sdelay $0x1  }
0xbb: {  	[tilespmem:$0x11300] =	vst v33  }
0xbc: {  	v33 =	vld [tilespmem:s25+$0xFFFFFF80]  }
0xbd: {  	v61 =	vld [tilespmem:s25+$0xFFFFFF90];
	_ =	sdelay $0x1  }
0xbe: {  	v62 =	vld [tilespmem:s25+$0xFFFFFFA0];
	_ =	sdelay $0x1  }
0xbf: {  	v63 =	vld [tilespmem:s25+$0xFFFFFFB0]  }
0xc0: {  	v29 =	vsub.f32 v29, v33;
	v30 =	vsub.f32 v30, v61  }
0xc1: {  	v40 =	vld [tilespmem:s25+$0xFFFFFFC0]  }
0xc2: {  	v32 =	vsub.f32 v32, v62;
	v29 =	vand.u32 $0x7FFFFFFF, v29;
	v30 =	vand.u32 $0x7FFFFFFF, v30  }
0xc3: {  	v41 =	vld [tilespmem:s25+$0xFFFFFFD0];
	v29 =	vadd.f32 v30, v29  }
0xc4: {  	v27 =	vsub.f32 v27, v63;
	v32 =	vand.u32 $0x7FFFFFFF, v32  }
0xc5: {  	v42 =	vld [tilespmem:s25+$0xFFFFFFE0];
	v29 =	vadd.f32 v32, v29  }
0xc6: {  	v25 =	vsub.f32 v25, v40;
	v27 =	vand.u32 $0x7FFFFFFF, v27  }
0xc7: {  	v43 =	vld [tilespmem:s25+$0xFFFFFFF0];
	v27 =	vadd.f32 v27, v29  }
0xc8: {  	v26 =	vsub.f32 v26, v41;
	v25 =	vand.u32 $0x7FFFFFFF, v25  }
0xc9: {  	v25 =	vadd.f32 v25, v27  }
0xca: {  	v44 =	vsub.f32 v28, v42;
	v26 =	vand.u32 $0x7FFFFFFF, v26  }
0xcb: {  	v25 =	vadd.f32 v26, v25  }
0xcc: {  	v46 =	vsub.f32 v31, v43;
	v45 =	vand.u32 $0x7FFFFFFF, v44  }
0xcd: {  	v25 =	vadd.f32 v45, v25  }
0xce: {  	v47 =	vand.u32 $0x7FFFFFFF, v46  }
0xcf: {  	v25 =	vadd.f32 v47, v25;
	_ =	sdelay $0x1  }
0xd0: {  	[tilespmem:$0x11380] =	vst v25  }
0xd1: {  	v25 =	vld [tilespmem:s25+$0x0]  }
0xd2: {  	v48 =	vld [tilespmem:s25+$0x10];
	_ =	sdelay $0x1  }
0xd3: {  	v49 =	vld [tilespmem:s25+$0x20];
	_ =	sdelay $0x1  }
0xd4: {  	v50 =	vld [tilespmem:s25+$0x30]  }
0xd5: {  	v25 =	vsub.f32 v22, v25;
	v26 =	vsub.f32 v24, v48  }
0xd6: {  	v51 =	vld [tilespmem:s25+$0x40]  }
0xd7: {  	v27 =	vsub.f32 v23, v49;
	v25 =	vand.u32 $0x7FFFFFFF, v25;
	v26 =	vand.u32 $0x7FFFFFFF, v26  }
0xd8: {  	v52 =	vld [tilespmem:s25+$0x50];
	v25 =	vadd.f32 v26, v25  }
0xd9: {  	v28 =	vsub.f32 v21, v50;
	v27 =	vand.u32 $0x7FFFFFFF, v27  }
0xda: {  	v53 =	vld [tilespmem:s25+$0x60];
	v25 =	vadd.f32 v27, v25  }
0xdb: {  	v29 =	vsub.f32 v20, v51;
	v28 =	vand.u32 $0x7FFFFFFF, v28  }
0xdc: {  	v54 =	vld [tilespmem:s25+$0x70];
	v25 =	vadd.f32 v28, v25  }
0xdd: {  	v29 =	vand.u32 $0x7FFFFFFF, v29;
	v26 =	vsub.f32 v19, v52  }
0xde: {  	v25 =	vadd.f32 v29, v25  }
0xdf: {  	v26 =	vand.u32 $0x7FFFFFFF, v26;
	v27 =	vsub.f32 v18, v53  }
0xe0: {  	v25 =	vadd.f32 v26, v25  }
0xe1: {  	v56 =	vsub.f32 v17, v54;
	v55 =	vand.u32 $0x7FFFFFFF, v27  }
0xe2: {  	v25 =	vadd.f32 v55, v25  }
0xe3: {  	v57 =	vand.u32 $0x7FFFFFFF, v56  }
0xe4: {  	v25 =	vadd.f32 v57, v25;
	_ =	sdelay $0x1  }
0xe5: {  	[tilespmem:$0x11400] =	vst v25  }
0xe6: {  	v25 =	vld [tilespmem:s25+$0x80]  }
0xe7: {  	v58 =	vld [tilespmem:s25+$0x90];
	_ =	sdelay $0x1  }
0xe8: {  	v59 =	vld [tilespmem:s25+$0xA0];
	_ =	sdelay $0x1  }
0xe9: {  	v60 =	vld [tilespmem:s25+$0xB0]  }
0xea: {  	v25 =	vsub.f32 v22, v25;
	v26 =	vsub.f32 v24, v58  }
0xeb: {  	v61 =	vld [tilespmem:s25+$0xC0]  }
0xec: {  	v27 =	vsub.f32 v23, v59;
	v25 =	vand.u32 $0x7FFFFFFF, v25;
	v26 =	vand.u32 $0x7FFFFFFF, v26  }
0xed: {  	v62 =	vld [tilespmem:s25+$0xD0];
	v25 =	vadd.f32 v26, v25  }
0xee: {  	v28 =	vsub.f32 v21, v60;
	v27 =	vand.u32 $0x7FFFFFFF, v27  }
0xef: {  	v63 =	vld [tilespmem:s25+$0xE0];
	v25 =	vadd.f32 v27, v25  }
0xf0: {  	v29 =	vsub.f32 v20, v61;
	v28 =	vand.u32 $0x7FFFFFFF, v28  }
0xf1: {  	v32 =	vld [tilespmem:s25+$0xF0];
	v25 =	vadd.f32 v28, v25  }
0xf2: {  	v29 =	vand.u32 $0x7FFFFFFF, v29;
	v26 =	vsub.f32 v19, v62  }
0xf3: {  	v25 =	vadd.f32 v29, v25  }
0xf4: {  	v26 =	vand.u32 $0x7FFFFFFF, v26;
	v27 =	vsub.f32 v18, v63  }
0xf5: {  	v25 =	vadd.f32 v26, v25  }
0xf6: {  	v34 =	vsub.f32 v17, v32;
	v33 =	vand.u32 $0x7FFFFFFF, v27  }
0xf7: {  	v25 =	vadd.f32 v33, v25  }
0xf8: {  	v35 =	vand.u32 $0x7FFFFFFF, v34  }
0xf9: {  	v25 =	vadd.f32 v35, v25;
	_ =	sdelay $0x1  }
0xfa: {  	[tilespmem:$0x11480] =	vst v25  }
0xfb: {  	v25 =	vld [tilespmem:s25+$0x100]  }
0xfc: {  	v36 =	vld [tilespmem:s25+$0x110];
	_ =	sdelay $0x1  }
0xfd: {  	v37 =	vld [tilespmem:s25+$0x120];
	_ =	sdelay $0x1  }
0xfe: {  	v38 =	vld [tilespmem:s25+$0x130]  }
0xff: {  	v25 =	vsub.f32 v22, v25;
	v26 =	vsub.f32 v24, v36  }
0x100: {  	v39 =	vld [tilespmem:s25+$0x140]  }
0x101: {  	v27 =	vsub.f32 v23, v37;
	v25 =	vand.u32 $0x7FFFFFFF, v25;
	v26 =	vand.u32 $0x7FFFFFFF, v26  }
0x102: {  	v40 =	vld [tilespmem:s25+$0x150];
	v25 =	vadd.f32 v26, v25  }
0x103: {  	v28 =	vsub.f32 v21, v38;
	v27 =	vand.u32 $0x7FFFFFFF, v27  }
0x104: {  	v41 =	vld [tilespmem:s25+$0x160];
	v25 =	vadd.f32 v27, v25  }
0x105: {  	v29 =	vsub.f32 v20, v39;
	v28 =	vand.u32 $0x7FFFFFFF, v28  }
0x106: {  	v42 =	vld [tilespmem:s25+$0x170];
	v25 =	vadd.f32 v28, v25  }
0x107: {  	v29 =	vand.u32 $0x7FFFFFFF, v29;
	v26 =	vsub.f32 v19, v40  }
0x108: {  	v25 =	vadd.f32 v29, v25  }
0x109: {  	v26 =	vand.u32 $0x7FFFFFFF, v26;
	v27 =	vsub.f32 v18, v41  }
0x10a: {  	v25 =	vadd.f32 v26, v25  }
0x10b: {  	v44 =	vsub.f32 v17, v42;
	v43 =	vand.u32 $0x7FFFFFFF, v27  }
0x10c: {  	v25 =	vadd.f32 v43, v25  }
0x10d: {  	v45 =	vand.u32 $0x7FFFFFFF, v44  }
0x10e: {  	v25 =	vadd.f32 v45, v25;
	_ =	sdelay $0x1  }
0x10f: {  	[tilespmem:$0x11500] =	vst v25  }
0x110: {  	v25 =	vld [tilespmem:s25+$0x180]  }
0x111: {  	v46 =	vld [tilespmem:s25+$0x190];
	_ =	sdelay $0x1  }
0x112: {  	v47 =	vld [tilespmem:s25+$0x1A0];
	_ =	sdelay $0x1  }
0x113: {  	v48 =	vld [tilespmem:s25+$0x1B0]  }
0x114: {  	v25 =	vsub.f32 v22, v25;
	v26 =	vsub.f32 v24, v46  }
0x115: {  	v49 =	vld [tilespmem:s25+$0x1C0]  }
0x116: {  	v27 =	vsub.f32 v23, v47;
	v25 =	vand.u32 $0x7FFFFFFF, v25;
	v26 =	vand.u32 $0x7FFFFFFF, v26  }
0x117: {  	v50 =	vld [tilespmem:s25+$0x1D0];
	v25 =	vadd.f32 v26, v25  }
0x118: {  	v28 =	vsub.f32 v21, v48;
	v27 =	vand.u32 $0x7FFFFFFF, v27  }
0x119: {  	v51 =	vld [tilespmem:s25+$0x1E0];
	v25 =	vadd.f32 v27, v25  }
0x11a: {  	v29 =	vsub.f32 v20, v49;
	v28 =	vand.u32 $0x7FFFFFFF, v28  }
0x11b: {  	v52 =	vld [tilespmem:s25+$0x1F0];
	v25 =	vadd.f32 v28, v25  }
0x11c: {  	v29 =	vand.u32 $0x7FFFFFFF, v29;
	v26 =	vsub.f32 v19, v50  }
0x11d: {  	v25 =	vadd.f32 v29, v25  }
0x11e: {  	v26 =	vand.u32 $0x7FFFFFFF, v26;
	v27 =	vsub.f32 v18, v51  }
0x11f: {  	v25 =	vadd.f32 v26, v25  }
0x120: {  	v54 =	vsub.f32 v17, v52;
	v53 =	vand.u32 $0x7FFFFFFF, v27  }
0x121: {  	v25 =	vadd.f32 v53, v25  }
0x122: {  	v55 =	vand.u32 $0x7FFFFFFF, v54  }
0x123: {  	v25 =	vadd.f32 v55, v25;
	_ =	sdelay $0x1  }
0x124: {  	[tilespmem:$0x11580] =	vst v25  }
0x125: {  	v25 =	vld [tilespmem:s25+$0x200]  }
0x126: {  	v56 =	vld [tilespmem:s25+$0x210];
	_ =	sdelay $0x1  }
0x127: {  	v57 =	vld [tilespmem:s25+$0x220];
	_ =	sdelay $0x1  }
0x128: {  	v58 =	vld [tilespmem:s25+$0x230]  }
0x129: {  	v25 =	vsub.f32 v22, v25;
	v26 =	vsub.f32 v24, v56  }
0x12a: {  	v59 =	vld [tilespmem:s25+$0x240]  }
0x12b: {  	v27 =	vsub.f32 v23, v57;
	v25 =	vand.u32 $0x7FFFFFFF, v25;
	v26 =	vand.u32 $0x7FFFFFFF, v26  }
0x12c: {  	v60 =	vld [tilespmem:s25+$0x250];
	v25 =	vadd.f32 v26, v25  }
0x12d: {  	v28 =	vsub.f32 v21, v58;
	v27 =	vand.u32 $0x7FFFFFFF, v27  }
0x12e: {  	v61 =	vld [tilespmem:s25+$0x260];
	v25 =	vadd.f32 v27, v25  }
0x12f: {  	v29 =	vsub.f32 v20, v59;
	v28 =	vand.u32 $0x7FFFFFFF, v28  }
0x130: {  	v62 =	vld [tilespmem:s25+$0x270];
	v25 =	vadd.f32 v28, v25  }
0x131: {  	v29 =	vand.u32 $0x7FFFFFFF, v29;
	v26 =	vsub.f32 v19, v60  }
0x132: {  	v25 =	vadd.f32 v29, v25  }
0x133: {  	v26 =	vand.u32 $0x7FFFFFFF, v26;
	v27 =	vsub.f32 v18, v61  }
0x134: {  	v25 =	vadd.f32 v26, v25  }
0x135: {  	v30 =	vsub.f32 v17, v62;
	v63 =	vand.u32 $0x7FFFFFFF, v27  }
0x136: {  	v25 =	vadd.f32 v63, v25  }
0x137: {  	v31 =	vand.u32 $0x7FFFFFFF, v30  }
0x138: {  	v25 =	vadd.f32 v31, v25;
	_ =	sdelay $0x1  }
0x139: {  	[tilespmem:$0x11600] =	vst v25  }
0x13a: {  	v25 =	vld [tilespmem:s25+$0x280]  }
0x13b: {  	v32 =	vld [tilespmem:s25+$0x290];
	_ =	sdelay $0x1  }
0x13c: {  	v33 =	vld [tilespmem:s25+$0x2A0];
	_ =	sdelay $0x1  }
0x13d: {  	v34 =	vld [tilespmem:s25+$0x2B0]  }
0x13e: {  	v25 =	vsub.f32 v22, v25;
	v26 =	vsub.f32 v24, v32  }
0x13f: {  	v35 =	vld [tilespmem:s25+$0x2C0]  }
0x140: {  	v27 =	vsub.f32 v23, v33;
	v25 =	vand.u32 $0x7FFFFFFF, v25;
	v26 =	vand.u32 $0x7FFFFFFF, v26  }
0x141: {  	v36 =	vld [tilespmem:s25+$0x2D0];
	v25 =	vadd.f32 v26, v25  }
0x142: {  	v28 =	vsub.f32 v21, v34;
	v27 =	vand.u32 $0x7FFFFFFF, v27  }
0x143: {  	v37 =	vld [tilespmem:s25+$0x2E0];
	v25 =	vadd.f32 v27, v25  }
0x144: {  	v29 =	vsub.f32 v20, v35;
	v28 =	vand.u32 $0x7FFFFFFF, v28  }
0x145: {  	v38 =	vld [tilespmem:s25+$0x2F0];
	v25 =	vadd.f32 v28, v25  }
0x146: {  	v29 =	vand.u32 $0x7FFFFFFF, v29;
	v26 =	vsub.f32 v19, v36  }
0x147: {  	v25 =	vadd.f32 v29, v25  }
0x148: {  	v26 =	vand.u32 $0x7FFFFFFF, v26;
	v27 =	vsub.f32 v18, v37  }
0x149: {  	v25 =	vadd.f32 v26, v25  }
0x14a: {  	v40 =	vsub.f32 v17, v38;
	v39 =	vand.u32 $0x7FFFFFFF, v27  }
0x14b: {  	v25 =	vadd.f32 v39, v25  }
0x14c: {  	v41 =	vand.u32 $0x7FFFFFFF, v40  }
0x14d: {  	v25 =	vadd.f32 v41, v25;
	_ =	sdelay $0x1  }
0x14e: {  	[tilespmem:$0x11680] =	vst v25  }
0x14f: {  	v25 =	vld [tilespmem:s25+$0x300]  }
0x150: {  	v42 =	vld [tilespmem:s25+$0x310];
	_ =	sdelay $0x1  }
0x151: {  	v43 =	vld [tilespmem:s25+$0x320];
	_ =	sdelay $0x1  }
0x152: {  	v44 =	vld [tilespmem:s25+$0x330]  }
0x153: {  	v25 =	vsub.f32 v22, v25;
	v26 =	vsub.f32 v24, v42  }
0x154: {  	v45 =	vld [tilespmem:s25+$0x340]  }
0x155: {  	v27 =	vsub.f32 v23, v43;
	v25 =	vand.u32 $0x7FFFFFFF, v25;
	v26 =	vand.u32 $0x7FFFFFFF, v26  }
0x156: {  	v46 =	vld [tilespmem:s25+$0x350];
	v25 =	vadd.f32 v26, v25  }
0x157: {  	v28 =	vsub.f32 v21, v44;
	v27 =	vand.u32 $0x7FFFFFFF, v27  }
0x158: {  	v47 =	vld [tilespmem:s25+$0x360];
	v25 =	vadd.f32 v27, v25  }
0x159: {  	v29 =	vsub.f32 v20, v45;
	v28 =	vand.u32 $0x7FFFFFFF, v28  }
0x15a: {  	v48 =	vld [tilespmem:s25+$0x370];
	v25 =	vadd.f32 v28, v25  }
0x15b: {  	v29 =	vand.u32 $0x7FFFFFFF, v29;
	v26 =	vsub.f32 v19, v46  }
0x15c: {  	v25 =	vadd.f32 v29, v25  }
0x15d: {  	v26 =	vand.u32 $0x7FFFFFFF, v26;
	v27 =	vsub.f32 v18, v47  }
0x15e: {  	v25 =	vadd.f32 v26, v25  }
0x15f: {  	v50 =	vsub.f32 v17, v48;
	v49 =	vand.u32 $0x7FFFFFFF, v27  }
0x160: {  	v25 =	vadd.f32 v49, v25  }
0x161: {  	v51 =	vand.u32 $0x7FFFFFFF, v50  }
0x162: {  	v25 =	vadd.f32 v51, v25;
	_ =	sdelay $0x1  }
0x163: {  	[tilespmem:$0x11700] =	vst v25  }
0x164: {  	v25 =	vld [tilespmem:s25+$0x380]  }
0x165: {  	v52 =	vld [tilespmem:s25+$0x390];
	_ =	sdelay $0x1  }
0x166: {  	v53 =	vld [tilespmem:s25+$0x3A0];
	_ =	sdelay $0x1  }
0x167: {  	v54 =	vld [tilespmem:s25+$0x3B0]  }
0x168: {  	v22 =	vsub.f32 v22, v25;
	v24 =	vsub.f32 v24, v52  }
0x169: {  	v55 =	vld [tilespmem:s25+$0x3C0]  }
0x16a: {  	v23 =	vsub.f32 v23, v53;
	v22 =	vand.u32 $0x7FFFFFFF, v22;
	v24 =	vand.u32 $0x7FFFFFFF, v24  }
0x16b: {  	v56 =	vld [tilespmem:s25+$0x3D0];
	v22 =	vadd.f32 v24, v22  }
0x16c: {  	v21 =	vsub.f32 v21, v54;
	v23 =	vand.u32 $0x7FFFFFFF, v23  }
0x16d: {  	v57 =	vld [tilespmem:s25+$0x3E0];
	v22 =	vadd.f32 v23, v22  }
0x16e: {  	v20 =	vsub.f32 v20, v55;
	v21 =	vand.u32 $0x7FFFFFFF, v21  }
0x16f: {  	v58 =	vld [tilespmem:s25+$0x3F0];
	v21 =	vadd.f32 v21, v22  }
0x170: {  	v19 =	vsub.f32 v19, v56;
	v20 =	vand.u32 $0x7FFFFFFF, v20  }
0x171: {  	v20 =	vadd.f32 v20, v21  }
0x172: {  	v18 =	vsub.f32 v18, v57;
	v19 =	vand.u32 $0x7FFFFFFF, v19  }
0x173: {  	v19 =	vadd.f32 v19, v20  }
0x174: {  	v17 =	vsub.f32 v17, v58;
	v18 =	vand.u32 $0x7FFFFFFF, v18  }
0x175: {  	v18 =	vadd.f32 v18, v19  }
0x176: {  	v17 =	vand.u32 $0x7FFFFFFF, v17  }
0x177: {  	v17 =	vadd.f32 v17, v18;
	_ =	sdelay $0x1  }
0x178: {  	[tilespmem:$0x11780] =	vst v17  }
0x179: {  	v17 =	vld.idx.msk [tilespmem:v0+s14+$0x0], $0xffff  }
0x17a: {  	v18 =	vld.idx.msk [tilespmem:v1+s14+$0x0], $0xffff;
	_ =	sdelay $0x1  }
0x17b: {  	v19 =	vld.idx.msk [tilespmem:v2+s14+$0x0], $0xffff;
	_ =	sdelay $0x1  }
0x17c: {  	v59 =	vld.idx.msk [tilespmem:v3+s14+$0x0], $0xffff  }
0x17d: {  	v17 =	vadd.f32 v18, v17  }
0x17e: {  	v18 =	vld.idx.msk [tilespmem:v4+s14+$0x0], $0xffff  }
0x17f: {  	v17 =	vadd.f32 v19, v17  }
0x180: {  	v19 =	vld.idx.msk [tilespmem:v5+s14+$0x0], $0xffff  }
0x181: {  	v17 =	vadd.f32 v59, v17  }
0x182: {  	v60 =	vld.idx.msk [tilespmem:v6+s14+$0x0], $0xffff  }
0x183: {  	v17 =	vadd.f32 v18, v17  }
0x184: {  	v18 =	vld.idx.msk [tilespmem:v7+s14+$0x0], $0xffff  }
0x185: {  	v17 =	vadd.f32 v19, v17  }
0x186: {  	v19 =	vld.idx.msk [tilespmem:v8+s14+$0x0], $0xffff  }
0x187: {  	v17 =	vadd.f32 v60, v17  }
0x188: {  	v61 =	vld.idx.msk [tilespmem:v9+s14+$0x0], $0xffff  }
0x189: {  	v17 =	vadd.f32 v18, v17  }
0x18a: {  	v18 =	vld.idx.msk [tilespmem:v10+s14+$0x0], $0xffff  }
0x18b: {  	v17 =	vadd.f32 v19, v17  }
0x18c: {  	v19 =	vld.idx.msk [tilespmem:v11+s14+$0x0], $0xffff  }
0x18d: {  	v17 =	vadd.f32 v61, v17  }
0x18e: {  	v62 =	vld.idx.msk [tilespmem:v12+s14+$0x0], $0xffff  }
0x18f: {  	v17 =	vadd.f32 v18, v17  }
0x190: {  	v18 =	vld.idx.msk [tilespmem:v13+s14+$0x0], $0xffff  }
0x191: {  	v17 =	vadd.f32 v19, v17  }
0x192: {  	v19 =	vld.idx.msk [tilespmem:v14+s14+$0x0], $0xffff  }
0x193: {  	v17 =	vadd.f32 v62, v17  }
0x194: {  	v63 =	vld.idx.msk [tilespmem:v15+s14+$0x0], $0xffff  }
0x195: {  	v17 =	vadd.f32 v18, v17  }
0x196: {  	p0 =	sne.s32 s24, $0x1C0  }
.Ltmp2:
0x197: {  	v17 =	vadd.f32 v19, v17;
	(pc) =	sbr.rel @p0 .LBB2_3-.Ltmp2, $4  }
0x198: {  	_ = 	snop  }
0x199: {  	v17 =	vadd.f32 v63, v17  }
0x19a: {  	s28 =	sshra.s32 s24, $0x2  }
0x19b: {  	s24 =	sadd.s32 $0x40, s24;
	s26 =	sadd.s32 $0x100, s26;
	s25 =	sadd.s32 $0x800, s25;
	[tilespmem:v16+s28+$0x0 ss:$0x1] =	vst.idx.msk $0xffff, v17  }
0x19c: {  	p0 =	seq.s32 s22, $0x7  }
0x19d: {  	s24 =	sshrl.u32 @!p0 s23, $0x2  }
0x19e: {  	s25 =	simm.s32 @!p0 $0x80;
	s26 =	simm.s32 @!p0 $0x8800;
	s24 =	sadd.s32 @!p0 $0x100, s24  }
0x19f: {  	[tilespmem:s26], [sflag:$0x1] =	stream.indirect.gather @!p0 [hbm4b:s1+s25], $0x80, s24, s25, $0xb8;
	[tilespmem:$0x11800] =	vst v63  }
0x1a0: {  	_ =	swait.ge [sflag:s15], $0x4000  }
0x1a1: {  	s24 =	simm.s32 $0x0;
	[sflag:s15] =	ssyncset.done $0x0  }
0x1a2: {  	v16 =	vmov s19;
	s25 =	simm.s32 $0xCC00;
	s26 =	smov.u32 s20;
	[sflag:s15] =	ssyncadd.s32 $0xFFFFC000  }
.LBB2_5:
0x1a3: {  	v29 =	vld [tilespmem:s26+$0xFFFFFF10]  }
0x1a4: {  	v30 =	vld [tilespmem:s26+$0xFFFFFF20]  }
0x1a5: {  	v17 =	vld [tilespmem:s25+$0xFFFFFC00]  }
0x1a6: {  	v18 =	vld [tilespmem:s25+$0xFFFFFC10]  }
0x1a7: {  	v32 =	vld [tilespmem:s26+$0xFFFFFF30]  }
0x1a8: {  	v19 =	vld [tilespmem:s25+$0xFFFFFC20]  }
0x1a9: {  	v27 =	vld [tilespmem:s26+$0xFFFFFF40]  }
0x1aa: {  	v20 =	vld [tilespmem:s25+$0xFFFFFC30]  }
0x1ab: {  	v25 =	vld [tilespmem:s26+$0xFFFFFF50];
	v17 =	vsub.f32 v29, v17;
	v18 =	vsub.f32 v30, v18  }
0x1ac: {  	v21 =	vld [tilespmem:s25+$0xFFFFFC40]  }
0x1ad: {  	v26 =	vld [tilespmem:s26+$0xFFFFFF60];
	v19 =	vsub.f32 v32, v19;
	v17 =	vand.u32 $0x7FFFFFFF, v17;
	v18 =	vand.u32 $0x7FFFFFFF, v18  }
0x1ae: {  	v17 =	vadd.f32 v18, v17;
	v18 =	vld [tilespmem:s25+$0xFFFFFC50]  }
0x1af: {  	v28 =	vld [tilespmem:s26+$0xFFFFFF70];
	v20 =	vsub.f32 v27, v20;
	v19 =	vand.u32 $0x7FFFFFFF, v19  }
0x1b0: {  	v17 =	vadd.f32 v19, v17;
	v19 =	vld [tilespmem:s25+$0xFFFFFC60]  }
0x1b1: {  	v31 =	vld [tilespmem:s26+$0xFFFFFF80];
	v21 =	vsub.f32 v25, v21;
	v20 =	vand.u32 $0x7FFFFFFF, v20  }
0x1b2: {  	v54 =	vld [tilespmem:s25+$0xFFFFFC70];
	v17 =	vadd.f32 v20, v17  }
0x1b3: {  	v21 =	vand.u32 $0x7FFFFFFF, v21;
	v18 =	vsub.f32 v26, v18  }
0x1b4: {  	v17 =	vadd.f32 v21, v17  }
0x1b5: {  	v22 =	vld [tilespmem:s26+$0xFFFFFF90];
	v18 =	vand.u32 $0x7FFFFFFF, v18;
	v19 =	vsub.f32 v28, v19  }
0x1b6: {  	v24 =	vld [tilespmem:s26+$0xFFFFFFA0];
	v17 =	vadd.f32 v18, v17  }
0x1b7: {  	v23 =	vld [tilespmem:s26+$0xFFFFFFB0];
	v33 =	vsub.f32 v31, v54;
	v18 =	vand.u32 $0x7FFFFFFF, v19  }
0x1b8: {  	v20 =	vld [tilespmem:s26+$0xFFFFFFD0];
	v17 =	vadd.f32 v18, v17  }
0x1b9: {  	v33 =	vand.u32 $0x7FFFFFFF, v33;
	v21 =	vld [tilespmem:s26+$0xFFFFFFC0]  }
0x1ba: {  	v19 =	vld [tilespmem:s26+$0xFFFFFFE0];
	v33 =	vadd.f32 v33, v17  }
0x1bb: {  	v18 =	vld [tilespmem:s26+$0xFFFFFFF0]  }
0x1bc: {  	v17 =	vld [tilespmem:s26+$0x0];
	[tilespmem:$0x11000] =	vst v33  }
0x1bd: {  	v33 =	vld [tilespmem:s25+$0xFFFFFC80]  }
0x1be: {  	v34 =	vld [tilespmem:s25+$0xFFFFFC90];
	_ =	sdelay $0x1  }
0x1bf: {  	v35 =	vld [tilespmem:s25+$0xFFFFFCA0];
	_ =	sdelay $0x1  }
0x1c0: {  	v36 =	vld [tilespmem:s25+$0xFFFFFCB0]  }
0x1c1: {  	v33 =	vsub.f32 v29, v33;
	v34 =	vsub.f32 v30, v34  }
0x1c2: {  	v37 =	vld [tilespmem:s25+$0xFFFFFCC0]  }
0x1c3: {  	v35 =	vsub.f32 v32, v35;
	v33 =	vand.u32 $0x7FFFFFFF, v33;
	v34 =	vand.u32 $0x7FFFFFFF, v34  }
0x1c4: {  	v55 =	vld [tilespmem:s25+$0xFFFFFCD0];
	v33 =	vadd.f32 v34, v33  }
0x1c5: {  	v36 =	vsub.f32 v27, v36;
	v35 =	vand.u32 $0x7FFFFFFF, v35  }
0x1c6: {  	v56 =	vld [tilespmem:s25+$0xFFFFFCE0];
	v33 =	vadd.f32 v35, v33  }
0x1c7: {  	v37 =	vsub.f32 v25, v37;
	v36 =	vand.u32 $0x7FFFFFFF, v36  }
0x1c8: {  	v57 =	vld [tilespmem:s25+$0xFFFFFCF0];
	v33 =	vadd.f32 v36, v33  }
0x1c9: {  	v37 =	vand.u32 $0x7FFFFFFF, v37;
	v34 =	vsub.f32 v26, v55  }
0x1ca: {  	v33 =	vadd.f32 v37, v33  }
0x1cb: {  	v34 =	vand.u32 $0x7FFFFFFF, v34;
	v35 =	vsub.f32 v28, v56  }
0x1cc: {  	v33 =	vadd.f32 v34, v33  }
0x1cd: {  	v59 =	vsub.f32 v31, v57;
	v58 =	vand.u32 $0x7FFFFFFF, v35  }
0x1ce: {  	v33 =	vadd.f32 v58, v33  }
0x1cf: {  	v60 =	vand.u32 $0x7FFFFFFF, v59  }
0x1d0: {  	v33 =	vadd.f32 v60, v33;
	_ =	sdelay $0x1  }
0x1d1: {  	[tilespmem:$0x11080] =	vst v33  }
0x1d2: {  	v33 =	vld [tilespmem:s25+$0xFFFFFD00]  }
0x1d3: {  	v61 =	vld [tilespmem:s25+$0xFFFFFD10];
	_ =	sdelay $0x1  }
0x1d4: {  	v62 =	vld [tilespmem:s25+$0xFFFFFD20];
	_ =	sdelay $0x1  }
0x1d5: {  	v63 =	vld [tilespmem:s25+$0xFFFFFD30]  }
0x1d6: {  	v33 =	vsub.f32 v29, v33;
	v34 =	vsub.f32 v30, v61  }
0x1d7: {  	v40 =	vld [tilespmem:s25+$0xFFFFFD40]  }
0x1d8: {  	v35 =	vsub.f32 v32, v62;
	v33 =	vand.u32 $0x7FFFFFFF, v33;
	v34 =	vand.u32 $0x7FFFFFFF, v34  }
0x1d9: {  	v41 =	vld [tilespmem:s25+$0xFFFFFD50];
	v33 =	vadd.f32 v34, v33  }
0x1da: {  	v36 =	vsub.f32 v27, v63;
	v35 =	vand.u32 $0x7FFFFFFF, v35  }
0x1db: {  	v42 =	vld [tilespmem:s25+$0xFFFFFD60];
	v33 =	vadd.f32 v35, v33  }
0x1dc: {  	v37 =	vsub.f32 v25, v40;
	v36 =	vand.u32 $0x7FFFFFFF, v36  }
0x1dd: {  	v43 =	vld [tilespmem:s25+$0xFFFFFD70];
	v33 =	vadd.f32 v36, v33  }
0x1de: {  	v37 =	vand.u32 $0x7FFFFFFF, v37;
	v34 =	vsub.f32 v26, v41  }
0x1df: {  	v33 =	vadd.f32 v37, v33  }
0x1e0: {  	v34 =	vand.u32 $0x7FFFFFFF, v34;
	v35 =	vsub.f32 v28, v42  }
0x1e1: {  	v33 =	vadd.f32 v34, v33  }
0x1e2: {  	v45 =	vsub.f32 v31, v43;
	v44 =	vand.u32 $0x7FFFFFFF, v35  }
0x1e3: {  	v33 =	vadd.f32 v44, v33  }
0x1e4: {  	v46 =	vand.u32 $0x7FFFFFFF, v45  }
0x1e5: {  	v33 =	vadd.f32 v46, v33;
	_ =	sdelay $0x1  }
0x1e6: {  	[tilespmem:$0x11100] =	vst v33  }
0x1e7: {  	v33 =	vld [tilespmem:s25+$0xFFFFFD80]  }
0x1e8: {  	v47 =	vld [tilespmem:s25+$0xFFFFFD90];
	_ =	sdelay $0x1  }
0x1e9: {  	v48 =	vld [tilespmem:s25+$0xFFFFFDA0];
	_ =	sdelay $0x1  }
0x1ea: {  	v49 =	vld [tilespmem:s25+$0xFFFFFDB0]  }
0x1eb: {  	v33 =	vsub.f32 v29, v33;
	v34 =	vsub.f32 v30, v47  }
0x1ec: {  	v50 =	vld [tilespmem:s25+$0xFFFFFDC0]  }
0x1ed: {  	v35 =	vsub.f32 v32, v48;
	v33 =	vand.u32 $0x7FFFFFFF, v33;
	v34 =	vand.u32 $0x7FFFFFFF, v34  }
0x1ee: {  	v51 =	vld [tilespmem:s25+$0xFFFFFDD0];
	v33 =	vadd.f32 v34, v33  }
0x1ef: {  	v36 =	vsub.f32 v27, v49;
	v35 =	vand.u32 $0x7FFFFFFF, v35  }
0x1f0: {  	v52 =	vld [tilespmem:s25+$0xFFFFFDE0];
	v33 =	vadd.f32 v35, v33  }
0x1f1: {  	v37 =	vsub.f32 v25, v50;
	v36 =	vand.u32 $0x7FFFFFFF, v36  }
0x1f2: {  	v53 =	vld [tilespmem:s25+$0xFFFFFDF0];
	v33 =	vadd.f32 v36, v33  }
0x1f3: {  	v37 =	vand.u32 $0x7FFFFFFF, v37;
	v34 =	vsub.f32 v26, v51  }
0x1f4: {  	v33 =	vadd.f32 v37, v33  }
0x1f5: {  	v34 =	vand.u32 $0x7FFFFFFF, v34;
	v35 =	vsub.f32 v28, v52  }
0x1f6: {  	v33 =	vadd.f32 v34, v33  }
0x1f7: {  	v55 =	vsub.f32 v31, v53;
	v54 =	vand.u32 $0x7FFFFFFF, v35  }
0x1f8: {  	v33 =	vadd.f32 v54, v33  }
0x1f9: {  	v56 =	vand.u32 $0x7FFFFFFF, v55  }
0x1fa: {  	v33 =	vadd.f32 v56, v33;
	_ =	sdelay $0x1  }
0x1fb: {  	[tilespmem:$0x11180] =	vst v33  }
0x1fc: {  	v33 =	vld [tilespmem:s25+$0xFFFFFE00]  }
0x1fd: {  	v57 =	vld [tilespmem:s25+$0xFFFFFE10];
	_ =	sdelay $0x1  }
0x1fe: {  	v58 =	vld [tilespmem:s25+$0xFFFFFE20];
	_ =	sdelay $0x1  }
0x1ff: {  	v59 =	vld [tilespmem:s25+$0xFFFFFE30]  }
0x200: {  	v33 =	vsub.f32 v29, v33;
	v34 =	vsub.f32 v30, v57  }
0x201: {  	v60 =	vld [tilespmem:s25+$0xFFFFFE40]  }
0x202: {  	v35 =	vsub.f32 v32, v58;
	v33 =	vand.u32 $0x7FFFFFFF, v33;
	v34 =	vand.u32 $0x7FFFFFFF, v34  }
0x203: {  	v61 =	vld [tilespmem:s25+$0xFFFFFE50];
	v33 =	vadd.f32 v34, v33  }
0x204: {  	v36 =	vsub.f32 v27, v59;
	v35 =	vand.u32 $0x7FFFFFFF, v35  }
0x205: {  	v62 =	vld [tilespmem:s25+$0xFFFFFE60];
	v33 =	vadd.f32 v35, v33  }
0x206: {  	v37 =	vsub.f32 v25, v60;
	v36 =	vand.u32 $0x7FFFFFFF, v36  }
0x207: {  	v63 =	vld [tilespmem:s25+$0xFFFFFE70];
	v33 =	vadd.f32 v36, v33  }
0x208: {  	v37 =	vand.u32 $0x7FFFFFFF, v37;
	v34 =	vsub.f32 v26, v61  }
0x209: {  	v33 =	vadd.f32 v37, v33  }
0x20a: {  	v34 =	vand.u32 $0x7FFFFFFF, v34;
	v35 =	vsub.f32 v28, v62  }
0x20b: {  	v33 =	vadd.f32 v34, v33  }
0x20c: {  	v39 =	vsub.f32 v31, v63;
	v38 =	vand.u32 $0x7FFFFFFF, v35  }
0x20d: {  	v33 =	vadd.f32 v38, v33  }
0x20e: {  	v40 =	vand.u32 $0x7FFFFFFF, v39  }
0x20f: {  	v33 =	vadd.f32 v40, v33;
	_ =	sdelay $0x1  }
0x210: {  	[tilespmem:$0x11200] =	vst v33  }
0x211: {  	v33 =	vld [tilespmem:s25+$0xFFFFFE80]  }
0x212: {  	v41 =	vld [tilespmem:s25+$0xFFFFFE90];
	_ =	sdelay $0x1  }
0x213: {  	v42 =	vld [tilespmem:s25+$0xFFFFFEA0];
	_ =	sdelay $0x1  }
0x214: {  	v43 =	vld [tilespmem:s25+$0xFFFFFEB0]  }
0x215: {  	v33 =	vsub.f32 v29, v33;
	v34 =	vsub.f32 v30, v41  }
0x216: {  	v44 =	vld [tilespmem:s25+$0xFFFFFEC0]  }
0x217: {  	v35 =	vsub.f32 v32, v42;
	v33 =	vand.u32 $0x7FFFFFFF, v33;
	v34 =	vand.u32 $0x7FFFFFFF, v34  }
0x218: {  	v45 =	vld [tilespmem:s25+$0xFFFFFED0];
	v33 =	vadd.f32 v34, v33  }
0x219: {  	v36 =	vsub.f32 v27, v43;
	v35 =	vand.u32 $0x7FFFFFFF, v35  }
0x21a: {  	v46 =	vld [tilespmem:s25+$0xFFFFFEE0];
	v33 =	vadd.f32 v35, v33  }
0x21b: {  	v37 =	vsub.f32 v25, v44;
	v36 =	vand.u32 $0x7FFFFFFF, v36  }
0x21c: {  	v47 =	vld [tilespmem:s25+$0xFFFFFEF0];
	v33 =	vadd.f32 v36, v33  }
0x21d: {  	v37 =	vand.u32 $0x7FFFFFFF, v37;
	v34 =	vsub.f32 v26, v45  }
0x21e: {  	v33 =	vadd.f32 v37, v33  }
0x21f: {  	v34 =	vand.u32 $0x7FFFFFFF, v34;
	v35 =	vsub.f32 v28, v46  }
0x220: {  	v33 =	vadd.f32 v34, v33  }
0x221: {  	v49 =	vsub.f32 v31, v47;
	v48 =	vand.u32 $0x7FFFFFFF, v35  }
0x222: {  	v33 =	vadd.f32 v48, v33  }
0x223: {  	v50 =	vand.u32 $0x7FFFFFFF, v49  }
0x224: {  	v33 =	vadd.f32 v50, v33;
	_ =	sdelay $0x1  }
0x225: {  	[tilespmem:$0x11280] =	vst v33  }
0x226: {  	v33 =	vld [tilespmem:s25+$0xFFFFFF00]  }
0x227: {  	v51 =	vld [tilespmem:s25+$0xFFFFFF10];
	_ =	sdelay $0x1  }
0x228: {  	v52 =	vld [tilespmem:s25+$0xFFFFFF20];
	_ =	sdelay $0x1  }
0x229: {  	v53 =	vld [tilespmem:s25+$0xFFFFFF30]  }
0x22a: {  	v33 =	vsub.f32 v29, v33;
	v34 =	vsub.f32 v30, v51  }
0x22b: {  	v54 =	vld [tilespmem:s25+$0xFFFFFF40]  }
0x22c: {  	v35 =	vsub.f32 v32, v52;
	v33 =	vand.u32 $0x7FFFFFFF, v33;
	v34 =	vand.u32 $0x7FFFFFFF, v34  }
0x22d: {  	v55 =	vld [tilespmem:s25+$0xFFFFFF50];
	v33 =	vadd.f32 v34, v33  }
0x22e: {  	v36 =	vsub.f32 v27, v53;
	v35 =	vand.u32 $0x7FFFFFFF, v35  }
0x22f: {  	v56 =	vld [tilespmem:s25+$0xFFFFFF60];
	v33 =	vadd.f32 v35, v33  }
0x230: {  	v37 =	vsub.f32 v25, v54;
	v36 =	vand.u32 $0x7FFFFFFF, v36  }
0x231: {  	v57 =	vld [tilespmem:s25+$0xFFFFFF70];
	v33 =	vadd.f32 v36, v33  }
0x232: {  	v37 =	vand.u32 $0x7FFFFFFF, v37;
	v34 =	vsub.f32 v26, v55  }
0x233: {  	v33 =	vadd.f32 v37, v33  }
0x234: {  	v34 =	vand.u32 $0x7FFFFFFF, v34;
	v35 =	vsub.f32 v28, v56  }
0x235: {  	v33 =	vadd.f32 v34, v33  }
0x236: {  	v59 =	vsub.f32 v31, v57;
	v58 =	vand.u32 $0x7FFFFFFF, v35  }
0x237: {  	v33 =	vadd.f32 v58, v33  }
0x238: {  	v60 =	vand.u32 $0x7FFFFFFF, v59  }
0x239: {  	v33 =	vadd.f32 v60, v33;
	_ =	sdelay $0x1  }
0x23a: {  	[tilespmem:$0x11300] =	vst v33  }
0x23b: {  	v33 =	vld [tilespmem:s25+$0xFFFFFF80]  }
0x23c: {  	v61 =	vld [tilespmem:s25+$0xFFFFFF90];
	_ =	sdelay $0x1  }
0x23d: {  	v62 =	vld [tilespmem:s25+$0xFFFFFFA0];
	_ =	sdelay $0x1  }
0x23e: {  	v63 =	vld [tilespmem:s25+$0xFFFFFFB0]  }
0x23f: {  	v29 =	vsub.f32 v29, v33;
	v30 =	vsub.f32 v30, v61  }
0x240: {  	v40 =	vld [tilespmem:s25+$0xFFFFFFC0]  }
0x241: {  	v32 =	vsub.f32 v32, v62;
	v29 =	vand.u32 $0x7FFFFFFF, v29;
	v30 =	vand.u32 $0x7FFFFFFF, v30  }
0x242: {  	v41 =	vld [tilespmem:s25+$0xFFFFFFD0];
	v29 =	vadd.f32 v30, v29  }
0x243: {  	v27 =	vsub.f32 v27, v63;
	v32 =	vand.u32 $0x7FFFFFFF, v32  }
0x244: {  	v42 =	vld [tilespmem:s25+$0xFFFFFFE0];
	v29 =	vadd.f32 v32, v29  }
0x245: {  	v25 =	vsub.f32 v25, v40;
	v27 =	vand.u32 $0x7FFFFFFF, v27  }
0x246: {  	v43 =	vld [tilespmem:s25+$0xFFFFFFF0];
	v27 =	vadd.f32 v27, v29  }
0x247: {  	v26 =	vsub.f32 v26, v41;
	v25 =	vand.u32 $0x7FFFFFFF, v25  }
0x248: {  	v25 =	vadd.f32 v25, v27  }
0x249: {  	v44 =	vsub.f32 v28, v42;
	v26 =	vand.u32 $0x7FFFFFFF, v26  }
0x24a: {  	v25 =	vadd.f32 v26, v25  }
0x24b: {  	v46 =	vsub.f32 v31, v43;
	v45 =	vand.u32 $0x7FFFFFFF, v44  }
0x24c: {  	v25 =	vadd.f32 v45, v25  }
0x24d: {  	v47 =	vand.u32 $0x7FFFFFFF, v46  }
0x24e: {  	v25 =	vadd.f32 v47, v25;
	_ =	sdelay $0x1  }
0x24f: {  	[tilespmem:$0x11380] =	vst v25  }
0x250: {  	v25 =	vld [tilespmem:s25+$0x0]  }
0x251: {  	v48 =	vld [tilespmem:s25+$0x10];
	_ =	sdelay $0x1  }
0x252: {  	v49 =	vld [tilespmem:s25+$0x20];
	_ =	sdelay $0x1  }
0x253: {  	v50 =	vld [tilespmem:s25+$0x30]  }
0x254: {  	v25 =	vsub.f32 v22, v25;
	v26 =	vsub.f32 v24, v48  }
0x255: {  	v51 =	vld [tilespmem:s25+$0x40]  }
0x256: {  	v27 =	vsub.f32 v23, v49;
	v25 =	vand.u32 $0x7FFFFFFF, v25;
	v26 =	vand.u32 $0x7FFFFFFF, v26  }
0x257: {  	v52 =	vld [tilespmem:s25+$0x50];
	v25 =	vadd.f32 v26, v25  }
0x258: {  	v28 =	vsub.f32 v21, v50;
	v27 =	vand.u32 $0x7FFFFFFF, v27  }
0x259: {  	v53 =	vld [tilespmem:s25+$0x60];
	v25 =	vadd.f32 v27, v25  }
0x25a: {  	v29 =	vsub.f32 v20, v51;
	v28 =	vand.u32 $0x7FFFFFFF, v28  }
0x25b: {  	v54 =	vld [tilespmem:s25+$0x70];
	v25 =	vadd.f32 v28, v25  }
0x25c: {  	v29 =	vand.u32 $0x7FFFFFFF, v29;
	v26 =	vsub.f32 v19, v52  }
0x25d: {  	v25 =	vadd.f32 v29, v25  }
0x25e: {  	v26 =	vand.u32 $0x7FFFFFFF, v26;
	v27 =	vsub.f32 v18, v53  }
0x25f: {  	v25 =	vadd.f32 v26, v25  }
0x260: {  	v56 =	vsub.f32 v17, v54;
	v55 =	vand.u32 $0x7FFFFFFF, v27  }
0x261: {  	v25 =	vadd.f32 v55, v25  }
0x262: {  	v57 =	vand.u32 $0x7FFFFFFF, v56  }
0x263: {  	v25 =	vadd.f32 v57, v25;
	_ =	sdelay $0x1  }
0x264: {  	[tilespmem:$0x11400] =	vst v25  }
0x265: {  	v25 =	vld [tilespmem:s25+$0x80]  }
0x266: {  	v58 =	vld [tilespmem:s25+$0x90];
	_ =	sdelay $0x1  }
0x267: {  	v59 =	vld [tilespmem:s25+$0xA0];
	_ =	sdelay $0x1  }
0x268: {  	v60 =	vld [tilespmem:s25+$0xB0]  }
0x269: {  	v25 =	vsub.f32 v22, v25;
	v26 =	vsub.f32 v24, v58  }
0x26a: {  	v61 =	vld [tilespmem:s25+$0xC0]  }
0x26b: {  	v27 =	vsub.f32 v23, v59;
	v25 =	vand.u32 $0x7FFFFFFF, v25;
	v26 =	vand.u32 $0x7FFFFFFF, v26  }
0x26c: {  	v62 =	vld [tilespmem:s25+$0xD0];
	v25 =	vadd.f32 v26, v25  }
0x26d: {  	v28 =	vsub.f32 v21, v60;
	v27 =	vand.u32 $0x7FFFFFFF, v27  }
0x26e: {  	v63 =	vld [tilespmem:s25+$0xE0];
	v25 =	vadd.f32 v27, v25  }
0x26f: {  	v29 =	vsub.f32 v20, v61;
	v28 =	vand.u32 $0x7FFFFFFF, v28  }
0x270: {  	v32 =	vld [tilespmem:s25+$0xF0];
	v25 =	vadd.f32 v28, v25  }
0x271: {  	v29 =	vand.u32 $0x7FFFFFFF, v29;
	v26 =	vsub.f32 v19, v62  }
0x272: {  	v25 =	vadd.f32 v29, v25  }
0x273: {  	v26 =	vand.u32 $0x7FFFFFFF, v26;
	v27 =	vsub.f32 v18, v63  }
0x274: {  	v25 =	vadd.f32 v26, v25  }
0x275: {  	v34 =	vsub.f32 v17, v32;
	v33 =	vand.u32 $0x7FFFFFFF, v27  }
0x276: {  	v25 =	vadd.f32 v33, v25  }
0x277: {  	v35 =	vand.u32 $0x7FFFFFFF, v34  }
0x278: {  	v25 =	vadd.f32 v35, v25;
	_ =	sdelay $0x1  }
0x279: {  	[tilespmem:$0x11480] =	vst v25  }
0x27a: {  	v25 =	vld [tilespmem:s25+$0x100]  }
0x27b: {  	v36 =	vld [tilespmem:s25+$0x110];
	_ =	sdelay $0x1  }
0x27c: {  	v37 =	vld [tilespmem:s25+$0x120];
	_ =	sdelay $0x1  }
0x27d: {  	v38 =	vld [tilespmem:s25+$0x130]  }
0x27e: {  	v25 =	vsub.f32 v22, v25;
	v26 =	vsub.f32 v24, v36  }
0x27f: {  	v39 =	vld [tilespmem:s25+$0x140]  }
0x280: {  	v27 =	vsub.f32 v23, v37;
	v25 =	vand.u32 $0x7FFFFFFF, v25;
	v26 =	vand.u32 $0x7FFFFFFF, v26  }
0x281: {  	v40 =	vld [tilespmem:s25+$0x150];
	v25 =	vadd.f32 v26, v25  }
0x282: {  	v28 =	vsub.f32 v21, v38;
	v27 =	vand.u32 $0x7FFFFFFF, v27  }
0x283: {  	v41 =	vld [tilespmem:s25+$0x160];
	v25 =	vadd.f32 v27, v25  }
0x284: {  	v29 =	vsub.f32 v20, v39;
	v28 =	vand.u32 $0x7FFFFFFF, v28  }
0x285: {  	v42 =	vld [tilespmem:s25+$0x170];
	v25 =	vadd.f32 v28, v25  }
0x286: {  	v29 =	vand.u32 $0x7FFFFFFF, v29;
	v26 =	vsub.f32 v19, v40  }
0x287: {  	v25 =	vadd.f32 v29, v25  }
0x288: {  	v26 =	vand.u32 $0x7FFFFFFF, v26;
	v27 =	vsub.f32 v18, v41  }
0x289: {  	v25 =	vadd.f32 v26, v25  }
0x28a: {  	v44 =	vsub.f32 v17, v42;
	v43 =	vand.u32 $0x7FFFFFFF, v27  }
0x28b: {  	v25 =	vadd.f32 v43, v25  }
0x28c: {  	v45 =	vand.u32 $0x7FFFFFFF, v44  }
0x28d: {  	v25 =	vadd.f32 v45, v25;
	_ =	sdelay $0x1  }
0x28e: {  	[tilespmem:$0x11500] =	vst v25  }
0x28f: {  	v25 =	vld [tilespmem:s25+$0x180]  }
0x290: {  	v46 =	vld [tilespmem:s25+$0x190];
	_ =	sdelay $0x1  }
0x291: {  	v47 =	vld [tilespmem:s25+$0x1A0];
	_ =	sdelay $0x1  }
0x292: {  	v48 =	vld [tilespmem:s25+$0x1B0]  }
0x293: {  	v25 =	vsub.f32 v22, v25;
	v26 =	vsub.f32 v24, v46  }
0x294: {  	v49 =	vld [tilespmem:s25+$0x1C0]  }
0x295: {  	v27 =	vsub.f32 v23, v47;
	v25 =	vand.u32 $0x7FFFFFFF, v25;
	v26 =	vand.u32 $0x7FFFFFFF, v26  }
0x296: {  	v50 =	vld [tilespmem:s25+$0x1D0];
	v25 =	vadd.f32 v26, v25  }
0x297: {  	v28 =	vsub.f32 v21, v48;
	v27 =	vand.u32 $0x7FFFFFFF, v27  }
0x298: {  	v51 =	vld [tilespmem:s25+$0x1E0];
	v25 =	vadd.f32 v27, v25  }
0x299: {  	v29 =	vsub.f32 v20, v49;
	v28 =	vand.u32 $0x7FFFFFFF, v28  }
0x29a: {  	v52 =	vld [tilespmem:s25+$0x1F0];
	v25 =	vadd.f32 v28, v25  }
0x29b: {  	v29 =	vand.u32 $0x7FFFFFFF, v29;
	v26 =	vsub.f32 v19, v50  }
0x29c: {  	v25 =	vadd.f32 v29, v25  }
0x29d: {  	v26 =	vand.u32 $0x7FFFFFFF, v26;
	v27 =	vsub.f32 v18, v51  }
0x29e: {  	v25 =	vadd.f32 v26, v25  }
0x29f: {  	v54 =	vsub.f32 v17, v52;
	v53 =	vand.u32 $0x7FFFFFFF, v27  }
0x2a0: {  	v25 =	vadd.f32 v53, v25  }
0x2a1: {  	v55 =	vand.u32 $0x7FFFFFFF, v54  }
0x2a2: {  	v25 =	vadd.f32 v55, v25;
	_ =	sdelay $0x1  }
0x2a3: {  	[tilespmem:$0x11580] =	vst v25  }
0x2a4: {  	v25 =	vld [tilespmem:s25+$0x200]  }
0x2a5: {  	v56 =	vld [tilespmem:s25+$0x210];
	_ =	sdelay $0x1  }
0x2a6: {  	v57 =	vld [tilespmem:s25+$0x220];
	_ =	sdelay $0x1  }
0x2a7: {  	v58 =	vld [tilespmem:s25+$0x230]  }
0x2a8: {  	v25 =	vsub.f32 v22, v25;
	v26 =	vsub.f32 v24, v56  }
0x2a9: {  	v59 =	vld [tilespmem:s25+$0x240]  }
0x2aa: {  	v27 =	vsub.f32 v23, v57;
	v25 =	vand.u32 $0x7FFFFFFF, v25;
	v26 =	vand.u32 $0x7FFFFFFF, v26  }
0x2ab: {  	v60 =	vld [tilespmem:s25+$0x250];
	v25 =	vadd.f32 v26, v25  }
0x2ac: {  	v28 =	vsub.f32 v21, v58;
	v27 =	vand.u32 $0x7FFFFFFF, v27  }
0x2ad: {  	v61 =	vld [tilespmem:s25+$0x260];
	v25 =	vadd.f32 v27, v25  }
0x2ae: {  	v29 =	vsub.f32 v20, v59;
	v28 =	vand.u32 $0x7FFFFFFF, v28  }
0x2af: {  	v62 =	vld [tilespmem:s25+$0x270];
	v25 =	vadd.f32 v28, v25  }
0x2b0: {  	v29 =	vand.u32 $0x7FFFFFFF, v29;
	v26 =	vsub.f32 v19, v60  }
0x2b1: {  	v25 =	vadd.f32 v29, v25  }
0x2b2: {  	v26 =	vand.u32 $0x7FFFFFFF, v26;
	v27 =	vsub.f32 v18, v61  }
0x2b3: {  	v25 =	vadd.f32 v26, v25  }
0x2b4: {  	v30 =	vsub.f32 v17, v62;
	v63 =	vand.u32 $0x7FFFFFFF, v27  }
0x2b5: {  	v25 =	vadd.f32 v63, v25  }
0x2b6: {  	v31 =	vand.u32 $0x7FFFFFFF, v30  }
0x2b7: {  	v25 =	vadd.f32 v31, v25;
	_ =	sdelay $0x1  }
0x2b8: {  	[tilespmem:$0x11600] =	vst v25  }
0x2b9: {  	v25 =	vld [tilespmem:s25+$0x280]  }
0x2ba: {  	v32 =	vld [tilespmem:s25+$0x290];
	_ =	sdelay $0x1  }
0x2bb: {  	v33 =	vld [tilespmem:s25+$0x2A0];
	_ =	sdelay $0x1  }
0x2bc: {  	v34 =	vld [tilespmem:s25+$0x2B0]  }
0x2bd: {  	v25 =	vsub.f32 v22, v25;
	v26 =	vsub.f32 v24, v32  }
0x2be: {  	v35 =	vld [tilespmem:s25+$0x2C0]  }
0x2bf: {  	v27 =	vsub.f32 v23, v33;
	v25 =	vand.u32 $0x7FFFFFFF, v25;
	v26 =	vand.u32 $0x7FFFFFFF, v26  }
0x2c0: {  	v36 =	vld [tilespmem:s25+$0x2D0];
	v25 =	vadd.f32 v26, v25  }
0x2c1: {  	v28 =	vsub.f32 v21, v34;
	v27 =	vand.u32 $0x7FFFFFFF, v27  }
0x2c2: {  	v37 =	vld [tilespmem:s25+$0x2E0];
	v25 =	vadd.f32 v27, v25  }
0x2c3: {  	v29 =	vsub.f32 v20, v35;
	v28 =	vand.u32 $0x7FFFFFFF, v28  }
0x2c4: {  	v38 =	vld [tilespmem:s25+$0x2F0];
	v25 =	vadd.f32 v28, v25  }
0x2c5: {  	v29 =	vand.u32 $0x7FFFFFFF, v29;
	v26 =	vsub.f32 v19, v36  }
0x2c6: {  	v25 =	vadd.f32 v29, v25  }
0x2c7: {  	v26 =	vand.u32 $0x7FFFFFFF, v26;
	v27 =	vsub.f32 v18, v37  }
0x2c8: {  	v25 =	vadd.f32 v26, v25  }
0x2c9: {  	v40 =	vsub.f32 v17, v38;
	v39 =	vand.u32 $0x7FFFFFFF, v27  }
0x2ca: {  	v25 =	vadd.f32 v39, v25  }
0x2cb: {  	v41 =	vand.u32 $0x7FFFFFFF, v40  }
0x2cc: {  	v25 =	vadd.f32 v41, v25;
	_ =	sdelay $0x1  }
0x2cd: {  	[tilespmem:$0x11680] =	vst v25  }
0x2ce: {  	v25 =	vld [tilespmem:s25+$0x300]  }
0x2cf: {  	v42 =	vld [tilespmem:s25+$0x310];
	_ =	sdelay $0x1  }
0x2d0: {  	v43 =	vld [tilespmem:s25+$0x320];
	_ =	sdelay $0x1  }
0x2d1: {  	v44 =	vld [tilespmem:s25+$0x330]  }
0x2d2: {  	v25 =	vsub.f32 v22, v25;
	v26 =	vsub.f32 v24, v42  }
0x2d3: {  	v45 =	vld [tilespmem:s25+$0x340]  }
0x2d4: {  	v27 =	vsub.f32 v23, v43;
	v25 =	vand.u32 $0x7FFFFFFF, v25;
	v26 =	vand.u32 $0x7FFFFFFF, v26  }
0x2d5: {  	v46 =	vld [tilespmem:s25+$0x350];
	v25 =	vadd.f32 v26, v25  }
0x2d6: {  	v28 =	vsub.f32 v21, v44;
	v27 =	vand.u32 $0x7FFFFFFF, v27  }
0x2d7: {  	v47 =	vld [tilespmem:s25+$0x360];
	v25 =	vadd.f32 v27, v25  }
0x2d8: {  	v29 =	vsub.f32 v20, v45;
	v28 =	vand.u32 $0x7FFFFFFF, v28  }
0x2d9: {  	v48 =	vld [tilespmem:s25+$0x370];
	v25 =	vadd.f32 v28, v25  }
0x2da: {  	v29 =	vand.u32 $0x7FFFFFFF, v29;
	v26 =	vsub.f32 v19, v46  }
0x2db: {  	v25 =	vadd.f32 v29, v25  }
0x2dc: {  	v26 =	vand.u32 $0x7FFFFFFF, v26;
	v27 =	vsub.f32 v18, v47  }
0x2dd: {  	v25 =	vadd.f32 v26, v25  }
0x2de: {  	v50 =	vsub.f32 v17, v48;
	v49 =	vand.u32 $0x7FFFFFFF, v27  }
0x2df: {  	v25 =	vadd.f32 v49, v25  }
0x2e0: {  	v51 =	vand.u32 $0x7FFFFFFF, v50  }
0x2e1: {  	v25 =	vadd.f32 v51, v25;
	_ =	sdelay $0x1  }
0x2e2: {  	[tilespmem:$0x11700] =	vst v25  }
0x2e3: {  	v25 =	vld [tilespmem:s25+$0x380]  }
0x2e4: {  	v52 =	vld [tilespmem:s25+$0x390];
	_ =	sdelay $0x1  }
0x2e5: {  	v53 =	vld [tilespmem:s25+$0x3A0];
	_ =	sdelay $0x1  }
0x2e6: {  	v54 =	vld [tilespmem:s25+$0x3B0]  }
0x2e7: {  	v22 =	vsub.f32 v22, v25;
	v24 =	vsub.f32 v24, v52  }
0x2e8: {  	v55 =	vld [tilespmem:s25+$0x3C0]  }
0x2e9: {  	v23 =	vsub.f32 v23, v53;
	v22 =	vand.u32 $0x7FFFFFFF, v22;
	v24 =	vand.u32 $0x7FFFFFFF, v24  }
0x2ea: {  	v56 =	vld [tilespmem:s25+$0x3D0];
	v22 =	vadd.f32 v24, v22  }
0x2eb: {  	v21 =	vsub.f32 v21, v54;
	v23 =	vand.u32 $0x7FFFFFFF, v23  }
0x2ec: {  	v57 =	vld [tilespmem:s25+$0x3E0];
	v22 =	vadd.f32 v23, v22  }
0x2ed: {  	v20 =	vsub.f32 v20, v55;
	v21 =	vand.u32 $0x7FFFFFFF, v21  }
0x2ee: {  	v58 =	vld [tilespmem:s25+$0x3F0];
	v21 =	vadd.f32 v21, v22  }
0x2ef: {  	v19 =	vsub.f32 v19, v56;
	v20 =	vand.u32 $0x7FFFFFFF, v20  }
0x2f0: {  	v20 =	vadd.f32 v20, v21  }
0x2f1: {  	v18 =	vsub.f32 v18, v57;
	v19 =	vand.u32 $0x7FFFFFFF, v19  }
0x2f2: {  	v19 =	vadd.f32 v19, v20  }
0x2f3: {  	v17 =	vsub.f32 v17, v58;
	v18 =	vand.u32 $0x7FFFFFFF, v18  }
0x2f4: {  	v18 =	vadd.f32 v18, v19  }
0x2f5: {  	v17 =	vand.u32 $0x7FFFFFFF, v17  }
0x2f6: {  	v17 =	vadd.f32 v17, v18;
	_ =	sdelay $0x1  }
0x2f7: {  	[tilespmem:$0x11780] =	vst v17  }
0x2f8: {  	v17 =	vld.idx.msk [tilespmem:v0+s14+$0x0], $0xffff  }
0x2f9: {  	v18 =	vld.idx.msk [tilespmem:v1+s14+$0x0], $0xffff;
	_ =	sdelay $0x1  }
0x2fa: {  	v19 =	vld.idx.msk [tilespmem:v2+s14+$0x0], $0xffff;
	_ =	sdelay $0x1  }
0x2fb: {  	v59 =	vld.idx.msk [tilespmem:v3+s14+$0x0], $0xffff  }
0x2fc: {  	v17 =	vadd.f32 v18, v17  }
0x2fd: {  	v18 =	vld.idx.msk [tilespmem:v4+s14+$0x0], $0xffff  }
0x2fe: {  	v17 =	vadd.f32 v19, v17  }
0x2ff: {  	v19 =	vld.idx.msk [tilespmem:v5+s14+$0x0], $0xffff  }
0x300: {  	v17 =	vadd.f32 v59, v17  }
0x301: {  	v60 =	vld.idx.msk [tilespmem:v6+s14+$0x0], $0xffff  }
0x302: {  	v17 =	vadd.f32 v18, v17  }
0x303: {  	v18 =	vld.idx.msk [tilespmem:v7+s14+$0x0], $0xffff  }
0x304: {  	v17 =	vadd.f32 v19, v17  }
0x305: {  	v19 =	vld.idx.msk [tilespmem:v8+s14+$0x0], $0xffff  }
0x306: {  	v17 =	vadd.f32 v60, v17  }
0x307: {  	v61 =	vld.idx.msk [tilespmem:v9+s14+$0x0], $0xffff  }
0x308: {  	v17 =	vadd.f32 v18, v17  }
0x309: {  	v18 =	vld.idx.msk [tilespmem:v10+s14+$0x0], $0xffff  }
0x30a: {  	v17 =	vadd.f32 v19, v17  }
0x30b: {  	v19 =	vld.idx.msk [tilespmem:v11+s14+$0x0], $0xffff  }
0x30c: {  	v17 =	vadd.f32 v61, v17  }
0x30d: {  	v62 =	vld.idx.msk [tilespmem:v12+s14+$0x0], $0xffff  }
0x30e: {  	v17 =	vadd.f32 v18, v17  }
0x30f: {  	v18 =	vld.idx.msk [tilespmem:v13+s14+$0x0], $0xffff  }
0x310: {  	v17 =	vadd.f32 v19, v17  }
0x311: {  	v19 =	vld.idx.msk [tilespmem:v14+s14+$0x0], $0xffff  }
0x312: {  	v17 =	vadd.f32 v62, v17  }
0x313: {  	v63 =	vld.idx.msk [tilespmem:v15+s14+$0x0], $0xffff  }
0x314: {  	v17 =	vadd.f32 v18, v17  }
0x315: {  	p1 =	sne.s32 s24, $0x1C0  }
.Ltmp3:
0x316: {  	v17 =	vadd.f32 v19, v17;
	(pc) =	sbr.rel @p1 .LBB2_5-.Ltmp3, $4  }
0x317: {  	_ = 	snop  }
0x318: {  	v17 =	vadd.f32 v63, v17  }
0x319: {  	s28 =	sshra.s32 s24, $0x2  }
0x31a: {  	s24 =	sadd.s32 $0x40, s24;
	s26 =	sadd.s32 $0x100, s26;
	s25 =	sadd.s32 $0x800, s25;
	[tilespmem:v16+s28+$0x0 ss:$0x1] =	vst.idx.msk $0xffff, v17  }
.Ltmp4:
0x31b: {  	(pc) =	sbr.rel @p0 .LBB2_8-.Ltmp4, $1  }
0x31c: {  	_ =	sdelay $0x3  }
.Ltmp5:
0x31d: {  	(pc) =	sbr.rel .LBB2_2-.Ltmp5, $4  }
0x31e: {  	s23 =	sshrl.u32 s23, $0x2  }
0x31f: {  	s22 =	sadd.s32 $0x1, s22;
	s21 =	sadd.s32 $0x100, s21;
	s18 =	sadd.s32 $0x1000, s18  }
0x320: {  	s19 =	sadd.s32 $0x100, s19;
	s20 =	sadd.s32 $0x1000, s20;
	s23 =	sadd.s32 $0x180, s23  }
0x321: {  	[tilespmem:s12], [sflag:$0x2] =	stream.indirect.gather [hbm4b:s1+s10], $0x80, s23, s10, $0xb8;
	[tilespmem:$0x11800] =	vst v63  }
.LBB2_9:
0x322: {  	_ =	sfence.sel $0x180000  }
0x323: {  	[bflag:$0x0] =	sbarrier.arrive $0xFFFF  }
0x324: {  	p0 =	sne.s32 s2, $0x0;
	_ =	strace $0x90000047  }
0x325: {  	s0 =	sadd.s32 @!p0 $0x100000, s0;
	[bflag:$0x2] =	sbarrier.arrive $0xFFFF  }
0x326: {  	[sflag:s0] =	ssyncadd.tile.s32 @!p0 $0x1;
	_ =	shalt  }
.Lfunc_end2:
_tile_overlayer_lowered:
.L_overlay_start_2:
0x327: {  	(tag) =	ssettag $0x2  }
0x328: {  	s0 =	rddreg [dreg:$0x0];
	s2 =	stileid.u32  }
0x329: {  	s1 =	rddreg [dreg:$0x1];
	p0 =	sne.s32 s2, $0x0  }
0x32a: {  	s3 =	rddreg [dreg:$0x2];
	[bflag:$0x3] =	sbarrier.arrive $0xFFFF;
	s2 =	simm.s32 @!p0 $0x1C03  }
0x32b: {  	[timem:s3], [sflag:s2] =	dma.local @!p0 [hbm:s0], s1  }
0x32c: {  	s0 =	simm.s32 @!p0 $0x3  }
0x32d: {  	_ =	swait.ge @!p0 [sflag:s0], s1  }
0x32e: {  	s1 =	ssub.s32 @!p0 $0x0, s1;
	[sflag:s0] =	ssyncset.done @!p0 $0x0  }
0x32f: {  	[sflag:s0] =	ssyncadd.s32 @!p0 s1  }
0x330: {  	[bflag:$0x3] =	sbarrier.arrive $0xFFFF  }
0x331: {  	_ =	shalt  }

</sc_bundles>
